<compile_context>
chip_gen: v7x
topology: tpu7x:2x2x1
jax: 0.10.2.dev20260603
libtpu: 0.0.44.dev20260713+nightly
codegen_flags: <defaults>
</compile_context>

<pallas_src>
import math

import jax
import jax.numpy as jnp
from jax import lax
from jax.experimental import pallas as pl
from jax.experimental.pallas import tpu as pltpu
from jax.experimental.pallas import tpu_sc as plsc

N = 10000
E = 320000
D = 128
HID = 128
CA = 48
CB = HID - CA
G = 16
B = 8
EPS = 1e-5

NC = 2
NS = 16
NW = NC * NS
EPW = E // NW
C = 80
CH = EPW // C
RB = 1000
NBLK = N // RB
EB = 4000
NEBLK = E // EB
INV_SQRT_D = 1.0 / math.sqrt(float(HID))



def _sc_g_body(q_hbm, k_hbm, v_hbm, src_hbm, dst_hbm,
               qd_hbm, ks_hbm, vg_hbm,
               sidx, didx, qrows, krows, vrows, sem, semk, semv):
    cid = lax.axis_index("c")
    sid = lax.axis_index("s")
    wid = sid * NC + cid

    def _chunk(j, _):
        eoff = (wid * CH + j) * C
        pltpu.sync_copy(src_hbm.at[pl.ds(eoff, C)], sidx)
        pltpu.sync_copy(dst_hbm.at[pl.ds(eoff, C)], didx)
        c1 = pltpu.async_copy(q_hbm.at[didx], qrows, sem)
        c2 = pltpu.async_copy(k_hbm.at[sidx], krows, semk)
        c3 = pltpu.async_copy(v_hbm.at[sidx], vrows, semv)
        c1.wait(); c2.wait(); c3.wait()
        pltpu.sync_copy(qrows, qd_hbm.at[pl.ds(eoff, C), :])
        pltpu.sync_copy(krows, ks_hbm.at[pl.ds(eoff, C), :])
        pltpu.sync_copy(vrows, vg_hbm.at[pl.ds(eoff, C), :])
        return 0
    lax.fori_loop(0, CH, _chunk, 0)


def _sc_gather(q, k, v, src1, dst1):
    mesh = plsc.VectorSubcoreMesh(core_axis_name="c", subcore_axis_name="s")
    f = pl.kernel(
        _sc_g_body,
        out_type=(jax.ShapeDtypeStruct((E, HID), jnp.float32),
                  jax.ShapeDtypeStruct((E, HID), jnp.float32),
                  jax.ShapeDtypeStruct((E, HID), jnp.float32)),
        mesh=mesh,
        scratch_types=[
            pltpu.VMEM((C,), jnp.int32),
            pltpu.VMEM((C,), jnp.int32),
            pltpu.VMEM((C, HID), jnp.float32),
            pltpu.VMEM((C, HID), jnp.float32),
            pltpu.VMEM((C, HID), jnp.float32),
            pltpu.SemaphoreType.DMA,
            pltpu.SemaphoreType.DMA,
            pltpu.SemaphoreType.DMA,
        ],
    )
    return f(q, k, v, src1, dst1)



def _exs_body(qd, ks, vg, svA, svB, exw):
    s = jnp.sum(qd[...] * ks[...], axis=1, keepdims=True) * INV_SQRT_D
    ex = jnp.exp(s)
    svA[...] = ex * vg[:, 0:CA]
    svB[...] = ex * vg[:, CA:HID]
    exw[...] = jnp.broadcast_to(ex, (EB, 16))


def _exs(qd, ks, vg):
    return pl.pallas_call(
        _exs_body,
        grid=(NEBLK,),
        in_specs=[
            pl.BlockSpec((EB, HID), lambda i: (i, 0)),
            pl.BlockSpec((EB, HID), lambda i: (i, 0)),
            pl.BlockSpec((EB, HID), lambda i: (i, 0)),
        ],
        out_specs=(pl.BlockSpec((EB, CA), lambda i: (i, 0)),
                   pl.BlockSpec((EB, CB), lambda i: (i, 0)),
                   pl.BlockSpec((EB, 16), lambda i: (i, 0))),
        out_shape=(jax.ShapeDtypeStruct((E, CA), jnp.float32),
                   jax.ShapeDtypeStruct((E, CB), jnp.float32),
                   jax.ShapeDtypeStruct((E, 16), jnp.float32)),
    )(qd, ks, vg)



def _sc_sa_body(svA_hbm, exw_hbm, dst_hbm, za_hbm, zd_hbm,
                agg_hbm, den_hbm,
                didx, rows, rden, acc_agg, acc_den, sem):
    cid = lax.axis_index("c")
    sid = lax.axis_index("s")
    wid = sid * NC + cid

    @pl.when(sid == 0)
    def _():
        pltpu.sync_copy(za_hbm, acc_agg)
        pltpu.sync_copy(zd_hbm, acc_den)
    plsc.subcore_barrier()

    def _chunk(j, _):
        eoff = (wid * CH + j) * C
        pltpu.sync_copy(dst_hbm.at[pl.ds(eoff, C)], didx)
        pltpu.sync_copy(svA_hbm.at[pl.ds(eoff, C), :], rows)
        pltpu.sync_copy(exw_hbm.at[pl.ds(eoff, C), :], rden)
        pltpu.sync_copy(rows, acc_agg.at[didx], add=True)
        pltpu.sync_copy(rden, acc_den.at[didx], add=True)
        return 0
    lax.fori_loop(0, CH, _chunk, 0)

    plsc.subcore_barrier()

    @pl.when(sid == 0)
    def _():
        pltpu.sync_copy(acc_agg, agg_hbm.at[cid])
        pltpu.sync_copy(acc_den, den_hbm.at[cid])


def _sc_scatter_a(svA, exw, dst1):
    mesh = plsc.VectorSubcoreMesh(core_axis_name="c", subcore_axis_name="s")
    f = pl.kernel(
        _sc_sa_body,
        out_type=(jax.ShapeDtypeStruct((NC, N, CA), jnp.float32),
                  jax.ShapeDtypeStruct((NC, N, 16), jnp.float32)),
        mesh=mesh,
        scratch_types=[
            pltpu.VMEM((C,), jnp.int32),
            pltpu.VMEM((C, CA), jnp.float32),
            pltpu.VMEM((C, 16), jnp.float32),
            pltpu.VMEM_SHARED((N, CA), jnp.float32),
            pltpu.VMEM_SHARED((N, 16), jnp.float32),
            pltpu.SemaphoreType.DMA,
        ],
    )
    return f(svA, exw, dst1,
             jnp.zeros((N, CA), jnp.float32), jnp.zeros((N, 16), jnp.float32))



def _sc_sb_body(svB_hbm, dst_hbm, zb_hbm,
                agg_hbm,
                didx, rows, acc_agg, sem):
    cid = lax.axis_index("c")
    sid = lax.axis_index("s")
    wid = sid * NC + cid

    @pl.when(sid == 0)
    def _():
        pltpu.sync_copy(zb_hbm, acc_agg)
    plsc.subcore_barrier()

    def _chunk(j, _):
        eoff = (wid * CH + j) * C
        pltpu.sync_copy(dst_hbm.at[pl.ds(eoff, C)], didx)
        pltpu.sync_copy(svB_hbm.at[pl.ds(eoff, C), :], rows)
        pltpu.sync_copy(rows, acc_agg.at[didx], add=True)
        return 0
    lax.fori_loop(0, CH, _chunk, 0)

    plsc.subcore_barrier()

    @pl.when(sid == 0)
    def _():
        pltpu.sync_copy(acc_agg, agg_hbm.at[cid])


def _sc_scatter_b(svB, dst1):
    mesh = plsc.VectorSubcoreMesh(core_axis_name="c", subcore_axis_name="s")
    f = pl.kernel(
        _sc_sb_body,
        out_type=jax.ShapeDtypeStruct((NC, N, CB), jnp.float32),
        mesh=mesh,
        scratch_types=[
            pltpu.VMEM((C,), jnp.int32),
            pltpu.VMEM((C, CB), jnp.float32),
            pltpu.VMEM_SHARED((N, CB), jnp.float32),
            pltpu.SemaphoreType.DMA,
        ],
    )
    return f(svB, dst1, jnp.zeros((N, CB), jnp.float32))



def _lin_body(h_ref, w_ref, b_ref, oq, ok, ov, os_):
    z = jnp.dot(h_ref[...], w_ref[...],
                preferred_element_type=jnp.float32) + b_ref[...]
    oq[...] = z[:, 0:HID]
    ok[...] = z[:, HID:2 * HID]
    ov[...] = z[:, 2 * HID:3 * HID]
    os_[...] = z[:, 3 * HID:4 * HID]


_OUT4 = (jax.ShapeDtypeStruct((N, HID), jnp.float32),
         jax.ShapeDtypeStruct((N, HID), jnp.float32),
         jax.ShapeDtypeStruct((N, HID), jnp.float32),
         jax.ShapeDtypeStruct((N, HID), jnp.float32))

_SPEC4 = tuple(pl.BlockSpec((RB, HID), lambda i: (i, 0)) for _ in range(4))


def _lin(h, wall, ball):
    return pl.pallas_call(
        _lin_body,
        grid=(NBLK,),
        in_specs=[
            pl.BlockSpec((RB, HID), lambda i: (i, 0)),
            pl.BlockSpec((HID, 4 * HID), lambda i: (0, 0)),
            pl.BlockSpec((1, 4 * HID), lambda i: (0, 0)),
        ],
        out_specs=_SPEC4,
        out_shape=_OUT4,
    )(h, wall, ball)


def _comb_body(a0, a1, b0, b1, d0, d1, skip, hpre, stats):
    i = pl.program_id(0)
    den = jnp.sum(d0[0] + d1[0], axis=1, keepdims=True) * (1.0 / 16.0)
    agg = jnp.concatenate([a0[0] + a1[0], b0[0] + b1[0]], axis=1)
    y = agg / (den + 1e-16) + skip[...]
    hpre[...] = y

    @pl.when(i == 0)
    def _():
        stats[...] = jnp.zeros_like(stats)
    stats[0:1, :] += jnp.sum(y, axis=0, keepdims=True)
    stats[1:2, :] += jnp.sum(y * y, axis=0, keepdims=True)


def _comb(aggA, aggB, den, skip):
    return pl.pallas_call(
        _comb_body,
        grid=(NBLK,),
        in_specs=[
            pl.BlockSpec((1, RB, CA), lambda i: (0, i, 0)),
            pl.BlockSpec((1, RB, CA), lambda i: (1, i, 0)),
            pl.BlockSpec((1, RB, CB), lambda i: (0, i, 0)),
            pl.BlockSpec((1, RB, CB), lambda i: (1, i, 0)),
            pl.BlockSpec((1, RB, 16), lambda i: (0, i, 0)),
            pl.BlockSpec((1, RB, 16), lambda i: (1, i, 0)),
            pl.BlockSpec((RB, HID), lambda i: (i, 0)),
        ],
        out_specs=(pl.BlockSpec((RB, HID), lambda i: (i, 0)),
                   pl.BlockSpec((8, HID), lambda i: (0, 0))),
        out_shape=(jax.ShapeDtypeStruct((N, HID), jnp.float32),
                   jax.ShapeDtypeStruct((8, HID), jnp.float32)),
    )(aggA, aggA, aggB, aggB, den, den, skip)


def _bnlin_body(hpre, stats, g, beta, w_ref, b_ref, oq, ok, ov, os_):
    m = stats[0:1, :] * (1.0 / N)
    var = stats[1:2, :] * (1.0 / N) - m * m
    xn = (hpre[...] - m) * lax.rsqrt(var + EPS) * g[...] + beta[...]
    h = jnp.maximum(xn, 0.0)
    z = jnp.dot(h, w_ref[...], preferred_element_type=jnp.float32) + b_ref[...]
    oq[...] = z[:, 0:HID]
    ok[...] = z[:, HID:2 * HID]
    ov[...] = z[:, 2 * HID:3 * HID]
    os_[...] = z[:, 3 * HID:4 * HID]


def _bnlin(hpre, stats, g, beta, wall, ball):
    return pl.pallas_call(
        _bnlin_body,
        grid=(NBLK,),
        in_specs=[
            pl.BlockSpec((RB, HID), lambda i: (i, 0)),
            pl.BlockSpec((8, HID), lambda i: (0, 0)),
            pl.BlockSpec((1, HID), lambda i: (0, 0)),
            pl.BlockSpec((1, HID), lambda i: (0, 0)),
            pl.BlockSpec((HID, 4 * HID), lambda i: (0, 0)),
            pl.BlockSpec((1, 4 * HID), lambda i: (0, 0)),
        ],
        out_specs=_SPEC4,
        out_shape=_OUT4,
    )(hpre, stats, g, beta, wall, ball)


def _head_body(hpre, stats, g, beta, ptr_ref, gf, wh, wg, bfc, w2, b2, out):
    i = pl.program_id(0)
    m = stats[0:1, :] * (1.0 / N)
    var = stats[1:2, :] * (1.0 / N) - m * m
    xn = (hpre[...] - m) * lax.rsqrt(var + EPS) * g[...] + beta[...]
    h = jnp.maximum(xn, 0.0)

    rows = i * RB + lax.broadcasted_iota(jnp.int32, (RB, 1), 0)
    gid = jnp.zeros((RB, 1), jnp.int32)
    for b in range(1, B):
        gid = gid + (rows >= ptr_ref[b]).astype(jnp.int32)
    gcon = jnp.dot(gf[...], wg[...], preferred_element_type=jnp.float32)
    gsel = jnp.zeros((RB, HID), jnp.float32)
    for b in range(B):
        gsel = jnp.where(gid == b, gcon[b:b + 1, :], gsel)

    h2 = jnp.maximum(jnp.dot(h, wh[...], preferred_element_type=jnp.float32)
                     + gsel + bfc[...], 0.0)
    out[...] = jnp.dot(h2, w2[...], preferred_element_type=jnp.float32) + b2[...]


def _head(hpre, stats, g, beta, ptr, gf, wh, wg, bfc, w2p, b2p):
    return pl.pallas_call(
        _head_body,
        grid=(NBLK,),
        in_specs=[
            pl.BlockSpec((RB, HID), lambda i: (i, 0)),
            pl.BlockSpec((8, HID), lambda i: (0, 0)),
            pl.BlockSpec((1, HID), lambda i: (0, 0)),
            pl.BlockSpec((1, HID), lambda i: (0, 0)),
            pl.BlockSpec(memory_space=pltpu.MemorySpace.SMEM),
            pl.BlockSpec((B, G), lambda i: (0, 0)),
            pl.BlockSpec((HID, HID), lambda i: (0, 0)),
            pl.BlockSpec((G, HID), lambda i: (0, 0)),
            pl.BlockSpec((1, HID), lambda i: (0, 0)),
            pl.BlockSpec((HID, 8), lambda i: (0, 0)),
            pl.BlockSpec((1, 8), lambda i: (0, 0)),
        ],
        out_specs=pl.BlockSpec((RB, 8), lambda i: (i, 0)),
        out_shape=jax.ShapeDtypeStruct((N, 8), jnp.float32),
    )(hpre, stats, g, beta, ptr, gf, wh, wg, bfc, w2p, b2p)



def _layer(h, src1, dst1, lin_fn):
    q, k, v, skip = lin_fn(h)
    qd, ks, vg = _sc_gather(q, k, v, src1, dst1)
    svA, svB, exw = _exs(qd, ks, vg)
    aggA, den = _sc_scatter_a(svA, exw, dst1)
    aggB = _sc_scatter_b(svB, dst1)
    return _comb(aggA, aggB, den, skip)


def kernel(x, edge_index, ptr, global_features, params):
    p = params
    src1 = edge_index[0]
    dst1 = edge_index[1]

    wall0 = jnp.concatenate([p['Wq0'], p['Wk0'], p['Wv0'], p['Ws0']], axis=1)
    ball0 = jnp.concatenate([p['bq0'], p['bk0'], p['bv0'], p['bs0']])[None, :]
    wall1 = jnp.concatenate([p['Wq1'], p['Wk1'], p['Wv1'], p['Ws1']], axis=1)
    ball1 = jnp.concatenate([p['bq1'], p['bk1'], p['bv1'], p['bs1']])[None, :]

    hpre0, stats0 = _layer(x, src1, dst1, lambda h: _lin(h, wall0, ball0))
    hpre1, stats1 = _layer(hpre0, src1, dst1,
                           lambda h: _bnlin(h, stats0, p['g0'][None, :],
                                            p['beta0'][None, :], wall1, ball1))

    w2p = jnp.concatenate([p['Wfc2'], jnp.zeros((HID, 7), jnp.float32)], axis=1)
    b2p = jnp.concatenate([p['bfc2'], jnp.zeros((7,), jnp.float32)])[None, :]
    out8 = _head(hpre1, stats1, p['g1'][None, :], p['beta1'][None, :],
                 ptr, global_features,
                 p['Wfc'][:HID], p['Wfc'][HID:], p['bfc'][None, :],
                 w2p, b2p)
    return out8[:, 0]

# --- scband reference (transcript-rebuilt; emitter-appended) ---
"""Pipeline reference for scband-gqn-77000173683416 (READ-ONLY COPY).

The authoritative reference and input builder live on the scoring server;
editing this copy changes nothing except your own understanding.
"""

import jax, jax.numpy as jnp
import numpy as np

N = 10000
E = 320000
D = 128
HID = 128
G = 16
B = 8
EPS = 1e-5


def _conv(x, src, dst, Wq, bq, Wk, bk, Wv, bv, Ws, bs):
    # PyG TransformerConv, heads=1, concat=True, root_weight=True, beta=False, no edge_attr
    q = x @ Wq + bq
    k = x @ Wk + bk
    v = x @ Wv + bv
    d = q.shape[-1]
    scores = jnp.sum(q[dst] * k[src], axis=-1) / jnp.sqrt(jnp.float32(d))
    smax = jax.ops.segment_max(scores, dst, num_segments=x.shape[0])
    smax = jnp.where(jnp.isfinite(smax), smax, 0.0)
    ex = jnp.exp(scores - smax[dst])
    den = jax.ops.segment_sum(ex, dst, num_segments=x.shape[0])
    alpha = ex / (den[dst] + 1e-16)
    agg = jax.ops.segment_sum(alpha[:, None] * v[src], dst, num_segments=x.shape[0])
    return agg + x @ Ws + bs


def _bn(x, g, b):
    # BatchNorm1d, training-mode batch statistics (biased variance), eps=1e-5
    m = jnp.mean(x, axis=0)
    v = jnp.mean((x - m) ** 2, axis=0)
    return (x - m) / jnp.sqrt(v + EPS) * g + b


def _forward(x, gf, p, src, dst, counts):
    h = x
    for i in range(2):
        h = _conv(h, src, dst, p['Wq%d' % i], p['bq%d' % i], p['Wk%d' % i], p['bk%d' % i],
                  p['Wv%d' % i], p['bv%d' % i], p['Ws%d' % i], p['bs%d' % i])
        h = _bn(h, p['g%d' % i], p['beta%d' % i])
        h = jax.nn.relu(h)
    gids = jnp.repeat(jnp.arange(counts.shape[0]), counts, total_repeat_length=h.shape[0])
    rep = gf[gids]
    h = jnp.concatenate([h, rep], axis=1)
    h = jax.nn.relu(h @ p['Wfc'] + p['bfc'])
    out = h @ p['Wfc2'] + p['bfc2']
    return out[:, 0]


def setup_inputs(seed: int = 0):
    key = jax.random.key(seed)
    nk = lambda i: jax.random.fold_in(key, i)
    x = jax.random.normal(nk(0), (N, D), jnp.float32)
    edge_index = jax.random.randint(nk(1), (2, E), 0, N, dtype=jnp.int32)
    ptr = (jnp.arange(B + 1) * (N // B)).astype(jnp.int32)
    gf = jax.random.normal(nk(2), (B, G), jnp.float32)
    p = {}
    ki = 3
    for i in range(2):
        in_dim = D if i == 0 else HID
        for nm in ['Wq', 'Wk', 'Wv', 'Ws']:
            p['%s%d' % (nm, i)] = jax.random.normal(nk(ki), (in_dim, HID), jnp.float32) * 0.05
            ki += 1
        for nm in ['bq', 'bk', 'bv', 'bs']:
            p['%s%d' % (nm, i)] = jax.random.normal(nk(ki), (HID,), jnp.float32) * 0.01
            ki += 1
        p['g%d' % i] = jnp.ones((HID,), jnp.float32)
        p['beta%d' % i] = jnp.zeros((HID,), jnp.float32)
    p['Wfc'] = jax.random.normal(nk(ki), (HID + G, HID), jnp.float32) * 0.05; ki += 1
    p['bfc'] = jnp.zeros((HID,), jnp.float32)
    p['Wfc2'] = jax.random.normal(nk(ki), (HID, 1), jnp.float32) * 0.05; ki += 1
    p['bfc2'] = jnp.zeros((1,), jnp.float32)
    return {'x': x, 'edge_index': edge_index, 'ptr': ptr, 'global_features': gf, 'params': p}


def reference(x, edge_index, ptr, global_features, params):
    src = edge_index[0]
    dst = edge_index[1]
    counts = ptr[1:] - ptr[:-1]
    return _forward(x, global_features, params, src, dst, counts)

if __name__ == "__main__":
    import jax
    _d = setup_inputs()
    print(jax.jit(kernel)(*tuple(_d.values())))

</pallas_src>

<mosaic_0001>
#map = affine_map<(d0, d1) -> (0, 0)>
#map1 = affine_map<(d0, d1) -> (0)>
module attributes {stable_mosaic.version = 14 : i64} {
  func.func @_sc_g_body(%arg0: i32, %arg1: i32, %arg2: memref<10000x128xf32, #tpu.memory_space<hbm>>, %arg3: memref<10000x128xf32, #tpu.memory_space<hbm>>, %arg4: memref<10000x128xf32, #tpu.memory_space<hbm>>, %arg5: memref<320000xi32, #tpu.memory_space<hbm>>, %arg6: memref<320000xi32, #tpu.memory_space<hbm>>, %arg7: memref<320000x128xf32, #tpu.memory_space<hbm>>, %arg8: memref<320000x128xf32, #tpu.memory_space<hbm>>, %arg9: memref<320000x128xf32, #tpu.memory_space<hbm>>, %arg10: memref<80xi32, #tpu.memory_space<vmem>>, %arg11: memref<80xi32, #tpu.memory_space<vmem>>, %arg12: memref<80x128xf32, #tpu.memory_space<vmem>>, %arg13: memref<80x128xf32, #tpu.memory_space<vmem>>, %arg14: memref<80x128xf32, #tpu.memory_space<vmem>>, %arg15: memref<!tpu.dma_semaphore, #tpu.memory_space<semaphore_mem>>, %arg16: memref<!tpu.dma_semaphore, #tpu.memory_space<semaphore_mem>>, %arg17: memref<!tpu.dma_semaphore, #tpu.memory_space<semaphore_mem>>) attributes {dimension_semantics = [#tpu.dimension_semantics<core_parallel>, #tpu.dimension_semantics<subcore_parallel>], iteration_bounds = array<i64: 2, 16>, scalar_prefetch = 0 : i64, scratch_operands = 8 : i64, tpu.core_type = #tpu.core_type<sc_vector_subcore>, window_params = [{transform_indices = #map}, {transform_indices = #map}, {transform_indices = #map}, {transform_indices = #map1}, {transform_indices = #map1}, {transform_indices = #map}, {transform_indices = #map}, {transform_indices = #map}]} {
    %mul3A = arith.constant 2 : i32
    %mul3A_0 = arith.muli %arg1, %mul3A : i32
    %add3A = arith.addi %mul3A_0, %arg0 : i32
    %scan3A = arith.constant 0 : i32
    %scan3A_1 = arith.constant 0 : i32
    %scan3A_2 = arith.constant 125 : i32
    %scan3A_3 = arith.addi %scan3A_1, %scan3A_2 : i32
    %scan3A_4 = arith.constant 1 : i32
    %scan3A_5 = scf.for %scan3A_7 = %scan3A_1 to %scan3A_3 step %scan3A_4 iter_args(%scan3A_8 = %scan3A) -> (i32)  : i32 {
      %mul3A_9 = arith.constant 125 : i32
      %mul3A_10 = arith.muli %add3A, %mul3A_9 : i32
      %add3A_11 = arith.addi %mul3A_10, %scan3A_7 : i32
      %mul3A_12 = arith.constant 80 : i32
      %mul3A_13 = arith.muli %add3A_11, %mul3A_12 : i32
      "tpu.region"() ({
        %run_scoped3A = tpu.sem_alloc : memref<!tpu.dma_semaphore, #tpu.memory_space<semaphore_mem>>
        %dma_start3A_31 = tpu.memref_slice %arg5[%mul3A_13] : memref<320000xi32, #tpu.memory_space<hbm>> -> memref<80xi32, #tpu.memory_space<hbm>>
        %dma_start3A_32 = tpu.memref_slice %arg5[%mul3A_13] : memref<320000xi32, #tpu.memory_space<hbm>> -> memref<80xi32, #tpu.memory_space<hbm>>
        tpu.enqueue_dma source(%dma_start3A_32 : memref<80xi32, #tpu.memory_space<hbm>>) target(%arg10 : memref<80xi32, #tpu.memory_space<vmem>>) target_semaphore(%run_scoped3A : memref<!tpu.dma_semaphore, #tpu.memory_space<semaphore_mem>>)
        %dma_wait3A_33 = tpu.memref_slice %arg5[%mul3A_13] : memref<320000xi32, #tpu.memory_space<hbm>> -> memref<80xi32, #tpu.memory_space<hbm>>
        %dma_wait3A_34 = tpu.memref_slice %arg5[%mul3A_13] : memref<320000xi32, #tpu.memory_space<hbm>> -> memref<80xi32, #tpu.memory_space<hbm>>
        tpu.wait_dma2 semaphore(%run_scoped3A : memref<!tpu.dma_semaphore, #tpu.memory_space<semaphore_mem>>) src(%dma_wait3A_34 : memref<80xi32, #tpu.memory_space<hbm>>) dst(%arg10 : memref<80xi32, #tpu.memory_space<vmem>>)
        tpu.yield
      }) : () -> ()
      "tpu.region"() ({
        %run_scoped3A = tpu.sem_alloc : memref<!tpu.dma_semaphore, #tpu.memory_space<semaphore_mem>>
        %dma_start3A_31 = tpu.memref_slice %arg6[%mul3A_13] : memref<320000xi32, #tpu.memory_space<hbm>> -> memref<80xi32, #tpu.memory_space<hbm>>
        %dma_start3A_32 = tpu.memref_slice %arg6[%mul3A_13] : memref<320000xi32, #tpu.memory_space<hbm>> -> memref<80xi32, #tpu.memory_space<hbm>>
        tpu.enqueue_dma source(%dma_start3A_32 : memref<80xi32, #tpu.memory_space<hbm>>) target(%arg11 : memref<80xi32, #tpu.memory_space<vmem>>) target_semaphore(%run_scoped3A : memref<!tpu.dma_semaphore, #tpu.memory_space<semaphore_mem>>)
        %dma_wait3A_33 = tpu.memref_slice %arg6[%mul3A_13] : memref<320000xi32, #tpu.memory_space<hbm>> -> memref<80xi32, #tpu.memory_space<hbm>>
        %dma_wait3A_34 = tpu.memref_slice %arg6[%mul3A_13] : memref<320000xi32, #tpu.memory_space<hbm>> -> memref<80xi32, #tpu.memory_space<hbm>>
        tpu.wait_dma2 semaphore(%run_scoped3A : memref<!tpu.dma_semaphore, #tpu.memory_space<semaphore_mem>>) src(%dma_wait3A_34 : memref<80xi32, #tpu.memory_space<hbm>>) dst(%arg11 : memref<80xi32, #tpu.memory_space<vmem>>)
        tpu.yield
      }) : () -> ()
      %dma_start3A = arith.constant 0 : i32
      %dma_start3A_14 = arith.constant 0 : i32
      %dma_start3A_15 = tpu.memref_slice %arg2[%dma_start3A, %dma_start3A_14] : memref<10000x128xf32, #tpu.memory_space<hbm>> -> memref<10000x128xf32, #tpu.memory_space<hbm>>
      tpu.enqueue_indirect_dma source(%dma_start3A_15 : memref<10000x128xf32, #tpu.memory_space<hbm>>) target(%arg12 : memref<80x128xf32, #tpu.memory_space<vmem>>) offsets(%arg11 : memref<80xi32, #tpu.memory_space<vmem>>) semaphore(%arg15 : memref<!tpu.dma_semaphore, #tpu.memory_space<semaphore_mem>>)
      %dma_start3A_16 = arith.constant 0 : i32
      %dma_start3A_17 = arith.constant 0 : i32
      %dma_start3A_18 = tpu.memref_slice %arg3[%dma_start3A_16, %dma_start3A_17] : memref<10000x128xf32, #tpu.memory_space<hbm>> -> memref<10000x128xf32, #tpu.memory_space<hbm>>
      tpu.enqueue_indirect_dma source(%dma_start3A_18 : memref<10000x128xf32, #tpu.memory_space<hbm>>) target(%arg13 : memref<80x128xf32, #tpu.memory_space<vmem>>) offsets(%arg10 : memref<80xi32, #tpu.memory_space<vmem>>) semaphore(%arg16 : memref<!tpu.dma_semaphore, #tpu.memory_space<semaphore_mem>>)
      %dma_start3A_19 = arith.constant 0 : i32
      %dma_start3A_20 = arith.constant 0 : i32
      %dma_start3A_21 = tpu.memref_slice %arg4[%dma_start3A_19, %dma_start3A_20] : memref<10000x128xf32, #tpu.memory_space<hbm>> -> memref<10000x128xf32, #tpu.memory_space<hbm>>
      tpu.enqueue_indirect_dma source(%dma_start3A_21 : memref<10000x128xf32, #tpu.memory_space<hbm>>) target(%arg14 : memref<80x128xf32, #tpu.memory_space<vmem>>) offsets(%arg10 : memref<80xi32, #tpu.memory_space<vmem>>) semaphore(%arg17 : memref<!tpu.dma_semaphore, #tpu.memory_space<semaphore_mem>>)
      %dma_wait3A = arith.constant 0 : i32
      %dma_wait3A_22 = arith.constant 0 : i32
      %dma_wait3A_23 = tpu.memref_slice %arg2[%dma_wait3A, %dma_wait3A_22] : memref<10000x128xf32, #tpu.memory_space<hbm>> -> memref<10000x128xf32, #tpu.memory_space<hbm>>
      tpu.wait_indirect_dma semaphore(%arg15 : memref<!tpu.dma_semaphore, #tpu.memory_space<semaphore_mem>>) src(%dma_wait3A_23 : memref<10000x128xf32, #tpu.memory_space<hbm>>) dst(%arg12 : memref<80x128xf32, #tpu.memory_space<vmem>>)
      %dma_wait3A_24 = arith.constant 0 : i32
      %dma_wait3A_25 = arith.constant 0 : i32
      %dma_wait3A_26 = tpu.memref_slice %arg3[%dma_wait3A_24, %dma_wait3A_25] : memref<10000x128xf32, #tpu.memory_space<hbm>> -> memref<10000x128xf32, #tpu.memory_space<hbm>>
      tpu.wait_indirect_dma semaphore(%arg16 : memref<!tpu.dma_semaphore, #tpu.memory_space<semaphore_mem>>) src(%dma_wait3A_26 : memref<10000x128xf32, #tpu.memory_space<hbm>>) dst(%arg13 : memref<80x128xf32, #tpu.memory_space<vmem>>)
      %dma_wait3A_27 = arith.constant 0 : i32
      %dma_wait3A_28 = arith.constant 0 : i32
      %dma_wait3A_29 = tpu.memref_slice %arg4[%dma_wait3A_27, %dma_wait3A_28] : memref<10000x128xf32, #tpu.memory_space<hbm>> -> memref<10000x128xf32, #tpu.memory_space<hbm>>
      tpu.wait_indirect_dma semaphore(%arg17 : memref<!tpu.dma_semaphore, #tpu.memory_space<semaphore_mem>>) src(%dma_wait3A_29 : memref<10000x128xf32, #tpu.memory_space<hbm>>) dst(%arg14 : memref<80x128xf32, #tpu.memory_space<vmem>>)
      "tpu.region"() ({
        %run_scoped3A = tpu.sem_alloc : memref<!tpu.dma_semaphore, #tpu.memory_space<semaphore_mem>>
        %dma_start3A_31 = arith.constant 0 : i32
        %dma_start3A_32 = tpu.memref_slice %arg7[%mul3A_13, %dma_start3A_31] : memref<320000x128xf32, #tpu.memory_space<hbm>> -> memref<80x128xf32, #tpu.memory_space<hbm>>
        %dma_start3A_33 = arith.constant 0 : i32
        %dma_start3A_34 = tpu.memref_slice %arg7[%mul3A_13, %dma_start3A_33] : memref<320000x128xf32, #tpu.memory_space<hbm>> -> memref<80x128xf32, #tpu.memory_space<hbm>>
        tpu.enqueue_dma source(%arg12 : memref<80x128xf32, #tpu.memory_space<vmem>>) target(%dma_start3A_34 : memref<80x128xf32, #tpu.memory_space<hbm>>) target_semaphore(%run_scoped3A : memref<!tpu.dma_semaphore, #tpu.memory_space<semaphore_mem>>)
        %dma_wait3A_35 = arith.constant 0 : i32
        %dma_wait3A_36 = tpu.memref_slice %arg7[%mul3A_13, %dma_wait3A_35] : memref<320000x128xf32, #tpu.memory_space<hbm>> -> memref<80x128xf32, #tpu.memory_space<hbm>>
        %dma_wait3A_37 = arith.constant 0 : i32
        %dma_wait3A_38 = tpu.memref_slice %arg7[%mul3A_13, %dma_wait3A_37] : memref<320000x128xf32, #tpu.memory_space<hbm>> -> memref<80x128xf32, #tpu.memory_space<hbm>>
        tpu.wait_dma2 semaphore(%run_scoped3A : memref<!tpu.dma_semaphore, #tpu.memory_space<semaphore_mem>>) src(%arg12 : memref<80x128xf32, #tpu.memory_space<vmem>>) dst(%dma_wait3A_38 : memref<80x128xf32, #tpu.memory_space<hbm>>)
        tpu.yield
      }) : () -> ()
      "tpu.region"() ({
        %run_scoped3A = tpu.sem_alloc : memref<!tpu.dma_semaphore, #tpu.memory_space<semaphore_mem>>
        %dma_start3A_31 = arith.constant 0 : i32
        %dma_start3A_32 = tpu.memref_slice %arg8[%mul3A_13, %dma_start3A_31] : memref<320000x128xf32, #tpu.memory_space<hbm>> -> memref<80x128xf32, #tpu.memory_space<hbm>>
        %dma_start3A_33 = arith.constant 0 : i32
        %dma_start3A_34 = tpu.memref_slice %arg8[%mul3A_13, %dma_start3A_33] : memref<320000x128xf32, #tpu.memory_space<hbm>> -> memref<80x128xf32, #tpu.memory_space<hbm>>
        tpu.enqueue_dma source(%arg13 : memref<80x128xf32, #tpu.memory_space<vmem>>) target(%dma_start3A_34 : memref<80x128xf32, #tpu.memory_space<hbm>>) target_semaphore(%run_scoped3A : memref<!tpu.dma_semaphore, #tpu.memory_space<semaphore_mem>>)
        %dma_wait3A_35 = arith.constant 0 : i32
        %dma_wait3A_36 = tpu.memref_slice %arg8[%mul3A_13, %dma_wait3A_35] : memref<320000x128xf32, #tpu.memory_space<hbm>> -> memref<80x128xf32, #tpu.memory_space<hbm>>
        %dma_wait3A_37 = arith.constant 0 : i32
        %dma_wait3A_38 = tpu.memref_slice %arg8[%mul3A_13, %dma_wait3A_37] : memref<320000x128xf32, #tpu.memory_space<hbm>> -> memref<80x128xf32, #tpu.memory_space<hbm>>
        tpu.wait_dma2 semaphore(%run_scoped3A : memref<!tpu.dma_semaphore, #tpu.memory_space<semaphore_mem>>) src(%arg13 : memref<80x128xf32, #tpu.memory_space<vmem>>) dst(%dma_wait3A_38 : memref<80x128xf32, #tpu.memory_space<hbm>>)
        tpu.yield
      }) : () -> ()
      "tpu.region"() ({
        %run_scoped3A = tpu.sem_alloc : memref<!tpu.dma_semaphore, #tpu.memory_space<semaphore_mem>>
        %dma_start3A_31 = arith.constant 0 : i32
        %dma_start3A_32 = tpu.memref_slice %arg9[%mul3A_13, %dma_start3A_31] : memref<320000x128xf32, #tpu.memory_space<hbm>> -> memref<80x128xf32, #tpu.memory_space<hbm>>
        %dma_start3A_33 = arith.constant 0 : i32
        %dma_start3A_34 = tpu.memref_slice %arg9[%mul3A_13, %dma_start3A_33] : memref<320000x128xf32, #tpu.memory_space<hbm>> -> memref<80x128xf32, #tpu.memory_space<hbm>>
        tpu.enqueue_dma source(%arg14 : memref<80x128xf32, #tpu.memory_space<vmem>>) target(%dma_start3A_34 : memref<80x128xf32, #tpu.memory_space<hbm>>) target_semaphore(%run_scoped3A : memref<!tpu.dma_semaphore, #tpu.memory_space<semaphore_mem>>)
        %dma_wait3A_35 = arith.constant 0 : i32
        %dma_wait3A_36 = tpu.memref_slice %arg9[%mul3A_13, %dma_wait3A_35] : memref<320000x128xf32, #tpu.memory_space<hbm>> -> memref<80x128xf32, #tpu.memory_space<hbm>>
        %dma_wait3A_37 = arith.constant 0 : i32
        %dma_wait3A_38 = tpu.memref_slice %arg9[%mul3A_13, %dma_wait3A_37] : memref<320000x128xf32, #tpu.memory_space<hbm>> -> memref<80x128xf32, #tpu.memory_space<hbm>>
        tpu.wait_dma2 semaphore(%run_scoped3A : memref<!tpu.dma_semaphore, #tpu.memory_space<semaphore_mem>>) src(%arg14 : memref<80x128xf32, #tpu.memory_space<vmem>>) dst(%dma_wait3A_38 : memref<80x128xf32, #tpu.memory_space<hbm>>)
        tpu.yield
      }) : () -> ()
      %scan3A_30 = arith.constant 0 : i32
      scf.yield %scan3A_30 : i32
    }
    %scan3A_6 = arith.constant 125 : i32
    return
  }
}

#map = affine_map<(d0, d1) -> (0, 0)>
#map1 = affine_map<(d0, d1) -> (0)>
module attributes {stable_mosaic.version = 14 : i64} {
  func.func @_sc_g_body(%arg0: i32, %arg1: i32, %arg2: memref<10000x128xf32, #tpu.memory_space<hbm>>, %arg3: memref<10000x128xf32, #tpu.memory_space<hbm>>, %arg4: memref<10000x128xf32, #tpu.memory_space<hbm>>, %arg5: memref<320000xi32, #tpu.memory_space<hbm>>, %arg6: memref<320000xi32, #tpu.memory_space<hbm>>, %arg7: memref<320000x128xf32, #tpu.memory_space<hbm>>, %arg8: memref<320000x128xf32, #tpu.memory_space<hbm>>, %arg9: memref<320000x128xf32, #tpu.memory_space<hbm>>, %arg10: memref<80xi32, #tpu.memory_space<vmem>>, %arg11: memref<80xi32, #tpu.memory_space<vmem>>, %arg12: memref<80x128xf32, #tpu.memory_space<vmem>>, %arg13: memref<80x128xf32, #tpu.memory_space<vmem>>, %arg14: memref<80x128xf32, #tpu.memory_space<vmem>>, %arg15: memref<!tpu.dma_semaphore, #tpu.memory_space<semaphore_mem>>, %arg16: memref<!tpu.dma_semaphore, #tpu.memory_space<semaphore_mem>>, %arg17: memref<!tpu.dma_semaphore, #tpu.memory_space<semaphore_mem>>) attributes {dimension_semantics = [#tpu.dimension_semantics<core_parallel>, #tpu.dimension_semantics<subcore_parallel>], iteration_bounds = array<i64: 2, 16>, scalar_prefetch = 0 : i64, scratch_operands = 8 : i64, tpu.core_type = #tpu.core_type<sc_vector_subcore>, window_params = [{transform_indices = #map}, {transform_indices = #map}, {transform_indices = #map}, {transform_indices = #map1}, {transform_indices = #map1}, {transform_indices = #map}, {transform_indices = #map}, {transform_indices = #map}]} {
    %mul3A = arith.constant 2 : i32
    %mul3A_0 = arith.muli %arg1, %mul3A : i32
    %add3A = arith.addi %mul3A_0, %arg0 : i32
    %scan3A = arith.constant 0 : i32
    %scan3A_1 = arith.constant 0 : i32
    %scan3A_2 = arith.constant 125 : i32
    %scan3A_3 = arith.addi %scan3A_1, %scan3A_2 : i32
    %scan3A_4 = arith.constant 1 : i32
    %scan3A_5 = scf.for %scan3A_7 = %scan3A_1 to %scan3A_3 step %scan3A_4 iter_args(%scan3A_8 = %scan3A) -> (i32)  : i32 {
      %mul3A_9 = arith.constant 125 : i32
      %mul3A_10 = arith.muli %add3A, %mul3A_9 : i32
      %add3A_11 = arith.addi %mul3A_10, %scan3A_7 : i32
      %mul3A_12 = arith.constant 80 : i32
      %mul3A_13 = arith.muli %add3A_11, %mul3A_12 : i32
      "tpu.region"() ({
        %run_scoped3A = tpu.sem_alloc : memref<!tpu.dma_semaphore, #tpu.memory_space<semaphore_mem>>
        %dma_start3A_31 = tpu.memref_slice %arg5[%mul3A_13] : memref<320000xi32, #tpu.memory_space<hbm>> -> memref<80xi32, #tpu.memory_space<hbm>>
        %dma_start3A_32 = tpu.memref_slice %arg5[%mul3A_13] : memref<320000xi32, #tpu.memory_space<hbm>> -> memref<80xi32, #tpu.memory_space<hbm>>
        tpu.enqueue_dma source(%dma_start3A_32 : memref<80xi32, #tpu.memory_space<hbm>>) target(%arg10 : memref<80xi32, #tpu.memory_space<vmem>>) target_semaphore(%run_scoped3A : memref<!tpu.dma_semaphore, #tpu.memory_space<semaphore_mem>>)
        %dma_wait3A_33 = tpu.memref_slice %arg5[%mul3A_13] : memref<320000xi32, #tpu.memory_space<hbm>> -> memref<80xi32, #tpu.memory_space<hbm>>
        %dma_wait3A_34 = tpu.memref_slice %arg5[%mul3A_13] : memref<320000xi32, #tpu.memory_space<hbm>> -> memref<80xi32, #tpu.memory_space<hbm>>
        tpu.wait_dma2 semaphore(%run_scoped3A : memref<!tpu.dma_semaphore, #tpu.memory_space<semaphore_mem>>) src(%dma_wait3A_34 : memref<80xi32, #tpu.memory_space<hbm>>) dst(%arg10 : memref<80xi32, #tpu.memory_space<vmem>>)
        tpu.yield
      }) : () -> ()
      "tpu.region"() ({
        %run_scoped3A = tpu.sem_alloc : memref<!tpu.dma_semaphore, #tpu.memory_space<semaphore_mem>>
        %dma_start3A_31 = tpu.memref_slice %arg6[%mul3A_13] : memref<320000xi32, #tpu.memory_space<hbm>> -> memref<80xi32, #tpu.memory_space<hbm>>
        %dma_start3A_32 = tpu.memref_slice %arg6[%mul3A_13] : memref<320000xi32, #tpu.memory_space<hbm>> -> memref<80xi32, #tpu.memory_space<hbm>>
        tpu.enqueue_dma source(%dma_start3A_32 : memref<80xi32, #tpu.memory_space<hbm>>) target(%arg11 : memref<80xi32, #tpu.memory_space<vmem>>) target_semaphore(%run_scoped3A : memref<!tpu.dma_semaphore, #tpu.memory_space<semaphore_mem>>)
        %dma_wait3A_33 = tpu.memref_slice %arg6[%mul3A_13] : memref<320000xi32, #tpu.memory_space<hbm>> -> memref<80xi32, #tpu.memory_space<hbm>>
        %dma_wait3A_34 = tpu.memref_slice %arg6[%mul3A_13] : memref<320000xi32, #tpu.memory_space<hbm>> -> memref<80xi32, #tpu.memory_space<hbm>>
        tpu.wait_dma2 semaphore(%run_scoped3A : memref<!tpu.dma_semaphore, #tpu.memory_space<semaphore_mem>>) src(%dma_wait3A_34 : memref<80xi32, #tpu.memory_space<hbm>>) dst(%arg11 : memref<80xi32, #tpu.memory_space<vmem>>)
        tpu.yield
      }) : () -> ()
      %dma_start3A = arith.constant 0 : i32
      %dma_start3A_14 = arith.constant 0 : i32
      %dma_start3A_15 = tpu.memref_slice %arg2[%dma_start3A, %dma_start3A_14] : memref<10000x128xf32, #tpu.memory_space<hbm>> -> memref<10000x128xf32, #tpu.memory_space<hbm>>
      tpu.enqueue_indirect_dma source(%dma_start3A_15 : memref<10000x128xf32, #tpu.memory_space<hbm>>) target(%arg12 : memref<80x128xf32, #tpu.memory_space<vmem>>) offsets(%arg11 : memref<80xi32, #tpu.memory_space<vmem>>) semaphore(%arg15 : memref<!tpu.dma_semaphore, #tpu.memory_space<semaphore_mem>>)
      %dma_start3A_16 = arith.constant 0 : i32
      %dma_start3A_17 = arith.constant 0 : i32
      %dma_start3A_18 = tpu.memref_slice %arg3[%dma_start3A_16, %dma_start3A_17] : memref<10000x128xf32, #tpu.memory_space<hbm>> -> memref<10000x128xf32, #tpu.memory_space<hbm>>
      tpu.enqueue_indirect_dma source(%dma_start3A_18 : memref<10000x128xf32, #tpu.memory_space<hbm>>) target(%arg13 : memref<80x128xf32, #tpu.memory_space<vmem>>) offsets(%arg10 : memref<80xi32, #tpu.memory_space<vmem>>) semaphore(%arg16 : memref<!tpu.dma_semaphore, #tpu.memory_space<semaphore_mem>>)
      %dma_start3A_19 = arith.constant 0 : i32
      %dma_start3A_20 = arith.constant 0 : i32
      %dma_start3A_21 = tpu.memref_slice %arg4[%dma_start3A_19, %dma_start3A_20] : memref<10000x128xf32, #tpu.memory_space<hbm>> -> memref<10000x128xf32, #tpu.memory_space<hbm>>
      tpu.enqueue_indirect_dma source(%dma_start3A_21 : memref<10000x128xf32, #tpu.memory_space<hbm>>) target(%arg14 : memref<80x128xf32, #tpu.memory_space<vmem>>) offsets(%arg10 : memref<80xi32, #tpu.memory_space<vmem>>) semaphore(%arg17 : memref<!tpu.dma_semaphore, #tpu.memory_space<semaphore_mem>>)
      %dma_wait3A = arith.constant 0 : i32
      %dma_wait3A_22 = arith.constant 0 : i32
      %dma_wait3A_23 = tpu.memref_slice %arg2[%dma_wait3A, %dma_wait3A_22] : memref<10000x128xf32, #tpu.memory_space<hbm>> -> memref<10000x128xf32, #tpu.memory_space<hbm>>
      tpu.wait_indirect_dma semaphore(%arg15 : memref<!tpu.dma_semaphore, #tpu.memory_space<semaphore_mem>>) src(%dma_wait3A_23 : memref<10000x128xf32, #tpu.memory_space<hbm>>) dst(%arg12 : memref<80x128xf32, #tpu.memory_space<vmem>>)
      %dma_wait3A_24 = arith.constant 0 : i32
      %dma_wait3A_25 = arith.constant 0 : i32
      %dma_wait3A_26 = tpu.memref_slice %arg3[%dma_wait3A_24, %dma_wait3A_25] : memref<10000x128xf32, #tpu.memory_space<hbm>> -> memref<10000x128xf32, #tpu.memory_space<hbm>>
      tpu.wait_indirect_dma semaphore(%arg16 : memref<!tpu.dma_semaphore, #tpu.memory_space<semaphore_mem>>) src(%dma_wait3A_26 : memref<10000x128xf32, #tpu.memory_space<hbm>>) dst(%arg13 : memref<80x128xf32, #tpu.memory_space<vmem>>)
      %dma_wait3A_27 = arith.constant 0 : i32
      %dma_wait3A_28 = arith.constant 0 : i32
      %dma_wait3A_29 = tpu.memref_slice %arg4[%dma_wait3A_27, %dma_wait3A_28] : memref<10000x128xf32, #tpu.memory_space<hbm>> -> memref<10000x128xf32, #tpu.memory_space<hbm>>
      tpu.wait_indirect_dma semaphore(%arg17 : memref<!tpu.dma_semaphore, #tpu.memory_space<semaphore_mem>>) src(%dma_wait3A_29 : memref<10000x128xf32, #tpu.memory_space<hbm>>) dst(%arg14 : memref<80x128xf32, #tpu.memory_space<vmem>>)
      "tpu.region"() ({
        %run_scoped3A = tpu.sem_alloc : memref<!tpu.dma_semaphore, #tpu.memory_space<semaphore_mem>>
        %dma_start3A_31 = arith.constant 0 : i32
        %dma_start3A_32 = tpu.memref_slice %arg7[%mul3A_13, %dma_start3A_31] : memref<320000x128xf32, #tpu.memory_space<hbm>> -> memref<80x128xf32, #tpu.memory_space<hbm>>
        %dma_start3A_33 = arith.constant 0 : i32
        %dma_start3A_34 = tpu.memref_slice %arg7[%mul3A_13, %dma_start3A_33] : memref<320000x128xf32, #tpu.memory_space<hbm>> -> memref<80x128xf32, #tpu.memory_space<hbm>>
        tpu.enqueue_dma source(%arg12 : memref<80x128xf32, #tpu.memory_space<vmem>>) target(%dma_start3A_34 : memref<80x128xf32, #tpu.memory_space<hbm>>) target_semaphore(%run_scoped3A : memref<!tpu.dma_semaphore, #tpu.memory_space<semaphore_mem>>)
        %dma_wait3A_35 = arith.constant 0 : i32
        %dma_wait3A_36 = tpu.memref_slice %arg7[%mul3A_13, %dma_wait3A_35] : memref<320000x128xf32, #tpu.memory_space<hbm>> -> memref<80x128xf32, #tpu.memory_space<hbm>>
        %dma_wait3A_37 = arith.constant 0 : i32
        %dma_wait3A_38 = tpu.memref_slice %arg7[%mul3A_13, %dma_wait3A_37] : memref<320000x128xf32, #tpu.memory_space<hbm>> -> memref<80x128xf32, #tpu.memory_space<hbm>>
        tpu.wait_dma2 semaphore(%run_scoped3A : memref<!tpu.dma_semaphore, #tpu.memory_space<semaphore_mem>>) src(%arg12 : memref<80x128xf32, #tpu.memory_space<vmem>>) dst(%dma_wait3A_38 : memref<80x128xf32, #tpu.memory_space<hbm>>)
        tpu.yield
      }) : () -> ()
      "tpu.region"() ({
        %run_scoped3A = tpu.sem_alloc : memref<!tpu.dma_semaphore, #tpu.memory_space<semaphore_mem>>
        %dma_start3A_31 = arith.constant 0 : i32
        %dma_start3A_32 = tpu.memref_slice %arg8[%mul3A_13, %dma_start3A_31] : memref<320000x128xf32, #tpu.memory_space<hbm>> -> memref<80x128xf32, #tpu.memory_space<hbm>>
        %dma_start3A_33 = arith.constant 0 : i32
        %dma_start3A_34 = tpu.memref_slice %arg8[%mul3A_13, %dma_start3A_33] : memref<320000x128xf32, #tpu.memory_space<hbm>> -> memref<80x128xf32, #tpu.memory_space<hbm>>
        tpu.enqueue_dma source(%arg13 : memref<80x128xf32, #tpu.memory_space<vmem>>) target(%dma_start3A_34 : memref<80x128xf32, #tpu.memory_space<hbm>>) target_semaphore(%run_scoped3A : memref<!tpu.dma_semaphore, #tpu.memory_space<semaphore_mem>>)
        %dma_wait3A_35 = arith.constant 0 : i32
        %dma_wait3A_36 = tpu.memref_slice %arg8[%mul3A_13, %dma_wait3A_35] : memref<320000x128xf32, #tpu.memory_space<hbm>> -> memref<80x128xf32, #tpu.memory_space<hbm>>
        %dma_wait3A_37 = arith.constant 0 : i32
        %dma_wait3A_38 = tpu.memref_slice %arg8[%mul3A_13, %dma_wait3A_37] : memref<320000x128xf32, #tpu.memory_space<hbm>> -> memref<80x128xf32, #tpu.memory_space<hbm>>
        tpu.wait_dma2 semaphore(%run_scoped3A : memref<!tpu.dma_semaphore, #tpu.memory_space<semaphore_mem>>) src(%arg13 : memref<80x128xf32, #tpu.memory_space<vmem>>) dst(%dma_wait3A_38 : memref<80x128xf32, #tpu.memory_space<hbm>>)
        tpu.yield
      }) : () -> ()
      "tpu.region"() ({
        %run_scoped3A = tpu.sem_alloc : memref<!tpu.dma_semaphore, #tpu.memory_space<semaphore_mem>>
        %dma_start3A_31 = arith.constant 0 : i32
        %dma_start3A_32 = tpu.memref_slice %arg9[%mul3A_13, %dma_start3A_31] : memref<320000x128xf32, #tpu.memory_space<hbm>> -> memref<80x128xf32, #tpu.memory_space<hbm>>
        %dma_start3A_33 = arith.constant 0 : i32
        %dma_start3A_34 = tpu.memref_slice %arg9[%mul3A_13, %dma_start3A_33] : memref<320000x128xf32, #tpu.memory_space<hbm>> -> memref<80x128xf32, #tpu.memory_space<hbm>>
        tpu.enqueue_dma source(%arg14 : memref<80x128xf32, #tpu.memory_space<vmem>>) target(%dma_start3A_34 : memref<80x128xf32, #tpu.memory_space<hbm>>) target_semaphore(%run_scoped3A : memref<!tpu.dma_semaphore, #tpu.memory_space<semaphore_mem>>)
        %dma_wait3A_35 = arith.constant 0 : i32
        %dma_wait3A_36 = tpu.memref_slice %arg9[%mul3A_13, %dma_wait3A_35] : memref<320000x128xf32, #tpu.memory_space<hbm>> -> memref<80x128xf32, #tpu.memory_space<hbm>>
        %dma_wait3A_37 = arith.constant 0 : i32
        %dma_wait3A_38 = tpu.memref_slice %arg9[%mul3A_13, %dma_wait3A_37] : memref<320000x128xf32, #tpu.memory_space<hbm>> -> memref<80x128xf32, #tpu.memory_space<hbm>>
        tpu.wait_dma2 semaphore(%run_scoped3A : memref<!tpu.dma_semaphore, #tpu.memory_space<semaphore_mem>>) src(%arg14 : memref<80x128xf32, #tpu.memory_space<vmem>>) dst(%dma_wait3A_38 : memref<80x128xf32, #tpu.memory_space<hbm>>)
        tpu.yield
      }) : () -> ()
      %scan3A_30 = arith.constant 0 : i32
      scf.yield %scan3A_30 : i32
    }
    %scan3A_6 = arith.constant 125 : i32
    return
  }
}

#map = affine_map<(d0, d1) -> (0, 0)>
#map1 = affine_map<(d0, d1) -> (0)>
#map2 = affine_map<(d0, d1) -> (0, 0, 0)>
module attributes {stable_mosaic.version = 14 : i64} {
  func.func @_sc_sb_body(%arg0: i32, %arg1: i32, %arg2: memref<320000x80xf32, #tpu.memory_space<hbm>>, %arg3: memref<320000xi32, #tpu.memory_space<hbm>>, %arg4: memref<10000x80xf32, #tpu.memory_space<hbm>>, %arg5: memref<2x10000x80xf32, #tpu.memory_space<hbm>>, %arg6: memref<80xi32, #tpu.memory_space<vmem>>, %arg7: memref<80x80xf32, #tpu.memory_space<vmem>>, %arg8: memref<10000x80xf32, #tpu.memory_space<vmem_shared>>, %arg9: memref<!tpu.dma_semaphore, #tpu.memory_space<semaphore_mem>>) attributes {dimension_semantics = [#tpu.dimension_semantics<core_parallel>, #tpu.dimension_semantics<subcore_parallel>], iteration_bounds = array<i64: 2, 16>, scalar_prefetch = 0 : i64, scratch_operands = 4 : i64, tpu.core_type = #tpu.core_type<sc_vector_subcore>, window_params = [{transform_indices = #map}, {transform_indices = #map1}, {transform_indices = #map}, {transform_indices = #map2}]} {
    %mul3A = arith.constant 2 : i32
    %mul3A_0 = arith.muli %arg1, %mul3A : i32
    %add3A = arith.addi %mul3A_0, %arg0 : i32
    %eq3A = arith.constant 0 : i32
    %eq3A_1 = arith.cmpi eq, %arg1, %eq3A : i32
    %convert_element_type3A = arith.extui %eq3A_1 : i1 to i32
    %cond3A = arith.constant 0 : i32
    %cond3A_2 = arith.cmpi ne, %convert_element_type3A, %cond3A : i32
    scf.if %cond3A_2 {
      "tpu.region"() ({
        %run_scoped3A = tpu.sem_alloc : memref<!tpu.dma_semaphore, #tpu.memory_space<semaphore_mem>>
        tpu.enqueue_dma source(%arg4 : memref<10000x80xf32, #tpu.memory_space<hbm>>) target(%arg8 : memref<10000x80xf32, #tpu.memory_space<vmem_shared>>) target_semaphore(%run_scoped3A : memref<!tpu.dma_semaphore, #tpu.memory_space<semaphore_mem>>)
        tpu.wait_dma2 semaphore(%run_scoped3A : memref<!tpu.dma_semaphore, #tpu.memory_space<semaphore_mem>>) src(%arg4 : memref<10000x80xf32, #tpu.memory_space<hbm>>) dst(%arg8 : memref<10000x80xf32, #tpu.memory_space<vmem_shared>>)
        tpu.yield
      }) : () -> ()
    } else {
    }
    %barrier3A = arith.constant 0 : index
    tpu.barrier barrier_id(%barrier3A)
    %scan3A = arith.constant 0 : i32
    %scan3A_3 = arith.constant 0 : i32
    %scan3A_4 = arith.constant 125 : i32
    %scan3A_5 = arith.addi %scan3A_3, %scan3A_4 : i32
    %scan3A_6 = arith.constant 1 : i32
    %scan3A_7 = scf.for %scan3A_15 = %scan3A_3 to %scan3A_5 step %scan3A_6 iter_args(%scan3A_16 = %scan3A) -> (i32)  : i32 {
      %mul3A_17 = arith.constant 125 : i32
      %mul3A_18 = arith.muli %add3A, %mul3A_17 : i32
      %add3A_19 = arith.addi %mul3A_18, %scan3A_15 : i32
      %mul3A_20 = arith.constant 80 : i32
      %mul3A_21 = arith.muli %add3A_19, %mul3A_20 : i32
      "tpu.region"() ({
        %run_scoped3A = tpu.sem_alloc : memref<!tpu.dma_semaphore, #tpu.memory_space<semaphore_mem>>
        %dma_start3A = tpu.memref_slice %arg3[%mul3A_21] : memref<320000xi32, #tpu.memory_space<hbm>> -> memref<80xi32, #tpu.memory_space<hbm>>
        %dma_start3A_23 = tpu.memref_slice %arg3[%mul3A_21] : memref<320000xi32, #tpu.memory_space<hbm>> -> memref<80xi32, #tpu.memory_space<hbm>>
        tpu.enqueue_dma source(%dma_start3A_23 : memref<80xi32, #tpu.memory_space<hbm>>) target(%arg6 : memref<80xi32, #tpu.memory_space<vmem>>) target_semaphore(%run_scoped3A : memref<!tpu.dma_semaphore, #tpu.memory_space<semaphore_mem>>)
        %dma_wait3A = tpu.memref_slice %arg3[%mul3A_21] : memref<320000xi32, #tpu.memory_space<hbm>> -> memref<80xi32, #tpu.memory_space<hbm>>
        %dma_wait3A_24 = tpu.memref_slice %arg3[%mul3A_21] : memref<320000xi32, #tpu.memory_space<hbm>> -> memref<80xi32, #tpu.memory_space<hbm>>
        tpu.wait_dma2 semaphore(%run_scoped3A : memref<!tpu.dma_semaphore, #tpu.memory_space<semaphore_mem>>) src(%dma_wait3A_24 : memref<80xi32, #tpu.memory_space<hbm>>) dst(%arg6 : memref<80xi32, #tpu.memory_space<vmem>>)
        tpu.yield
      }) : () -> ()
      "tpu.region"() ({
        %run_scoped3A = tpu.sem_alloc : memref<!tpu.dma_semaphore, #tpu.memory_space<semaphore_mem>>
        %dma_start3A = arith.constant 0 : i32
        %dma_start3A_23 = tpu.memref_slice %arg2[%mul3A_21, %dma_start3A] : memref<320000x80xf32, #tpu.memory_space<hbm>> -> memref<80x80xf32, #tpu.memory_space<hbm>>
        %dma_start3A_24 = arith.constant 0 : i32
        %dma_start3A_25 = tpu.memref_slice %arg2[%mul3A_21, %dma_start3A_24] : memref<320000x80xf32, #tpu.memory_space<hbm>> -> memref<80x80xf32, #tpu.memory_space<hbm>>
        tpu.enqueue_dma source(%dma_start3A_25 : memref<80x80xf32, #tpu.memory_space<hbm>>) target(%arg7 : memref<80x80xf32, #tpu.memory_space<vmem>>) target_semaphore(%run_scoped3A : memref<!tpu.dma_semaphore, #tpu.memory_space<semaphore_mem>>)
        %dma_wait3A = arith.constant 0 : i32
        %dma_wait3A_26 = tpu.memref_slice %arg2[%mul3A_21, %dma_wait3A] : memref<320000x80xf32, #tpu.memory_space<hbm>> -> memref<80x80xf32, #tpu.memory_space<hbm>>
        %dma_wait3A_27 = arith.constant 0 : i32
        %dma_wait3A_28 = tpu.memref_slice %arg2[%mul3A_21, %dma_wait3A_27] : memref<320000x80xf32, #tpu.memory_space<hbm>> -> memref<80x80xf32, #tpu.memory_space<hbm>>
        tpu.wait_dma2 semaphore(%run_scoped3A : memref<!tpu.dma_semaphore, #tpu.memory_space<semaphore_mem>>) src(%dma_wait3A_28 : memref<80x80xf32, #tpu.memory_space<hbm>>) dst(%arg7 : memref<80x80xf32, #tpu.memory_space<vmem>>)
        tpu.yield
      }) : () -> ()
      "tpu.region"() ({
        %run_scoped3A = tpu.sem_alloc : memref<!tpu.dma_semaphore, #tpu.memory_space<semaphore_mem>>
        %dma_start3A = arith.constant 0 : i32
        %dma_start3A_23 = arith.constant 0 : i32
        %dma_start3A_24 = tpu.memref_slice %arg8[%dma_start3A, %dma_start3A_23] : memref<10000x80xf32, #tpu.memory_space<vmem_shared>> -> memref<10000x80xf32, #tpu.memory_space<vmem_shared>>
        tpu.enqueue_indirect_dma source(%arg7 : memref<80x80xf32, #tpu.memory_space<vmem>>) target(%dma_start3A_24 : memref<10000x80xf32, #tpu.memory_space<vmem_shared>>) offsets(%arg6 : memref<80xi32, #tpu.memory_space<vmem>>) semaphore(%run_scoped3A : memref<!tpu.dma_semaphore, #tpu.memory_space<semaphore_mem>>) {add = true}
        %dma_wait3A = arith.constant 0 : i32
        %dma_wait3A_25 = arith.constant 0 : i32
        %dma_wait3A_26 = tpu.memref_slice %arg8[%dma_wait3A, %dma_wait3A_25] : memref<10000x80xf32, #tpu.memory_space<vmem_shared>> -> memref<10000x80xf32, #tpu.memory_space<vmem_shared>>
        tpu.wait_indirect_dma semaphore(%run_scoped3A : memref<!tpu.dma_semaphore, #tpu.memory_space<semaphore_mem>>) src(%arg7 : memref<80x80xf32, #tpu.memory_space<vmem>>) dst(%dma_wait3A_26 : memref<10000x80xf32, #tpu.memory_space<vmem_shared>>)
        tpu.yield
      }) : () -> ()
      %scan3A_22 = arith.constant 0 : i32
      scf.yield %scan3A_22 : i32
    }
    %scan3A_8 = arith.constant 125 : i32
    %barrier3A_9 = arith.constant 0 : index
    tpu.barrier barrier_id(%barrier3A_9)
    %eq3A_10 = arith.constant 0 : i32
    %eq3A_11 = arith.cmpi eq, %arg1, %eq3A_10 : i32
    %convert_element_type3A_12 = arith.extui %eq3A_11 : i1 to i32
    %cond3A_13 = arith.constant 0 : i32
    %cond3A_14 = arith.cmpi ne, %convert_element_type3A_12, %cond3A_13 : i32
    scf.if %cond3A_14 {
      "tpu.region"() ({
        %run_scoped3A = tpu.sem_alloc : memref<!tpu.dma_semaphore, #tpu.memory_space<semaphore_mem>>
        %dma_start3A = arith.constant 0 : i32
        %dma_start3A_15 = arith.constant 0 : i32
        %dma_start3A_16 = tpu.memref_slice %arg5[%arg0, %dma_start3A, %dma_start3A_15] : memref<2x10000x80xf32, #tpu.memory_space<hbm>> -> memref<1x10000x80xf32, #tpu.memory_space<hbm>>
        %dma_start3A_17 = tpu.memref_squeeze %dma_start3A_16 : memref<1x10000x80xf32, #tpu.memory_space<hbm>> -> memref<10000x80xf32, #tpu.memory_space<hbm>>
        tpu.enqueue_dma source(%arg8 : memref<10000x80xf32, #tpu.memory_space<vmem_shared>>) target(%dma_start3A_17 : memref<10000x80xf32, #tpu.memory_space<hbm>>) target_semaphore(%run_scoped3A : memref<!tpu.dma_semaphore, #tpu.memory_space<semaphore_mem>>)
        %dma_wait3A = arith.constant 0 : i32
        %dma_wait3A_18 = arith.constant 0 : i32
        %dma_wait3A_19 = tpu.memref_slice %arg5[%arg0, %dma_wait3A, %dma_wait3A_18] : memref<2x10000x80xf32, #tpu.memory_space<hbm>> -> memref<1x10000x80xf32, #tpu.memory_space<hbm>>
        %dma_wait3A_20 = tpu.memref_squeeze %dma_wait3A_19 : memref<1x10000x80xf32, #tpu.memory_space<hbm>> -> memref<10000x80xf32, #tpu.memory_space<hbm>>
        tpu.wait_dma2 semaphore(%run_scoped3A : memref<!tpu.dma_semaphore, #tpu.memory_space<semaphore_mem>>) src(%arg8 : memref<10000x80xf32, #tpu.memory_space<vmem_shared>>) dst(%dma_wait3A_20 : memref<10000x80xf32, #tpu.memory_space<hbm>>)
        tpu.yield
      }) : () -> ()
    } else {
    }
    return
  }
}

#map = affine_map<(d0, d1) -> (0, 0)>
#map1 = affine_map<(d0, d1) -> (0)>
#map2 = affine_map<(d0, d1) -> (0, 0, 0)>
module attributes {stable_mosaic.version = 14 : i64} {
  func.func @_sc_sa_body(%arg0: i32, %arg1: i32, %arg2: memref<320000x48xf32, #tpu.memory_space<hbm>>, %arg3: memref<320000x16xf32, #tpu.memory_space<hbm>>, %arg4: memref<320000xi32, #tpu.memory_space<hbm>>, %arg5: memref<10000x48xf32, #tpu.memory_space<hbm>>, %arg6: memref<10000x16xf32, #tpu.memory_space<hbm>>, %arg7: memref<2x10000x48xf32, #tpu.memory_space<hbm>>, %arg8: memref<2x10000x16xf32, #tpu.memory_space<hbm>>, %arg9: memref<80xi32, #tpu.memory_space<vmem>>, %arg10: memref<80x48xf32, #tpu.memory_space<vmem>>, %arg11: memref<80x16xf32, #tpu.memory_space<vmem>>, %arg12: memref<10000x48xf32, #tpu.memory_space<vmem_shared>>, %arg13: memref<10000x16xf32, #tpu.memory_space<vmem_shared>>, %arg14: memref<!tpu.dma_semaphore, #tpu.memory_space<semaphore_mem>>) attributes {dimension_semantics = [#tpu.dimension_semantics<core_parallel>, #tpu.dimension_semantics<subcore_parallel>], iteration_bounds = array<i64: 2, 16>, scalar_prefetch = 0 : i64, scratch_operands = 6 : i64, tpu.core_type = #tpu.core_type<sc_vector_subcore>, window_params = [{transform_indices = #map}, {transform_indices = #map}, {transform_indices = #map1}, {transform_indices = #map}, {transform_indices = #map}, {transform_indices = #map2}, {transform_indices = #map2}]} {
    %mul3A = arith.constant 2 : i32
    %mul3A_0 = arith.muli %arg1, %mul3A : i32
    %add3A = arith.addi %mul3A_0, %arg0 : i32
    %eq3A = arith.constant 0 : i32
    %eq3A_1 = arith.cmpi eq, %arg1, %eq3A : i32
    %convert_element_type3A = arith.extui %eq3A_1 : i1 to i32
    %cond3A = arith.constant 0 : i32
    %cond3A_2 = arith.cmpi ne, %convert_element_type3A, %cond3A : i32
    scf.if %cond3A_2 {
      "tpu.region"() ({
        %run_scoped3A = tpu.sem_alloc : memref<!tpu.dma_semaphore, #tpu.memory_space<semaphore_mem>>
        tpu.enqueue_dma source(%arg5 : memref<10000x48xf32, #tpu.memory_space<hbm>>) target(%arg12 : memref<10000x48xf32, #tpu.memory_space<vmem_shared>>) target_semaphore(%run_scoped3A : memref<!tpu.dma_semaphore, #tpu.memory_space<semaphore_mem>>)
        tpu.wait_dma2 semaphore(%run_scoped3A : memref<!tpu.dma_semaphore, #tpu.memory_space<semaphore_mem>>) src(%arg5 : memref<10000x48xf32, #tpu.memory_space<hbm>>) dst(%arg12 : memref<10000x48xf32, #tpu.memory_space<vmem_shared>>)
        tpu.yield
      }) : () -> ()
      "tpu.region"() ({
        %run_scoped3A = tpu.sem_alloc : memref<!tpu.dma_semaphore, #tpu.memory_space<semaphore_mem>>
        tpu.enqueue_dma source(%arg6 : memref<10000x16xf32, #tpu.memory_space<hbm>>) target(%arg13 : memref<10000x16xf32, #tpu.memory_space<vmem_shared>>) target_semaphore(%run_scoped3A : memref<!tpu.dma_semaphore, #tpu.memory_space<semaphore_mem>>)
        tpu.wait_dma2 semaphore(%run_scoped3A : memref<!tpu.dma_semaphore, #tpu.memory_space<semaphore_mem>>) src(%arg6 : memref<10000x16xf32, #tpu.memory_space<hbm>>) dst(%arg13 : memref<10000x16xf32, #tpu.memory_space<vmem_shared>>)
        tpu.yield
      }) : () -> ()
    } else {
    }
    %barrier3A = arith.constant 0 : index
    tpu.barrier barrier_id(%barrier3A)
    %scan3A = arith.constant 0 : i32
    %scan3A_3 = arith.constant 0 : i32
    %scan3A_4 = arith.constant 125 : i32
    %scan3A_5 = arith.addi %scan3A_3, %scan3A_4 : i32
    %scan3A_6 = arith.constant 1 : i32
    %scan3A_7 = scf.for %scan3A_15 = %scan3A_3 to %scan3A_5 step %scan3A_6 iter_args(%scan3A_16 = %scan3A) -> (i32)  : i32 {
      %mul3A_17 = arith.constant 125 : i32
      %mul3A_18 = arith.muli %add3A, %mul3A_17 : i32
      %add3A_19 = arith.addi %mul3A_18, %scan3A_15 : i32
      %mul3A_20 = arith.constant 80 : i32
      %mul3A_21 = arith.muli %add3A_19, %mul3A_20 : i32
      "tpu.region"() ({
        %run_scoped3A = tpu.sem_alloc : memref<!tpu.dma_semaphore, #tpu.memory_space<semaphore_mem>>
        %dma_start3A = tpu.memref_slice %arg4[%mul3A_21] : memref<320000xi32, #tpu.memory_space<hbm>> -> memref<80xi32, #tpu.memory_space<hbm>>
        %dma_start3A_23 = tpu.memref_slice %arg4[%mul3A_21] : memref<320000xi32, #tpu.memory_space<hbm>> -> memref<80xi32, #tpu.memory_space<hbm>>
        tpu.enqueue_dma source(%dma_start3A_23 : memref<80xi32, #tpu.memory_space<hbm>>) target(%arg9 : memref<80xi32, #tpu.memory_space<vmem>>) target_semaphore(%run_scoped3A : memref<!tpu.dma_semaphore, #tpu.memory_space<semaphore_mem>>)
        %dma_wait3A = tpu.memref_slice %arg4[%mul3A_21] : memref<320000xi32, #tpu.memory_space<hbm>> -> memref<80xi32, #tpu.memory_space<hbm>>
        %dma_wait3A_24 = tpu.memref_slice %arg4[%mul3A_21] : memref<320000xi32, #tpu.memory_space<hbm>> -> memref<80xi32, #tpu.memory_space<hbm>>
        tpu.wait_dma2 semaphore(%run_scoped3A : memref<!tpu.dma_semaphore, #tpu.memory_space<semaphore_mem>>) src(%dma_wait3A_24 : memref<80xi32, #tpu.memory_space<hbm>>) dst(%arg9 : memref<80xi32, #tpu.memory_space<vmem>>)
        tpu.yield
      }) : () -> ()
      "tpu.region"() ({
        %run_scoped3A = tpu.sem_alloc : memref<!tpu.dma_semaphore, #tpu.memory_space<semaphore_mem>>
        %dma_start3A = arith.constant 0 : i32
        %dma_start3A_23 = tpu.memref_slice %arg2[%mul3A_21, %dma_start3A] : memref<320000x48xf32, #tpu.memory_space<hbm>> -> memref<80x48xf32, #tpu.memory_space<hbm>>
        %dma_start3A_24 = arith.constant 0 : i32
        %dma_start3A_25 = tpu.memref_slice %arg2[%mul3A_21, %dma_start3A_24] : memref<320000x48xf32, #tpu.memory_space<hbm>> -> memref<80x48xf32, #tpu.memory_space<hbm>>
        tpu.enqueue_dma source(%dma_start3A_25 : memref<80x48xf32, #tpu.memory_space<hbm>>) target(%arg10 : memref<80x48xf32, #tpu.memory_space<vmem>>) target_semaphore(%run_scoped3A : memref<!tpu.dma_semaphore, #tpu.memory_space<semaphore_mem>>)
        %dma_wait3A = arith.constant 0 : i32
        %dma_wait3A_26 = tpu.memref_slice %arg2[%mul3A_21, %dma_wait3A] : memref<320000x48xf32, #tpu.memory_space<hbm>> -> memref<80x48xf32, #tpu.memory_space<hbm>>
        %dma_wait3A_27 = arith.constant 0 : i32
        %dma_wait3A_28 = tpu.memref_slice %arg2[%mul3A_21, %dma_wait3A_27] : memref<320000x48xf32, #tpu.memory_space<hbm>> -> memref<80x48xf32, #tpu.memory_space<hbm>>
        tpu.wait_dma2 semaphore(%run_scoped3A : memref<!tpu.dma_semaphore, #tpu.memory_space<semaphore_mem>>) src(%dma_wait3A_28 : memref<80x48xf32, #tpu.memory_space<hbm>>) dst(%arg10 : memref<80x48xf32, #tpu.memory_space<vmem>>)
        tpu.yield
      }) : () -> ()
      "tpu.region"() ({
        %run_scoped3A = tpu.sem_alloc : memref<!tpu.dma_semaphore, #tpu.memory_space<semaphore_mem>>
        %dma_start3A = arith.constant 0 : i32
        %dma_start3A_23 = tpu.memref_slice %arg3[%mul3A_21, %dma_start3A] : memref<320000x16xf32, #tpu.memory_space<hbm>> -> memref<80x16xf32, #tpu.memory_space<hbm>>
        %dma_start3A_24 = arith.constant 0 : i32
        %dma_start3A_25 = tpu.memref_slice %arg3[%mul3A_21, %dma_start3A_24] : memref<320000x16xf32, #tpu.memory_space<hbm>> -> memref<80x16xf32, #tpu.memory_space<hbm>>
        tpu.enqueue_dma source(%dma_start3A_25 : memref<80x16xf32, #tpu.memory_space<hbm>>) target(%arg11 : memref<80x16xf32, #tpu.memory_space<vmem>>) target_semaphore(%run_scoped3A : memref<!tpu.dma_semaphore, #tpu.memory_space<semaphore_mem>>)
        %dma_wait3A = arith.constant 0 : i32
        %dma_wait3A_26 = tpu.memref_slice %arg3[%mul3A_21, %dma_wait3A] : memref<320000x16xf32, #tpu.memory_space<hbm>> -> memref<80x16xf32, #tpu.memory_space<hbm>>
        %dma_wait3A_27 = arith.constant 0 : i32
        %dma_wait3A_28 = tpu.memref_slice %arg3[%mul3A_21, %dma_wait3A_27] : memref<320000x16xf32, #tpu.memory_space<hbm>> -> memref<80x16xf32, #tpu.memory_space<hbm>>
        tpu.wait_dma2 semaphore(%run_scoped3A : memref<!tpu.dma_semaphore, #tpu.memory_space<semaphore_mem>>) src(%dma_wait3A_28 : memref<80x16xf32, #tpu.memory_space<hbm>>) dst(%arg11 : memref<80x16xf32, #tpu.memory_space<vmem>>)
        tpu.yield
      }) : () -> ()
      "tpu.region"() ({
        %run_scoped3A = tpu.sem_alloc : memref<!tpu.dma_semaphore, #tpu.memory_space<semaphore_mem>>
        %dma_start3A = arith.constant 0 : i32
        %dma_start3A_23 = arith.constant 0 : i32
        %dma_start3A_24 = tpu.memref_slice %arg12[%dma_start3A, %dma_start3A_23] : memref<10000x48xf32, #tpu.memory_space<vmem_shared>> -> memref<10000x48xf32, #tpu.memory_space<vmem_shared>>
        tpu.enqueue_indirect_dma source(%arg10 : memref<80x48xf32, #tpu.memory_space<vmem>>) target(%dma_start3A_24 : memref<10000x48xf32, #tpu.memory_space<vmem_shared>>) offsets(%arg9 : memref<80xi32, #tpu.memory_space<vmem>>) semaphore(%run_scoped3A : memref<!tpu.dma_semaphore, #tpu.memory_space<semaphore_mem>>) {add = true}
        %dma_wait3A = arith.constant 0 : i32
        %dma_wait3A_25 = arith.constant 0 : i32
        %dma_wait3A_26 = tpu.memref_slice %arg12[%dma_wait3A, %dma_wait3A_25] : memref<10000x48xf32, #tpu.memory_space<vmem_shared>> -> memref<10000x48xf32, #tpu.memory_space<vmem_shared>>
        tpu.wait_indirect_dma semaphore(%run_scoped3A : memref<!tpu.dma_semaphore, #tpu.memory_space<semaphore_mem>>) src(%arg10 : memref<80x48xf32, #tpu.memory_space<vmem>>) dst(%dma_wait3A_26 : memref<10000x48xf32, #tpu.memory_space<vmem_shared>>)
        tpu.yield
      }) : () -> ()
      "tpu.region"() ({
        %run_scoped3A = tpu.sem_alloc : memref<!tpu.dma_semaphore, #tpu.memory_space<semaphore_mem>>
        %dma_start3A = arith.constant 0 : i32
        %dma_start3A_23 = arith.constant 0 : i32
        %dma_start3A_24 = tpu.memref_slice %arg13[%dma_start3A, %dma_start3A_23] : memref<10000x16xf32, #tpu.memory_space<vmem_shared>> -> memref<10000x16xf32, #tpu.memory_space<vmem_shared>>
        tpu.enqueue_indirect_dma source(%arg11 : memref<80x16xf32, #tpu.memory_space<vmem>>) target(%dma_start3A_24 : memref<10000x16xf32, #tpu.memory_space<vmem_shared>>) offsets(%arg9 : memref<80xi32, #tpu.memory_space<vmem>>) semaphore(%run_scoped3A : memref<!tpu.dma_semaphore, #tpu.memory_space<semaphore_mem>>) {add = true}
        %dma_wait3A = arith.constant 0 : i32
        %dma_wait3A_25 = arith.constant 0 : i32
        %dma_wait3A_26 = tpu.memref_slice %arg13[%dma_wait3A, %dma_wait3A_25] : memref<10000x16xf32, #tpu.memory_space<vmem_shared>> -> memref<10000x16xf32, #tpu.memory_space<vmem_shared>>
        tpu.wait_indirect_dma semaphore(%run_scoped3A : memref<!tpu.dma_semaphore, #tpu.memory_space<semaphore_mem>>) src(%arg11 : memref<80x16xf32, #tpu.memory_space<vmem>>) dst(%dma_wait3A_26 : memref<10000x16xf32, #tpu.memory_space<vmem_shared>>)
        tpu.yield
      }) : () -> ()
      %scan3A_22 = arith.constant 0 : i32
      scf.yield %scan3A_22 : i32
    }
    %scan3A_8 = arith.constant 125 : i32
    %barrier3A_9 = arith.constant 0 : index
    tpu.barrier barrier_id(%barrier3A_9)
    %eq3A_10 = arith.constant 0 : i32
    %eq3A_11 = arith.cmpi eq, %arg1, %eq3A_10 : i32
    %convert_element_type3A_12 = arith.extui %eq3A_11 : i1 to i32
    %cond3A_13 = arith.constant 0 : i32
    %cond3A_14 = arith.cmpi ne, %convert_element_type3A_12, %cond3A_13 : i32
    scf.if %cond3A_14 {
      "tpu.region"() ({
        %run_scoped3A = tpu.sem_alloc : memref<!tpu.dma_semaphore, #tpu.memory_space<semaphore_mem>>
        %dma_start3A = arith.constant 0 : i32
        %dma_start3A_15 = arith.constant 0 : i32
        %dma_start3A_16 = tpu.memref_slice %arg7[%arg0, %dma_start3A, %dma_start3A_15] : memref<2x10000x48xf32, #tpu.memory_space<hbm>> -> memref<1x10000x48xf32, #tpu.memory_space<hbm>>
        %dma_start3A_17 = tpu.memref_squeeze %dma_start3A_16 : memref<1x10000x48xf32, #tpu.memory_space<hbm>> -> memref<10000x48xf32, #tpu.memory_space<hbm>>
        tpu.enqueue_dma source(%arg12 : memref<10000x48xf32, #tpu.memory_space<vmem_shared>>) target(%dma_start3A_17 : memref<10000x48xf32, #tpu.memory_space<hbm>>) target_semaphore(%run_scoped3A : memref<!tpu.dma_semaphore, #tpu.memory_space<semaphore_mem>>)
        %dma_wait3A = arith.constant 0 : i32
        %dma_wait3A_18 = arith.constant 0 : i32
        %dma_wait3A_19 = tpu.memref_slice %arg7[%arg0, %dma_wait3A, %dma_wait3A_18] : memref<2x10000x48xf32, #tpu.memory_space<hbm>> -> memref<1x10000x48xf32, #tpu.memory_space<hbm>>
        %dma_wait3A_20 = tpu.memref_squeeze %dma_wait3A_19 : memref<1x10000x48xf32, #tpu.memory_space<hbm>> -> memref<10000x48xf32, #tpu.memory_space<hbm>>
        tpu.wait_dma2 semaphore(%run_scoped3A : memref<!tpu.dma_semaphore, #tpu.memory_space<semaphore_mem>>) src(%arg12 : memref<10000x48xf32, #tpu.memory_space<vmem_shared>>) dst(%dma_wait3A_20 : memref<10000x48xf32, #tpu.memory_space<hbm>>)
        tpu.yield
      }) : () -> ()
      "tpu.region"() ({
        %run_scoped3A = tpu.sem_alloc : memref<!tpu.dma_semaphore, #tpu.memory_space<semaphore_mem>>
        %dma_start3A = arith.constant 0 : i32
        %dma_start3A_15 = arith.constant 0 : i32
        %dma_start3A_16 = tpu.memref_slice %arg8[%arg0, %dma_start3A, %dma_start3A_15] : memref<2x10000x16xf32, #tpu.memory_space<hbm>> -> memref<1x10000x16xf32, #tpu.memory_space<hbm>>
        %dma_start3A_17 = tpu.memref_squeeze %dma_start3A_16 : memref<1x10000x16xf32, #tpu.memory_space<hbm>> -> memref<10000x16xf32, #tpu.memory_space<hbm>>
        tpu.enqueue_dma source(%arg13 : memref<10000x16xf32, #tpu.memory_space<vmem_shared>>) target(%dma_start3A_17 : memref<10000x16xf32, #tpu.memory_space<hbm>>) target_semaphore(%run_scoped3A : memref<!tpu.dma_semaphore, #tpu.memory_space<semaphore_mem>>)
        %dma_wait3A = arith.constant 0 : i32
        %dma_wait3A_18 = arith.constant 0 : i32
        %dma_wait3A_19 = tpu.memref_slice %arg8[%arg0, %dma_wait3A, %dma_wait3A_18] : memref<2x10000x16xf32, #tpu.memory_space<hbm>> -> memref<1x10000x16xf32, #tpu.memory_space<hbm>>
        %dma_wait3A_20 = tpu.memref_squeeze %dma_wait3A_19 : memref<1x10000x16xf32, #tpu.memory_space<hbm>> -> memref<10000x16xf32, #tpu.memory_space<hbm>>
        tpu.wait_dma2 semaphore(%run_scoped3A : memref<!tpu.dma_semaphore, #tpu.memory_space<semaphore_mem>>) src(%arg13 : memref<10000x16xf32, #tpu.memory_space<vmem_shared>>) dst(%dma_wait3A_20 : memref<10000x16xf32, #tpu.memory_space<hbm>>)
        tpu.yield
      }) : () -> ()
    } else {
    }
    return
  }
}

#map = affine_map<(d0, d1) -> (0, 0)>
#map1 = affine_map<(d0, d1) -> (0)>
#map2 = affine_map<(d0, d1) -> (0, 0, 0)>
module attributes {stable_mosaic.version = 14 : i64} {
  func.func @_sc_sb_body(%arg0: i32, %arg1: i32, %arg2: memref<320000x80xf32, #tpu.memory_space<hbm>>, %arg3: memref<320000xi32, #tpu.memory_space<hbm>>, %arg4: memref<10000x80xf32, #tpu.memory_space<hbm>>, %arg5: memref<2x10000x80xf32, #tpu.memory_space<hbm>>, %arg6: memref<80xi32, #tpu.memory_space<vmem>>, %arg7: memref<80x80xf32, #tpu.memory_space<vmem>>, %arg8: memref<10000x80xf32, #tpu.memory_space<vmem_shared>>, %arg9: memref<!tpu.dma_semaphore, #tpu.memory_space<semaphore_mem>>) attributes {dimension_semantics = [#tpu.dimension_semantics<core_parallel>, #tpu.dimension_semantics<subcore_parallel>], iteration_bounds = array<i64: 2, 16>, scalar_prefetch = 0 : i64, scratch_operands = 4 : i64, tpu.core_type = #tpu.core_type<sc_vector_subcore>, window_params = [{transform_indices = #map}, {transform_indices = #map1}, {transform_indices = #map}, {transform_indices = #map2}]} {
    %mul3A = arith.constant 2 : i32
    %mul3A_0 = arith.muli %arg1, %mul3A : i32
    %add3A = arith.addi %mul3A_0, %arg0 : i32
    %eq3A = arith.constant 0 : i32
    %eq3A_1 = arith.cmpi eq, %arg1, %eq3A : i32
    %convert_element_type3A = arith.extui %eq3A_1 : i1 to i32
    %cond3A = arith.constant 0 : i32
    %cond3A_2 = arith.cmpi ne, %convert_element_type3A, %cond3A : i32
    scf.if %cond3A_2 {
      "tpu.region"() ({
        %run_scoped3A = tpu.sem_alloc : memref<!tpu.dma_semaphore, #tpu.memory_space<semaphore_mem>>
        tpu.enqueue_dma source(%arg4 : memref<10000x80xf32, #tpu.memory_space<hbm>>) target(%arg8 : memref<10000x80xf32, #tpu.memory_space<vmem_shared>>) target_semaphore(%run_scoped3A : memref<!tpu.dma_semaphore, #tpu.memory_space<semaphore_mem>>)
        tpu.wait_dma2 semaphore(%run_scoped3A : memref<!tpu.dma_semaphore, #tpu.memory_space<semaphore_mem>>) src(%arg4 : memref<10000x80xf32, #tpu.memory_space<hbm>>) dst(%arg8 : memref<10000x80xf32, #tpu.memory_space<vmem_shared>>)
        tpu.yield
      }) : () -> ()
    } else {
    }
    %barrier3A = arith.constant 0 : index
    tpu.barrier barrier_id(%barrier3A)
    %scan3A = arith.constant 0 : i32
    %scan3A_3 = arith.constant 0 : i32
    %scan3A_4 = arith.constant 125 : i32
    %scan3A_5 = arith.addi %scan3A_3, %scan3A_4 : i32
    %scan3A_6 = arith.constant 1 : i32
    %scan3A_7 = scf.for %scan3A_15 = %scan3A_3 to %scan3A_5 step %scan3A_6 iter_args(%scan3A_16 = %scan3A) -> (i32)  : i32 {
      %mul3A_17 = arith.constant 125 : i32
      %mul3A_18 = arith.muli %add3A, %mul3A_17 : i32
      %add3A_19 = arith.addi %mul3A_18, %scan3A_15 : i32
      %mul3A_20 = arith.constant 80 : i32
      %mul3A_21 = arith.muli %add3A_19, %mul3A_20 : i32
      "tpu.region"() ({
        %run_scoped3A = tpu.sem_alloc : memref<!tpu.dma_semaphore, #tpu.memory_space<semaphore_mem>>
        %dma_start3A = tpu.memref_slice %arg3[%mul3A_21] : memref<320000xi32, #tpu.memory_space<hbm>> -> memref<80xi32, #tpu.memory_space<hbm>>
        %dma_start3A_23 = tpu.memref_slice %arg3[%mul3A_21] : memref<320000xi32, #tpu.memory_space<hbm>> -> memref<80xi32, #tpu.memory_space<hbm>>
        tpu.enqueue_dma source(%dma_start3A_23 : memref<80xi32, #tpu.memory_space<hbm>>) target(%arg6 : memref<80xi32, #tpu.memory_space<vmem>>) target_semaphore(%run_scoped3A : memref<!tpu.dma_semaphore, #tpu.memory_space<semaphore_mem>>)
        %dma_wait3A = tpu.memref_slice %arg3[%mul3A_21] : memref<320000xi32, #tpu.memory_space<hbm>> -> memref<80xi32, #tpu.memory_space<hbm>>
        %dma_wait3A_24 = tpu.memref_slice %arg3[%mul3A_21] : memref<320000xi32, #tpu.memory_space<hbm>> -> memref<80xi32, #tpu.memory_space<hbm>>
        tpu.wait_dma2 semaphore(%run_scoped3A : memref<!tpu.dma_semaphore, #tpu.memory_space<semaphore_mem>>) src(%dma_wait3A_24 : memref<80xi32, #tpu.memory_space<hbm>>) dst(%arg6 : memref<80xi32, #tpu.memory_space<vmem>>)
        tpu.yield
      }) : () -> ()
      "tpu.region"() ({
        %run_scoped3A = tpu.sem_alloc : memref<!tpu.dma_semaphore, #tpu.memory_space<semaphore_mem>>
        %dma_start3A = arith.constant 0 : i32
        %dma_start3A_23 = tpu.memref_slice %arg2[%mul3A_21, %dma_start3A] : memref<320000x80xf32, #tpu.memory_space<hbm>> -> memref<80x80xf32, #tpu.memory_space<hbm>>
        %dma_start3A_24 = arith.constant 0 : i32
        %dma_start3A_25 = tpu.memref_slice %arg2[%mul3A_21, %dma_start3A_24] : memref<320000x80xf32, #tpu.memory_space<hbm>> -> memref<80x80xf32, #tpu.memory_space<hbm>>
        tpu.enqueue_dma source(%dma_start3A_25 : memref<80x80xf32, #tpu.memory_space<hbm>>) target(%arg7 : memref<80x80xf32, #tpu.memory_space<vmem>>) target_semaphore(%run_scoped3A : memref<!tpu.dma_semaphore, #tpu.memory_space<semaphore_mem>>)
        %dma_wait3A = arith.constant 0 : i32
        %dma_wait3A_26 = tpu.memref_slice %arg2[%mul3A_21, %dma_wait3A] : memref<320000x80xf32, #tpu.memory_space<hbm>> -> memref<80x80xf32, #tpu.memory_space<hbm>>
        %dma_wait3A_27 = arith.constant 0 : i32
        %dma_wait3A_28 = tpu.memref_slice %arg2[%mul3A_21, %dma_wait3A_27] : memref<320000x80xf32, #tpu.memory_space<hbm>> -> memref<80x80xf32, #tpu.memory_space<hbm>>
        tpu.wait_dma2 semaphore(%run_scoped3A : memref<!tpu.dma_semaphore, #tpu.memory_space<semaphore_mem>>) src(%dma_wait3A_28 : memref<80x80xf32, #tpu.memory_space<hbm>>) dst(%arg7 : memref<80x80xf32, #tpu.memory_space<vmem>>)
        tpu.yield
      }) : () -> ()
      "tpu.region"() ({
        %run_scoped3A = tpu.sem_alloc : memref<!tpu.dma_semaphore, #tpu.memory_space<semaphore_mem>>
        %dma_start3A = arith.constant 0 : i32
        %dma_start3A_23 = arith.constant 0 : i32
        %dma_start3A_24 = tpu.memref_slice %arg8[%dma_start3A, %dma_start3A_23] : memref<10000x80xf32, #tpu.memory_space<vmem_shared>> -> memref<10000x80xf32, #tpu.memory_space<vmem_shared>>
        tpu.enqueue_indirect_dma source(%arg7 : memref<80x80xf32, #tpu.memory_space<vmem>>) target(%dma_start3A_24 : memref<10000x80xf32, #tpu.memory_space<vmem_shared>>) offsets(%arg6 : memref<80xi32, #tpu.memory_space<vmem>>) semaphore(%run_scoped3A : memref<!tpu.dma_semaphore, #tpu.memory_space<semaphore_mem>>) {add = true}
        %dma_wait3A = arith.constant 0 : i32
        %dma_wait3A_25 = arith.constant 0 : i32
        %dma_wait3A_26 = tpu.memref_slice %arg8[%dma_wait3A, %dma_wait3A_25] : memref<10000x80xf32, #tpu.memory_space<vmem_shared>> -> memref<10000x80xf32, #tpu.memory_space<vmem_shared>>
        tpu.wait_indirect_dma semaphore(%run_scoped3A : memref<!tpu.dma_semaphore, #tpu.memory_space<semaphore_mem>>) src(%arg7 : memref<80x80xf32, #tpu.memory_space<vmem>>) dst(%dma_wait3A_26 : memref<10000x80xf32, #tpu.memory_space<vmem_shared>>)
        tpu.yield
      }) : () -> ()
      %scan3A_22 = arith.constant 0 : i32
      scf.yield %scan3A_22 : i32
    }
    %scan3A_8 = arith.constant 125 : i32
    %barrier3A_9 = arith.constant 0 : index
    tpu.barrier barrier_id(%barrier3A_9)
    %eq3A_10 = arith.constant 0 : i32
    %eq3A_11 = arith.cmpi eq, %arg1, %eq3A_10 : i32
    %convert_element_type3A_12 = arith.extui %eq3A_11 : i1 to i32
    %cond3A_13 = arith.constant 0 : i32
    %cond3A_14 = arith.cmpi ne, %convert_element_type3A_12, %cond3A_13 : i32
    scf.if %cond3A_14 {
      "tpu.region"() ({
        %run_scoped3A = tpu.sem_alloc : memref<!tpu.dma_semaphore, #tpu.memory_space<semaphore_mem>>
        %dma_start3A = arith.constant 0 : i32
        %dma_start3A_15 = arith.constant 0 : i32
        %dma_start3A_16 = tpu.memref_slice %arg5[%arg0, %dma_start3A, %dma_start3A_15] : memref<2x10000x80xf32, #tpu.memory_space<hbm>> -> memref<1x10000x80xf32, #tpu.memory_space<hbm>>
        %dma_start3A_17 = tpu.memref_squeeze %dma_start3A_16 : memref<1x10000x80xf32, #tpu.memory_space<hbm>> -> memref<10000x80xf32, #tpu.memory_space<hbm>>
        tpu.enqueue_dma source(%arg8 : memref<10000x80xf32, #tpu.memory_space<vmem_shared>>) target(%dma_start3A_17 : memref<10000x80xf32, #tpu.memory_space<hbm>>) target_semaphore(%run_scoped3A : memref<!tpu.dma_semaphore, #tpu.memory_space<semaphore_mem>>)
        %dma_wait3A = arith.constant 0 : i32
        %dma_wait3A_18 = arith.constant 0 : i32
        %dma_wait3A_19 = tpu.memref_slice %arg5[%arg0, %dma_wait3A, %dma_wait3A_18] : memref<2x10000x80xf32, #tpu.memory_space<hbm>> -> memref<1x10000x80xf32, #tpu.memory_space<hbm>>
        %dma_wait3A_20 = tpu.memref_squeeze %dma_wait3A_19 : memref<1x10000x80xf32, #tpu.memory_space<hbm>> -> memref<10000x80xf32, #tpu.memory_space<hbm>>
        tpu.wait_dma2 semaphore(%run_scoped3A : memref<!tpu.dma_semaphore, #tpu.memory_space<semaphore_mem>>) src(%arg8 : memref<10000x80xf32, #tpu.memory_space<vmem_shared>>) dst(%dma_wait3A_20 : memref<10000x80xf32, #tpu.memory_space<hbm>>)
        tpu.yield
      }) : () -> ()
    } else {
    }
    return
  }
}

#map = affine_map<(d0, d1) -> (0, 0)>
#map1 = affine_map<(d0, d1) -> (0)>
#map2 = affine_map<(d0, d1) -> (0, 0, 0)>
module attributes {stable_mosaic.version = 14 : i64} {
  func.func @_sc_sa_body(%arg0: i32, %arg1: i32, %arg2: memref<320000x48xf32, #tpu.memory_space<hbm>>, %arg3: memref<320000x16xf32, #tpu.memory_space<hbm>>, %arg4: memref<320000xi32, #tpu.memory_space<hbm>>, %arg5: memref<10000x48xf32, #tpu.memory_space<hbm>>, %arg6: memref<10000x16xf32, #tpu.memory_space<hbm>>, %arg7: memref<2x10000x48xf32, #tpu.memory_space<hbm>>, %arg8: memref<2x10000x16xf32, #tpu.memory_space<hbm>>, %arg9: memref<80xi32, #tpu.memory_space<vmem>>, %arg10: memref<80x48xf32, #tpu.memory_space<vmem>>, %arg11: memref<80x16xf32, #tpu.memory_space<vmem>>, %arg12: memref<10000x48xf32, #tpu.memory_space<vmem_shared>>, %arg13: memref<10000x16xf32, #tpu.memory_space<vmem_shared>>, %arg14: memref<!tpu.dma_semaphore, #tpu.memory_space<semaphore_mem>>) attributes {dimension_semantics = [#tpu.dimension_semantics<core_parallel>, #tpu.dimension_semantics<subcore_parallel>], iteration_bounds = array<i64: 2, 16>, scalar_prefetch = 0 : i64, scratch_operands = 6 : i64, tpu.core_type = #tpu.core_type<sc_vector_subcore>, window_params = [{transform_indices = #map}, {transform_indices = #map}, {transform_indices = #map1}, {transform_indices = #map}, {transform_indices = #map}, {transform_indices = #map2}, {transform_indices = #map2}]} {
    %mul3A = arith.constant 2 : i32
    %mul3A_0 = arith.muli %arg1, %mul3A : i32
    %add3A = arith.addi %mul3A_0, %arg0 : i32
    %eq3A = arith.constant 0 : i32
    %eq3A_1 = arith.cmpi eq, %arg1, %eq3A : i32
    %convert_element_type3A = arith.extui %eq3A_1 : i1 to i32
    %cond3A = arith.constant 0 : i32
    %cond3A_2 = arith.cmpi ne, %convert_element_type3A, %cond3A : i32
    scf.if %cond3A_2 {
      "tpu.region"() ({
        %run_scoped3A = tpu.sem_alloc : memref<!tpu.dma_semaphore, #tpu.memory_space<semaphore_mem>>
        tpu.enqueue_dma source(%arg5 : memref<10000x48xf32, #tpu.memory_space<hbm>>) target(%arg12 : memref<10000x48xf32, #tpu.memory_space<vmem_shared>>) target_semaphore(%run_scoped3A : memref<!tpu.dma_semaphore, #tpu.memory_space<semaphore_mem>>)
        tpu.wait_dma2 semaphore(%run_scoped3A : memref<!tpu.dma_semaphore, #tpu.memory_space<semaphore_mem>>) src(%arg5 : memref<10000x48xf32, #tpu.memory_space<hbm>>) dst(%arg12 : memref<10000x48xf32, #tpu.memory_space<vmem_shared>>)
        tpu.yield
      }) : () -> ()
      "tpu.region"() ({
        %run_scoped3A = tpu.sem_alloc : memref<!tpu.dma_semaphore, #tpu.memory_space<semaphore_mem>>
        tpu.enqueue_dma source(%arg6 : memref<10000x16xf32, #tpu.memory_space<hbm>>) target(%arg13 : memref<10000x16xf32, #tpu.memory_space<vmem_shared>>) target_semaphore(%run_scoped3A : memref<!tpu.dma_semaphore, #tpu.memory_space<semaphore_mem>>)
        tpu.wait_dma2 semaphore(%run_scoped3A : memref<!tpu.dma_semaphore, #tpu.memory_space<semaphore_mem>>) src(%arg6 : memref<10000x16xf32, #tpu.memory_space<hbm>>) dst(%arg13 : memref<10000x16xf32, #tpu.memory_space<vmem_shared>>)
        tpu.yield
      }) : () -> ()
    } else {
    }
    %barrier3A = arith.constant 0 : index
    tpu.barrier barrier_id(%barrier3A)
    %scan3A = arith.constant 0 : i32
    %scan3A_3 = arith.constant 0 : i32
    %scan3A_4 = arith.constant 125 : i32
    %scan3A_5 = arith.addi %scan3A_3, %scan3A_4 : i32
    %scan3A_6 = arith.constant 1 : i32
    %scan3A_7 = scf.for %scan3A_15 = %scan3A_3 to %scan3A_5 step %scan3A_6 iter_args(%scan3A_16 = %scan3A) -> (i32)  : i32 {
      %mul3A_17 = arith.constant 125 : i32
      %mul3A_18 = arith.muli %add3A, %mul3A_17 : i32
      %add3A_19 = arith.addi %mul3A_18, %scan3A_15 : i32
      %mul3A_20 = arith.constant 80 : i32
      %mul3A_21 = arith.muli %add3A_19, %mul3A_20 : i32
      "tpu.region"() ({
        %run_scoped3A = tpu.sem_alloc : memref<!tpu.dma_semaphore, #tpu.memory_space<semaphore_mem>>
        %dma_start3A = tpu.memref_slice %arg4[%mul3A_21] : memref<320000xi32, #tpu.memory_space<hbm>> -> memref<80xi32, #tpu.memory_space<hbm>>
        %dma_start3A_23 = tpu.memref_slice %arg4[%mul3A_21] : memref<320000xi32, #tpu.memory_space<hbm>> -> memref<80xi32, #tpu.memory_space<hbm>>
        tpu.enqueue_dma source(%dma_start3A_23 : memref<80xi32, #tpu.memory_space<hbm>>) target(%arg9 : memref<80xi32, #tpu.memory_space<vmem>>) target_semaphore(%run_scoped3A : memref<!tpu.dma_semaphore, #tpu.memory_space<semaphore_mem>>)
        %dma_wait3A = tpu.memref_slice %arg4[%mul3A_21] : memref<320000xi32, #tpu.memory_space<hbm>> -> memref<80xi32, #tpu.memory_space<hbm>>
        %dma_wait3A_24 = tpu.memref_slice %arg4[%mul3A_21] : memref<320000xi32, #tpu.memory_space<hbm>> -> memref<80xi32, #tpu.memory_space<hbm>>
        tpu.wait_dma2 semaphore(%run_scoped3A : memref<!tpu.dma_semaphore, #tpu.memory_space<semaphore_mem>>) src(%dma_wait3A_24 : memref<80xi32, #tpu.memory_space<hbm>>) dst(%arg9 : memref<80xi32, #tpu.memory_space<vmem>>)
        tpu.yield
      }) : () -> ()
      "tpu.region"() ({
        %run_scoped3A = tpu.sem_alloc : memref<!tpu.dma_semaphore, #tpu.memory_space<semaphore_mem>>
        %dma_start3A = arith.constant 0 : i32
        %dma_start3A_23 = tpu.memref_slice %arg2[%mul3A_21, %dma_start3A] : memref<320000x48xf32, #tpu.memory_space<hbm>> -> memref<80x48xf32, #tpu.memory_space<hbm>>
        %dma_start3A_24 = arith.constant 0 : i32
        %dma_start3A_25 = tpu.memref_slice %arg2[%mul3A_21, %dma_start3A_24] : memref<320000x48xf32, #tpu.memory_space<hbm>> -> memref<80x48xf32, #tpu.memory_space<hbm>>
        tpu.enqueue_dma source(%dma_start3A_25 : memref<80x48xf32, #tpu.memory_space<hbm>>) target(%arg10 : memref<80x48xf32, #tpu.memory_space<vmem>>) target_semaphore(%run_scoped3A : memref<!tpu.dma_semaphore, #tpu.memory_space<semaphore_mem>>)
        %dma_wait3A = arith.constant 0 : i32
        %dma_wait3A_26 = tpu.memref_slice %arg2[%mul3A_21, %dma_wait3A] : memref<320000x48xf32, #tpu.memory_space<hbm>> -> memref<80x48xf32, #tpu.memory_space<hbm>>
        %dma_wait3A_27 = arith.constant 0 : i32
        %dma_wait3A_28 = tpu.memref_slice %arg2[%mul3A_21, %dma_wait3A_27] : memref<320000x48xf32, #tpu.memory_space<hbm>> -> memref<80x48xf32, #tpu.memory_space<hbm>>
        tpu.wait_dma2 semaphore(%run_scoped3A : memref<!tpu.dma_semaphore, #tpu.memory_space<semaphore_mem>>) src(%dma_wait3A_28 : memref<80x48xf32, #tpu.memory_space<hbm>>) dst(%arg10 : memref<80x48xf32, #tpu.memory_space<vmem>>)
        tpu.yield
      }) : () -> ()
      "tpu.region"() ({
        %run_scoped3A = tpu.sem_alloc : memref<!tpu.dma_semaphore, #tpu.memory_space<semaphore_mem>>
        %dma_start3A = arith.constant 0 : i32
        %dma_start3A_23 = tpu.memref_slice %arg3[%mul3A_21, %dma_start3A] : memref<320000x16xf32, #tpu.memory_space<hbm>> -> memref<80x16xf32, #tpu.memory_space<hbm>>
        %dma_start3A_24 = arith.constant 0 : i32
        %dma_start3A_25 = tpu.memref_slice %arg3[%mul3A_21, %dma_start3A_24] : memref<320000x16xf32, #tpu.memory_space<hbm>> -> memref<80x16xf32, #tpu.memory_space<hbm>>
        tpu.enqueue_dma source(%dma_start3A_25 : memref<80x16xf32, #tpu.memory_space<hbm>>) target(%arg11 : memref<80x16xf32, #tpu.memory_space<vmem>>) target_semaphore(%run_scoped3A : memref<!tpu.dma_semaphore, #tpu.memory_space<semaphore_mem>>)
        %dma_wait3A = arith.constant 0 : i32
        %dma_wait3A_26 = tpu.memref_slice %arg3[%mul3A_21, %dma_wait3A] : memref<320000x16xf32, #tpu.memory_space<hbm>> -> memref<80x16xf32, #tpu.memory_space<hbm>>
        %dma_wait3A_27 = arith.constant 0 : i32
        %dma_wait3A_28 = tpu.memref_slice %arg3[%mul3A_21, %dma_wait3A_27] : memref<320000x16xf32, #tpu.memory_space<hbm>> -> memref<80x16xf32, #tpu.memory_space<hbm>>
        tpu.wait_dma2 semaphore(%run_scoped3A : memref<!tpu.dma_semaphore, #tpu.memory_space<semaphore_mem>>) src(%dma_wait3A_28 : memref<80x16xf32, #tpu.memory_space<hbm>>) dst(%arg11 : memref<80x16xf32, #tpu.memory_space<vmem>>)
        tpu.yield
      }) : () -> ()
      "tpu.region"() ({
        %run_scoped3A = tpu.sem_alloc : memref<!tpu.dma_semaphore, #tpu.memory_space<semaphore_mem>>
        %dma_start3A = arith.constant 0 : i32
        %dma_start3A_23 = arith.constant 0 : i32
        %dma_start3A_24 = tpu.memref_slice %arg12[%dma_start3A, %dma_start3A_23] : memref<10000x48xf32, #tpu.memory_space<vmem_shared>> -> memref<10000x48xf32, #tpu.memory_space<vmem_shared>>
        tpu.enqueue_indirect_dma source(%arg10 : memref<80x48xf32, #tpu.memory_space<vmem>>) target(%dma_start3A_24 : memref<10000x48xf32, #tpu.memory_space<vmem_shared>>) offsets(%arg9 : memref<80xi32, #tpu.memory_space<vmem>>) semaphore(%run_scoped3A : memref<!tpu.dma_semaphore, #tpu.memory_space<semaphore_mem>>) {add = true}
        %dma_wait3A = arith.constant 0 : i32
        %dma_wait3A_25 = arith.constant 0 : i32
        %dma_wait3A_26 = tpu.memref_slice %arg12[%dma_wait3A, %dma_wait3A_25] : memref<10000x48xf32, #tpu.memory_space<vmem_shared>> -> memref<10000x48xf32, #tpu.memory_space<vmem_shared>>
        tpu.wait_indirect_dma semaphore(%run_scoped3A : memref<!tpu.dma_semaphore, #tpu.memory_space<semaphore_mem>>) src(%arg10 : memref<80x48xf32, #tpu.memory_space<vmem>>) dst(%dma_wait3A_26 : memref<10000x48xf32, #tpu.memory_space<vmem_shared>>)
        tpu.yield
      }) : () -> ()
      "tpu.region"() ({
        %run_scoped3A = tpu.sem_alloc : memref<!tpu.dma_semaphore, #tpu.memory_space<semaphore_mem>>
        %dma_start3A = arith.constant 0 : i32
        %dma_start3A_23 = arith.constant 0 : i32
        %dma_start3A_24 = tpu.memref_slice %arg13[%dma_start3A, %dma_start3A_23] : memref<10000x16xf32, #tpu.memory_space<vmem_shared>> -> memref<10000x16xf32, #tpu.memory_space<vmem_shared>>
        tpu.enqueue_indirect_dma source(%arg11 : memref<80x16xf32, #tpu.memory_space<vmem>>) target(%dma_start3A_24 : memref<10000x16xf32, #tpu.memory_space<vmem_shared>>) offsets(%arg9 : memref<80xi32, #tpu.memory_space<vmem>>) semaphore(%run_scoped3A : memref<!tpu.dma_semaphore, #tpu.memory_space<semaphore_mem>>) {add = true}
        %dma_wait3A = arith.constant 0 : i32
        %dma_wait3A_25 = arith.constant 0 : i32
        %dma_wait3A_26 = tpu.memref_slice %arg13[%dma_wait3A, %dma_wait3A_25] : memref<10000x16xf32, #tpu.memory_space<vmem_shared>> -> memref<10000x16xf32, #tpu.memory_space<vmem_shared>>
        tpu.wait_indirect_dma semaphore(%run_scoped3A : memref<!tpu.dma_semaphore, #tpu.memory_space<semaphore_mem>>) src(%arg11 : memref<80x16xf32, #tpu.memory_space<vmem>>) dst(%dma_wait3A_26 : memref<10000x16xf32, #tpu.memory_space<vmem_shared>>)
        tpu.yield
      }) : () -> ()
      %scan3A_22 = arith.constant 0 : i32
      scf.yield %scan3A_22 : i32
    }
    %scan3A_8 = arith.constant 125 : i32
    %barrier3A_9 = arith.constant 0 : index
    tpu.barrier barrier_id(%barrier3A_9)
    %eq3A_10 = arith.constant 0 : i32
    %eq3A_11 = arith.cmpi eq, %arg1, %eq3A_10 : i32
    %convert_element_type3A_12 = arith.extui %eq3A_11 : i1 to i32
    %cond3A_13 = arith.constant 0 : i32
    %cond3A_14 = arith.cmpi ne, %convert_element_type3A_12, %cond3A_13 : i32
    scf.if %cond3A_14 {
      "tpu.region"() ({
        %run_scoped3A = tpu.sem_alloc : memref<!tpu.dma_semaphore, #tpu.memory_space<semaphore_mem>>
        %dma_start3A = arith.constant 0 : i32
        %dma_start3A_15 = arith.constant 0 : i32
        %dma_start3A_16 = tpu.memref_slice %arg7[%arg0, %dma_start3A, %dma_start3A_15] : memref<2x10000x48xf32, #tpu.memory_space<hbm>> -> memref<1x10000x48xf32, #tpu.memory_space<hbm>>
        %dma_start3A_17 = tpu.memref_squeeze %dma_start3A_16 : memref<1x10000x48xf32, #tpu.memory_space<hbm>> -> memref<10000x48xf32, #tpu.memory_space<hbm>>
        tpu.enqueue_dma source(%arg12 : memref<10000x48xf32, #tpu.memory_space<vmem_shared>>) target(%dma_start3A_17 : memref<10000x48xf32, #tpu.memory_space<hbm>>) target_semaphore(%run_scoped3A : memref<!tpu.dma_semaphore, #tpu.memory_space<semaphore_mem>>)
        %dma_wait3A = arith.constant 0 : i32
        %dma_wait3A_18 = arith.constant 0 : i32
        %dma_wait3A_19 = tpu.memref_slice %arg7[%arg0, %dma_wait3A, %dma_wait3A_18] : memref<2x10000x48xf32, #tpu.memory_space<hbm>> -> memref<1x10000x48xf32, #tpu.memory_space<hbm>>
        %dma_wait3A_20 = tpu.memref_squeeze %dma_wait3A_19 : memref<1x10000x48xf32, #tpu.memory_space<hbm>> -> memref<10000x48xf32, #tpu.memory_space<hbm>>
        tpu.wait_dma2 semaphore(%run_scoped3A : memref<!tpu.dma_semaphore, #tpu.memory_space<semaphore_mem>>) src(%arg12 : memref<10000x48xf32, #tpu.memory_space<vmem_shared>>) dst(%dma_wait3A_20 : memref<10000x48xf32, #tpu.memory_space<hbm>>)
        tpu.yield
      }) : () -> ()
      "tpu.region"() ({
        %run_scoped3A = tpu.sem_alloc : memref<!tpu.dma_semaphore, #tpu.memory_space<semaphore_mem>>
        %dma_start3A = arith.constant 0 : i32
        %dma_start3A_15 = arith.constant 0 : i32
        %dma_start3A_16 = tpu.memref_slice %arg8[%arg0, %dma_start3A, %dma_start3A_15] : memref<2x10000x16xf32, #tpu.memory_space<hbm>> -> memref<1x10000x16xf32, #tpu.memory_space<hbm>>
        %dma_start3A_17 = tpu.memref_squeeze %dma_start3A_16 : memref<1x10000x16xf32, #tpu.memory_space<hbm>> -> memref<10000x16xf32, #tpu.memory_space<hbm>>
        tpu.enqueue_dma source(%arg13 : memref<10000x16xf32, #tpu.memory_space<vmem_shared>>) target(%dma_start3A_17 : memref<10000x16xf32, #tpu.memory_space<hbm>>) target_semaphore(%run_scoped3A : memref<!tpu.dma_semaphore, #tpu.memory_space<semaphore_mem>>)
        %dma_wait3A = arith.constant 0 : i32
        %dma_wait3A_18 = arith.constant 0 : i32
        %dma_wait3A_19 = tpu.memref_slice %arg8[%arg0, %dma_wait3A, %dma_wait3A_18] : memref<2x10000x16xf32, #tpu.memory_space<hbm>> -> memref<1x10000x16xf32, #tpu.memory_space<hbm>>
        %dma_wait3A_20 = tpu.memref_squeeze %dma_wait3A_19 : memref<1x10000x16xf32, #tpu.memory_space<hbm>> -> memref<10000x16xf32, #tpu.memory_space<hbm>>
        tpu.wait_dma2 semaphore(%run_scoped3A : memref<!tpu.dma_semaphore, #tpu.memory_space<semaphore_mem>>) src(%arg13 : memref<10000x16xf32, #tpu.memory_space<vmem_shared>>) dst(%dma_wait3A_20 : memref<10000x16xf32, #tpu.memory_space<hbm>>)
        tpu.yield
      }) : () -> ()
    } else {
    }
    return
  }
}

module attributes {stable_mosaic.version = 14 : i64} {
  func.func @_exs_body(%arg0: i32, %arg1: memref<4000x128xf32, #tpu.memory_space<vmem>>, %arg2: memref<4000x128xf32, #tpu.memory_space<vmem>>, %arg3: memref<4000x128xf32, #tpu.memory_space<vmem>>, %arg4: memref<4000x48xf32, #tpu.memory_space<vmem>>, %arg5: memref<4000x80xf32, #tpu.memory_space<vmem>>, %arg6: memref<4000x16xf32, #tpu.memory_space<vmem>>) attributes {dimension_semantics = [#tpu.dimension_semantics<arbitrary>], iteration_bounds = array<i64: 80>, scalar_prefetch = 0 : i64, scratch_operands = 0 : i64, tpu.core_type = #tpu.core_type<tc>, window_params = [{transform_indices = @transform_0, window_bounds = array<i64: 4000, 128>}, {transform_indices = @transform_1, window_bounds = array<i64: 4000, 128>}, {transform_indices = @transform_2, window_bounds = array<i64: 4000, 128>}, {transform_indices = @transform_3, window_bounds = array<i64: 4000, 48>}, {transform_indices = @transform_4, window_bounds = array<i64: 4000, 80>}, {transform_indices = @transform_5, window_bounds = array<i64: 4000, 16>}]} {
    %get3A = arith.constant 0 : index
    %get3A_0 = arith.constant 0 : index
    %get3A_1 = vector.load %arg1[%get3A, %get3A_0] : memref<4000x128xf32, #tpu.memory_space<vmem>>, vector<4000x128xf32>
    %get3A_2 = arith.constant 0 : index
    %get3A_3 = arith.constant 0 : index
    %get3A_4 = vector.load %arg2[%get3A_2, %get3A_3] : memref<4000x128xf32, #tpu.memory_space<vmem>>, vector<4000x128xf32>
    %mul3A = arith.mulf %get3A_1, %get3A_4 : vector<4000x128xf32>
    %reduce_sum3A = arith.constant dense<0.000000e+00> : vector<4000xf32>
    %reduce_sum3A_5 = vector.multi_reduction <add>, %mul3A, %reduce_sum3A [1] : vector<4000x128xf32> to vector<4000xf32>
    %broadcast_in_dim3A = vector.shape_cast %reduce_sum3A_5 : vector<4000xf32> to vector<4000x1xf32>
    %mul3A_6 = arith.constant 0.0883883461 : f32
    %mul3A_7 = vector.broadcast %mul3A_6 : f32 to vector<4000x1xf32>
    %mul3A_8 = arith.mulf %broadcast_in_dim3A, %mul3A_7 : vector<4000x1xf32>
    %exp3A = math.exp %mul3A_8 : vector<4000x1xf32>
    %get3A_9 = arith.constant 0 : index
    %get3A_10 = arith.constant 0 : index
    %get3A_11 = vector.load %arg3[%get3A_9, %get3A_10] : memref<4000x128xf32, #tpu.memory_space<vmem>>, vector<4000x48xf32>
    %mul3A_12 = vector.broadcast %exp3A : vector<4000x1xf32> to vector<4000x48xf32>
    %mul3A_13 = arith.mulf %mul3A_12, %get3A_11 : vector<4000x48xf32>
    %swap3A = arith.constant 0 : index
    %swap3A_14 = arith.constant 0 : index
    %swap3A_15 = vector.load %arg4[%swap3A, %swap3A_14] : memref<4000x48xf32, #tpu.memory_space<vmem>>, vector<4000x48xf32>
    tpu.vector_store %arg4[%swap3A, %swap3A_14], %mul3A_13 {strides = array<i32>} : memref<4000x48xf32, #tpu.memory_space<vmem>>, vector<4000x48xf32>,
    %get3A_16 = arith.constant 0 : index
    %get3A_17 = arith.constant 48 : index
    %get3A_18 = vector.load %arg3[%get3A_16, %get3A_17] : memref<4000x128xf32, #tpu.memory_space<vmem>>, vector<4000x80xf32>
    %mul3A_19 = vector.broadcast %exp3A : vector<4000x1xf32> to vector<4000x80xf32>
    %mul3A_20 = arith.mulf %mul3A_19, %get3A_18 : vector<4000x80xf32>
    %swap3A_21 = arith.constant 0 : index
    %swap3A_22 = arith.constant 0 : index
    %swap3A_23 = vector.load %arg5[%swap3A_21, %swap3A_22] : memref<4000x80xf32, #tpu.memory_space<vmem>>, vector<4000x80xf32>
    tpu.vector_store %arg5[%swap3A_21, %swap3A_22], %mul3A_20 {strides = array<i32>} : memref<4000x80xf32, #tpu.memory_space<vmem>>, vector<4000x80xf32>,
    %broadcast_in_dim3A_24 = vector.shape_cast %exp3A : vector<4000x1xf32> to vector<4000x1xf32>
    %broadcast_in_dim3A_25 = vector.broadcast %broadcast_in_dim3A_24 : vector<4000x1xf32> to vector<4000x16xf32>
    %swap3A_26 = arith.constant 0 : index
    %swap3A_27 = arith.constant 0 : index
    %swap3A_28 = vector.load %arg6[%swap3A_26, %swap3A_27] : memref<4000x16xf32, #tpu.memory_space<vmem>>, vector<4000x16xf32>
    tpu.vector_store %arg6[%swap3A_26, %swap3A_27], %broadcast_in_dim3A_25 {strides = array<i32>} : memref<4000x16xf32, #tpu.memory_space<vmem>>, vector<4000x16xf32>,
    return
  }
  func.func @transform_0(%arg0: i32) -> (i32, i32) {
    %c0_i32 = arith.constant 0 : i32
    %c0_i32_0 = arith.constant 0 : i32
    return %arg0, %c0_i32 : i32, i32
  }
  func.func @transform_1(%arg0: i32) -> (i32, i32) {
    %c0_i32 = arith.constant 0 : i32
    %c0_i32_0 = arith.constant 0 : i32
    return %arg0, %c0_i32 : i32, i32
  }
  func.func @transform_2(%arg0: i32) -> (i32, i32) {
    %c0_i32 = arith.constant 0 : i32
    %c0_i32_0 = arith.constant 0 : i32
    return %arg0, %c0_i32 : i32, i32
  }
  func.func @transform_3(%arg0: i32) -> (i32, i32) {
    %c0_i32 = arith.constant 0 : i32
    %c0_i32_0 = arith.constant 0 : i32
    return %arg0, %c0_i32 : i32, i32
  }
  func.func @transform_4(%arg0: i32) -> (i32, i32) {
    %c0_i32 = arith.constant 0 : i32
    %c0_i32_0 = arith.constant 0 : i32
    return %arg0, %c0_i32 : i32, i32
  }
  func.func @transform_5(%arg0: i32) -> (i32, i32) {
    %c0_i32 = arith.constant 0 : i32
    %c0_i32_0 = arith.constant 0 : i32
    return %arg0, %c0_i32 : i32, i32
  }
}

module attributes {stable_mosaic.version = 14 : i64} {
  func.func @_lin_body(%arg0: i32, %arg1: memref<1000x128xf32, #tpu.memory_space<vmem>>, %arg2: memref<128x512xf32, #tpu.memory_space<vmem>>, %arg3: memref<1x512xf32, #tpu.memory_space<vmem>>, %arg4: memref<1000x128xf32, #tpu.memory_space<vmem>>, %arg5: memref<1000x128xf32, #tpu.memory_space<vmem>>, %arg6: memref<1000x128xf32, #tpu.memory_space<vmem>>, %arg7: memref<1000x128xf32, #tpu.memory_space<vmem>>) attributes {dimension_semantics = [#tpu.dimension_semantics<arbitrary>], iteration_bounds = array<i64: 10>, scalar_prefetch = 0 : i64, scratch_operands = 0 : i64, tpu.core_type = #tpu.core_type<tc>, window_params = [{transform_indices = @transform_0, window_bounds = array<i64: 1000, 128>}, {pipeline_mode = #tpu.pipeline_mode<synchronous>, transform_indices = @transform_1, window_bounds = array<i64: 128, 512>}, {pipeline_mode = #tpu.pipeline_mode<synchronous>, transform_indices = @transform_2, window_bounds = array<i64: 1, 512>}, {transform_indices = @transform_3, window_bounds = array<i64: 1000, 128>}, {transform_indices = @transform_4, window_bounds = array<i64: 1000, 128>}, {transform_indices = @transform_5, window_bounds = array<i64: 1000, 128>}, {transform_indices = @transform_6, window_bounds = array<i64: 1000, 128>}]} {
    %get3A = arith.constant 0 : index
    %get3A_0 = arith.constant 0 : index
    %get3A_1 = vector.load %arg1[%get3A, %get3A_0] : memref<1000x128xf32, #tpu.memory_space<vmem>>, vector<1000x128xf32>
    %get3A_2 = arith.constant 0 : index
    %get3A_3 = arith.constant 0 : index
    %get3A_4 = vector.load %arg2[%get3A_2, %get3A_3] : memref<128x512xf32, #tpu.memory_space<vmem>>, vector<128x512xf32>
    %dot_general3A = arith.constant dense<0.000000e+00> : vector<1000x512xf32>
    %dot_general3A_5 = tpu.matmul %get3A_1, %get3A_4, %dot_general3A {dimension_numbers = #tpu.dot_dimension_numbers<[1], [0], [0], [1], [0, 0, 1, 1], [], []>, transpose_lhs_hint = false} : vector<1000x128xf32>, vector<128x512xf32>, vector<1000x512xf32> -> vector<1000x512xf32>
    %get3A_6 = arith.constant 0 : index
    %get3A_7 = arith.constant 0 : index
    %get3A_8 = vector.load %arg3[%get3A_6, %get3A_7] : memref<1x512xf32, #tpu.memory_space<vmem>>, vector<1x512xf32>
    %add3A = vector.broadcast %get3A_8 : vector<1x512xf32> to vector<1000x512xf32>
    %add3A_9 = arith.addf %dot_general3A_5, %add3A : vector<1000x512xf32>
    %slice3A = vector.extract_strided_slice %add3A_9 {offsets = [0, 0], sizes = [1000, 128], strides = [1, 1]} : vector<1000x512xf32> to vector<1000x128xf32>
    %swap3A = arith.constant 0 : index
    %swap3A_10 = arith.constant 0 : index
    %swap3A_11 = vector.load %arg4[%swap3A, %swap3A_10] : memref<1000x128xf32, #tpu.memory_space<vmem>>, vector<1000x128xf32>
    tpu.vector_store %arg4[%swap3A, %swap3A_10], %slice3A {strides = array<i32>} : memref<1000x128xf32, #tpu.memory_space<vmem>>, vector<1000x128xf32>,
    %slice3A_12 = vector.extract_strided_slice %add3A_9 {offsets = [0, 128], sizes = [1000, 128], strides = [1, 1]} : vector<1000x512xf32> to vector<1000x128xf32>
    %swap3A_13 = arith.constant 0 : index
    %swap3A_14 = arith.constant 0 : index
    %swap3A_15 = vector.load %arg5[%swap3A_13, %swap3A_14] : memref<1000x128xf32, #tpu.memory_space<vmem>>, vector<1000x128xf32>
    tpu.vector_store %arg5[%swap3A_13, %swap3A_14], %slice3A_12 {strides = array<i32>} : memref<1000x128xf32, #tpu.memory_space<vmem>>, vector<1000x128xf32>,
    %slice3A_16 = vector.extract_strided_slice %add3A_9 {offsets = [0, 256], sizes = [1000, 128], strides = [1, 1]} : vector<1000x512xf32> to vector<1000x128xf32>
    %swap3A_17 = arith.constant 0 : index
    %swap3A_18 = arith.constant 0 : index
    %swap3A_19 = vector.load %arg6[%swap3A_17, %swap3A_18] : memref<1000x128xf32, #tpu.memory_space<vmem>>, vector<1000x128xf32>
    tpu.vector_store %arg6[%swap3A_17, %swap3A_18], %slice3A_16 {strides = array<i32>} : memref<1000x128xf32, #tpu.memory_space<vmem>>, vector<1000x128xf32>,
    %slice3A_20 = vector.extract_strided_slice %add3A_9 {offsets = [0, 384], sizes = [1000, 128], strides = [1, 1]} : vector<1000x512xf32> to vector<1000x128xf32>
    %swap3A_21 = arith.constant 0 : index
    %swap3A_22 = arith.constant 0 : index
    %swap3A_23 = vector.load %arg7[%swap3A_21, %swap3A_22] : memref<1000x128xf32, #tpu.memory_space<vmem>>, vector<1000x128xf32>
    tpu.vector_store %arg7[%swap3A_21, %swap3A_22], %slice3A_20 {strides = array<i32>} : memref<1000x128xf32, #tpu.memory_space<vmem>>, vector<1000x128xf32>,
    return
  }
  func.func @transform_0(%arg0: i32) -> (i32, i32) {
    %c0_i32 = arith.constant 0 : i32
    %c0_i32_0 = arith.constant 0 : i32
    return %arg0, %c0_i32 : i32, i32
  }
  func.func @transform_1(%arg0: i32) -> (i32, i32) {
    %c0_i32 = arith.constant 0 : i32
    %c0_i32_0 = arith.constant 0 : i32
    %c0_i32_1 = arith.constant 0 : i32
    return %c0_i32, %c0_i32_0 : i32, i32
  }
  func.func @transform_2(%arg0: i32) -> (i32, i32) {
    %c0_i32 = arith.constant 0 : i32
    %c0_i32_0 = arith.constant 0 : i32
    %c0_i32_1 = arith.constant 0 : i32
    return %c0_i32, %c0_i32_0 : i32, i32
  }
  func.func @transform_3(%arg0: i32) -> (i32, i32) {
    %c0_i32 = arith.constant 0 : i32
    %c0_i32_0 = arith.constant 0 : i32
    return %arg0, %c0_i32 : i32, i32
  }
  func.func @transform_4(%arg0: i32) -> (i32, i32) {
    %c0_i32 = arith.constant 0 : i32
    %c0_i32_0 = arith.constant 0 : i32
    return %arg0, %c0_i32 : i32, i32
  }
  func.func @transform_5(%arg0: i32) -> (i32, i32) {
    %c0_i32 = arith.constant 0 : i32
    %c0_i32_0 = arith.constant 0 : i32
    return %arg0, %c0_i32 : i32, i32
  }
  func.func @transform_6(%arg0: i32) -> (i32, i32) {
    %c0_i32 = arith.constant 0 : i32
    %c0_i32_0 = arith.constant 0 : i32
    return %arg0, %c0_i32 : i32, i32
  }
}

module attributes {stable_mosaic.version = 14 : i64} {
  func.func @_comb_body(%arg0: i32, %arg1: memref<1x1000x48xf32, #tpu.memory_space<vmem>>, %arg2: memref<1x1000x48xf32, #tpu.memory_space<vmem>>, %arg3: memref<1x1000x80xf32, #tpu.memory_space<vmem>>, %arg4: memref<1x1000x80xf32, #tpu.memory_space<vmem>>, %arg5: memref<1x1000x16xf32, #tpu.memory_space<vmem>>, %arg6: memref<1x1000x16xf32, #tpu.memory_space<vmem>>, %arg7: memref<1000x128xf32, #tpu.memory_space<vmem>>, %arg8: memref<1000x128xf32, #tpu.memory_space<vmem>>, %arg9: memref<8x128xf32, #tpu.memory_space<vmem>>) attributes {dimension_semantics = [#tpu.dimension_semantics<arbitrary>], iteration_bounds = array<i64: 10>, scalar_prefetch = 0 : i64, scratch_operands = 0 : i64, tpu.core_type = #tpu.core_type<tc>, window_params = [{transform_indices = @transform_0, window_bounds = array<i64: 1, 1000, 48>}, {transform_indices = @transform_1, window_bounds = array<i64: 1, 1000, 48>}, {transform_indices = @transform_2, window_bounds = array<i64: 1, 1000, 80>}, {transform_indices = @transform_3, window_bounds = array<i64: 1, 1000, 80>}, {transform_indices = @transform_4, window_bounds = array<i64: 1, 1000, 16>}, {transform_indices = @transform_5, window_bounds = array<i64: 1, 1000, 16>}, {transform_indices = @transform_6, window_bounds = array<i64: 1000, 128>}, {transform_indices = @transform_7, window_bounds = array<i64: 1000, 128>}, {pipeline_mode = #tpu.pipeline_mode<synchronous>, transform_indices = @transform_8, window_bounds = array<i64: 8, 128>}]} {
    %get3A = arith.constant 0 : index
    %get3A_0 = arith.constant 0 : index
    %get3A_1 = arith.constant 0 : index
    %get3A_2 = vector.load %arg5[%get3A, %get3A_0, %get3A_1] : memref<1x1000x16xf32, #tpu.memory_space<vmem>>, vector<1x1000x16xf32>
    %get3A_3 = vector.shape_cast %get3A_2 : vector<1x1000x16xf32> to vector<1000x16xf32>
    %get3A_4 = arith.constant 0 : index
    %get3A_5 = arith.constant 0 : index
    %get3A_6 = arith.constant 0 : index
    %get3A_7 = vector.load %arg6[%get3A_4, %get3A_5, %get3A_6] : memref<1x1000x16xf32, #tpu.memory_space<vmem>>, vector<1x1000x16xf32>
    %get3A_8 = vector.shape_cast %get3A_7 : vector<1x1000x16xf32> to vector<1000x16xf32>
    %add3A = arith.addf %get3A_3, %get3A_8 : vector<1000x16xf32>
    %reduce_sum3A = arith.constant dense<0.000000e+00> : vector<1000xf32>
    %reduce_sum3A_9 = vector.multi_reduction <add>, %add3A, %reduce_sum3A [1] : vector<1000x16xf32> to vector<1000xf32>
    %broadcast_in_dim3A = vector.shape_cast %reduce_sum3A_9 : vector<1000xf32> to vector<1000x1xf32>
    %mul3A = arith.constant 6.250000e-02 : f32
    %mul3A_10 = vector.broadcast %mul3A : f32 to vector<1000x1xf32>
    %mul3A_11 = arith.mulf %broadcast_in_dim3A, %mul3A_10 : vector<1000x1xf32>
    %get3A_12 = arith.constant 0 : index
    %get3A_13 = arith.constant 0 : index
    %get3A_14 = arith.constant 0 : index
    %get3A_15 = vector.load %arg1[%get3A_12, %get3A_13, %get3A_14] : memref<1x1000x48xf32, #tpu.memory_space<vmem>>, vector<1x1000x48xf32>
    %get3A_16 = vector.shape_cast %get3A_15 : vector<1x1000x48xf32> to vector<1000x48xf32>
    %get3A_17 = arith.constant 0 : index
    %get3A_18 = arith.constant 0 : index
    %get3A_19 = arith.constant 0 : index
    %get3A_20 = vector.load %arg2[%get3A_17, %get3A_18, %get3A_19] : memref<1x1000x48xf32, #tpu.memory_space<vmem>>, vector<1x1000x48xf32>
    %get3A_21 = vector.shape_cast %get3A_20 : vector<1x1000x48xf32> to vector<1000x48xf32>
    %add3A_22 = arith.addf %get3A_16, %get3A_21 : vector<1000x48xf32>
    %get3A_23 = arith.constant 0 : index
    %get3A_24 = arith.constant 0 : index
    %get3A_25 = arith.constant 0 : index
    %get3A_26 = vector.load %arg3[%get3A_23, %get3A_24, %get3A_25] : memref<1x1000x80xf32, #tpu.memory_space<vmem>>, vector<1x1000x80xf32>
    %get3A_27 = vector.shape_cast %get3A_26 : vector<1x1000x80xf32> to vector<1000x80xf32>
    %get3A_28 = arith.constant 0 : index
    %get3A_29 = arith.constant 0 : index
    %get3A_30 = arith.constant 0 : index
    %get3A_31 = vector.load %arg4[%get3A_28, %get3A_29, %get3A_30] : memref<1x1000x80xf32, #tpu.memory_space<vmem>>, vector<1x1000x80xf32>
    %get3A_32 = vector.shape_cast %get3A_31 : vector<1x1000x80xf32> to vector<1000x80xf32>
    %add3A_33 = arith.addf %get3A_27, %get3A_32 : vector<1000x80xf32>
    %concatenate3A = tpu.concatenate %add3A_22, %add3A_33 in 1 : vector<1000x48xf32>, vector<1000x80xf32> -> vector<1000x128xf32>
    %add3A_34 = arith.constant 1.000000e-16 : f32
    %add3A_35 = vector.broadcast %add3A_34 : f32 to vector<1000x1xf32>
    %add3A_36 = arith.addf %mul3A_11, %add3A_35 : vector<1000x1xf32>
    %div3A = vector.broadcast %add3A_36 : vector<1000x1xf32> to vector<1000x128xf32>
    %div3A_37 = arith.divf %concatenate3A, %div3A : vector<1000x128xf32>
    %get3A_38 = arith.constant 0 : index
    %get3A_39 = arith.constant 0 : index
    %get3A_40 = vector.load %arg7[%get3A_38, %get3A_39] : memref<1000x128xf32, #tpu.memory_space<vmem>>, vector<1000x128xf32>
    %add3A_41 = arith.addf %div3A_37, %get3A_40 : vector<1000x128xf32>
    %swap3A = arith.constant 0 : index
    %swap3A_42 = arith.constant 0 : index
    %swap3A_43 = vector.load %arg8[%swap3A, %swap3A_42] : memref<1000x128xf32, #tpu.memory_space<vmem>>, vector<1000x128xf32>
    tpu.vector_store %arg8[%swap3A, %swap3A_42], %add3A_41 {strides = array<i32>} : memref<1000x128xf32, #tpu.memory_space<vmem>>, vector<1000x128xf32>,
    %eq3A = arith.constant 0 : i32
    %eq3A_44 = arith.cmpi eq, %arg0, %eq3A : i32
    %convert_element_type3A = arith.extui %eq3A_44 : i1 to i32
    %cond3A = arith.constant 0 : i32
    %cond3A_45 = arith.cmpi ne, %convert_element_type3A, %cond3A : i32
    scf.if %cond3A_45 {
      %broadcast_in_dim3A_67 = arith.constant 0.000000e+00 : f32
      %broadcast_in_dim3A_68 = vector.broadcast %broadcast_in_dim3A_67 : f32 to vector<8x128xf32>
      %swap3A_69 = arith.constant 0 : index
      %swap3A_70 = arith.constant 0 : index
      %swap3A_71 = vector.load %arg9[%swap3A_69, %swap3A_70] : memref<8x128xf32, #tpu.memory_space<vmem>>, vector<8x128xf32>
      tpu.vector_store %arg9[%swap3A_69, %swap3A_70], %broadcast_in_dim3A_68 {strides = array<i32>} : memref<8x128xf32, #tpu.memory_space<vmem>>, vector<8x128xf32>,
    } else {
    }
    %get3A_46 = arith.constant 0 : index
    %get3A_47 = arith.constant 0 : index
    %get3A_48 = vector.load %arg9[%get3A_46, %get3A_47] : memref<8x128xf32, #tpu.memory_space<vmem>>, vector<1x128xf32>
    %reduce_sum3A_49 = arith.constant dense<0.000000e+00> : vector<128xf32>
    %reduce_sum3A_50 = vector.multi_reduction <add>, %add3A_41, %reduce_sum3A_49 [0] : vector<1000x128xf32> to vector<128xf32>
    %broadcast_in_dim3A_51 = vector.shape_cast %reduce_sum3A_50 : vector<128xf32> to vector<1x128xf32>
    %add3A_52 = arith.addf %get3A_48, %broadcast_in_dim3A_51 : vector<1x128xf32>
    %swap3A_53 = arith.constant 0 : index
    %swap3A_54 = arith.constant 0 : index
    %swap3A_55 = vector.load %arg9[%swap3A_53, %swap3A_54] : memref<8x128xf32, #tpu.memory_space<vmem>>, vector<1x128xf32>
    tpu.vector_store %arg9[%swap3A_53, %swap3A_54], %add3A_52 {strides = array<i32>} : memref<8x128xf32, #tpu.memory_space<vmem>>, vector<1x128xf32>,
    %get3A_56 = arith.constant 1 : index
    %get3A_57 = arith.constant 0 : index
    %get3A_58 = vector.load %arg9[%get3A_56, %get3A_57] : memref<8x128xf32, #tpu.memory_space<vmem>>, vector<1x128xf32>
    %mul3A_59 = arith.mulf %add3A_41, %add3A_41 : vector<1000x128xf32>
    %reduce_sum3A_60 = arith.constant dense<0.000000e+00> : vector<128xf32>
    %reduce_sum3A_61 = vector.multi_reduction <add>, %mul3A_59, %reduce_sum3A_60 [0] : vector<1000x128xf32> to vector<128xf32>
    %broadcast_in_dim3A_62 = vector.shape_cast %reduce_sum3A_61 : vector<128xf32> to vector<1x128xf32>
    %add3A_63 = arith.addf %get3A_58, %broadcast_in_dim3A_62 : vector<1x128xf32>
    %swap3A_64 = arith.constant 1 : index
    %swap3A_65 = arith.constant 0 : index
    %swap3A_66 = vector.load %arg9[%swap3A_64, %swap3A_65] : memref<8x128xf32, #tpu.memory_space<vmem>>, vector<1x128xf32>
    tpu.vector_store %arg9[%swap3A_64, %swap3A_65], %add3A_63 {strides = array<i32>} : memref<8x128xf32, #tpu.memory_space<vmem>>, vector<1x128xf32>,
    return
  }
  func.func @transform_0(%arg0: i32) -> (i32, i32, i32) {
    %c0_i32 = arith.constant 0 : i32
    %c0_i32_0 = arith.constant 0 : i32
    %c0_i32_1 = arith.constant 0 : i32
    return %c0_i32, %arg0, %c0_i32_0 : i32, i32, i32
  }
  func.func @transform_1(%arg0: i32) -> (i32, i32, i32) {
    %c1_i32 = arith.constant 1 : i32
    %c0_i32 = arith.constant 0 : i32
    %c0_i32_0 = arith.constant 0 : i32
    return %c1_i32, %arg0, %c0_i32 : i32, i32, i32
  }
  func.func @transform_2(%arg0: i32) -> (i32, i32, i32) {
    %c0_i32 = arith.constant 0 : i32
    %c0_i32_0 = arith.constant 0 : i32
    %c0_i32_1 = arith.constant 0 : i32
    return %c0_i32, %arg0, %c0_i32_0 : i32, i32, i32
  }
  func.func @transform_3(%arg0: i32) -> (i32, i32, i32) {
    %c1_i32 = arith.constant 1 : i32
    %c0_i32 = arith.constant 0 : i32
    %c0_i32_0 = arith.constant 0 : i32
    return %c1_i32, %arg0, %c0_i32 : i32, i32, i32
  }
  func.func @transform_4(%arg0: i32) -> (i32, i32, i32) {
    %c0_i32 = arith.constant 0 : i32
    %c0_i32_0 = arith.constant 0 : i32
    %c0_i32_1 = arith.constant 0 : i32
    return %c0_i32, %arg0, %c0_i32_0 : i32, i32, i32
  }
  func.func @transform_5(%arg0: i32) -> (i32, i32, i32) {
    %c1_i32 = arith.constant 1 : i32
    %c0_i32 = arith.constant 0 : i32
    %c0_i32_0 = arith.constant 0 : i32
    return %c1_i32, %arg0, %c0_i32 : i32, i32, i32
  }
  func.func @transform_6(%arg0: i32) -> (i32, i32) {
    %c0_i32 = arith.constant 0 : i32
    %c0_i32_0 = arith.constant 0 : i32
    return %arg0, %c0_i32 : i32, i32
  }
  func.func @transform_7(%arg0: i32) -> (i32, i32) {
    %c0_i32 = arith.constant 0 : i32
    %c0_i32_0 = arith.constant 0 : i32
    return %arg0, %c0_i32 : i32, i32
  }
  func.func @transform_8(%arg0: i32) -> (i32, i32) {
    %c0_i32 = arith.constant 0 : i32
    %c0_i32_0 = arith.constant 0 : i32
    %c0_i32_1 = arith.constant 0 : i32
    return %c0_i32, %c0_i32_0 : i32, i32
  }
}

module attributes {stable_mosaic.version = 14 : i64} {
  func.func @_bnlin_body(%arg0: i32, %arg1: memref<1000x128xf32, #tpu.memory_space<vmem>>, %arg2: memref<8x128xf32, #tpu.memory_space<vmem>>, %arg3: memref<1x128xf32, #tpu.memory_space<vmem>>, %arg4: memref<1x128xf32, #tpu.memory_space<vmem>>, %arg5: memref<128x512xf32, #tpu.memory_space<vmem>>, %arg6: memref<1x512xf32, #tpu.memory_space<vmem>>, %arg7: memref<1000x128xf32, #tpu.memory_space<vmem>>, %arg8: memref<1000x128xf32, #tpu.memory_space<vmem>>, %arg9: memref<1000x128xf32, #tpu.memory_space<vmem>>, %arg10: memref<1000x128xf32, #tpu.memory_space<vmem>>) attributes {dimension_semantics = [#tpu.dimension_semantics<arbitrary>], iteration_bounds = array<i64: 10>, scalar_prefetch = 0 : i64, scratch_operands = 0 : i64, tpu.core_type = #tpu.core_type<tc>, window_params = [{transform_indices = @transform_0, window_bounds = array<i64: 1000, 128>}, {pipeline_mode = #tpu.pipeline_mode<synchronous>, transform_indices = @transform_1, window_bounds = array<i64: 8, 128>}, {pipeline_mode = #tpu.pipeline_mode<synchronous>, transform_indices = @transform_2, window_bounds = array<i64: 1, 128>}, {pipeline_mode = #tpu.pipeline_mode<synchronous>, transform_indices = @transform_3, window_bounds = array<i64: 1, 128>}, {pipeline_mode = #tpu.pipeline_mode<synchronous>, transform_indices = @transform_4, window_bounds = array<i64: 128, 512>}, {pipeline_mode = #tpu.pipeline_mode<synchronous>, transform_indices = @transform_5, window_bounds = array<i64: 1, 512>}, {transform_indices = @transform_6, window_bounds = array<i64: 1000, 128>}, {transform_indices = @transform_7, window_bounds = array<i64: 1000, 128>}, {transform_indices = @transform_8, window_bounds = array<i64: 1000, 128>}, {transform_indices = @transform_9, window_bounds = array<i64: 1000, 128>}]} {
    %get3A = arith.constant 0 : index
    %get3A_0 = arith.constant 0 : index
    %get3A_1 = vector.load %arg2[%get3A, %get3A_0] : memref<8x128xf32, #tpu.memory_space<vmem>>, vector<1x128xf32>
    %mul3A = arith.constant 9.99999974E-5 : f32
    %mul3A_2 = vector.broadcast %mul3A : f32 to vector<1x128xf32>
    %mul3A_3 = arith.mulf %get3A_1, %mul3A_2 : vector<1x128xf32>
    %get3A_4 = arith.constant 1 : index
    %get3A_5 = arith.constant 0 : index
    %get3A_6 = vector.load %arg2[%get3A_4, %get3A_5] : memref<8x128xf32, #tpu.memory_space<vmem>>, vector<1x128xf32>
    %mul3A_7 = arith.constant 9.99999974E-5 : f32
    %mul3A_8 = vector.broadcast %mul3A_7 : f32 to vector<1x128xf32>
    %mul3A_9 = arith.mulf %get3A_6, %mul3A_8 : vector<1x128xf32>
    %mul3A_10 = arith.mulf %mul3A_3, %mul3A_3 : vector<1x128xf32>
    %sub3A = arith.subf %mul3A_9, %mul3A_10 : vector<1x128xf32>
    %get3A_11 = arith.constant 0 : index
    %get3A_12 = arith.constant 0 : index
    %get3A_13 = vector.load %arg1[%get3A_11, %get3A_12] : memref<1000x128xf32, #tpu.memory_space<vmem>>, vector<1000x128xf32>
    %sub3A_14 = vector.broadcast %mul3A_3 : vector<1x128xf32> to vector<1000x128xf32>
    %sub3A_15 = arith.subf %get3A_13, %sub3A_14 : vector<1000x128xf32>
    %add3A = arith.constant 9.99999974E-6 : f32
    %add3A_16 = vector.broadcast %add3A : f32 to vector<1x128xf32>
    %add3A_17 = arith.addf %sub3A, %add3A_16 : vector<1x128xf32>
    %rsqrt3A = math.rsqrt %add3A_17 : vector<1x128xf32>
    %mul3A_18 = vector.broadcast %rsqrt3A : vector<1x128xf32> to vector<1000x128xf32>
    %mul3A_19 = arith.mulf %sub3A_15, %mul3A_18 : vector<1000x128xf32>
    %get3A_20 = arith.constant 0 : index
    %get3A_21 = arith.constant 0 : index
    %get3A_22 = vector.load %arg3[%get3A_20, %get3A_21] : memref<1x128xf32, #tpu.memory_space<vmem>>, vector<1x128xf32>
    %mul3A_23 = vector.broadcast %get3A_22 : vector<1x128xf32> to vector<1000x128xf32>
    %mul3A_24 = arith.mulf %mul3A_19, %mul3A_23 : vector<1000x128xf32>
    %get3A_25 = arith.constant 0 : index
    %get3A_26 = arith.constant 0 : index
    %get3A_27 = vector.load %arg4[%get3A_25, %get3A_26] : memref<1x128xf32, #tpu.memory_space<vmem>>, vector<1x128xf32>
    %add3A_28 = vector.broadcast %get3A_27 : vector<1x128xf32> to vector<1000x128xf32>
    %add3A_29 = arith.addf %mul3A_24, %add3A_28 : vector<1000x128xf32>
    %max3A = arith.constant 0.000000e+00 : f32
    %max3A_30 = vector.broadcast %max3A : f32 to vector<1000x128xf32>
    %max3A_31 = arith.maximumf %add3A_29, %max3A_30 : vector<1000x128xf32>
    %get3A_32 = arith.constant 0 : index
    %get3A_33 = arith.constant 0 : index
    %get3A_34 = vector.load %arg5[%get3A_32, %get3A_33] : memref<128x512xf32, #tpu.memory_space<vmem>>, vector<128x512xf32>
    %dot_general3A = arith.constant dense<0.000000e+00> : vector<1000x512xf32>
    %dot_general3A_35 = tpu.matmul %max3A_31, %get3A_34, %dot_general3A {dimension_numbers = #tpu.dot_dimension_numbers<[1], [0], [0], [1], [0, 0, 1, 1], [], []>, transpose_lhs_hint = false} : vector<1000x128xf32>, vector<128x512xf32>, vector<1000x512xf32> -> vector<1000x512xf32>
    %get3A_36 = arith.constant 0 : index
    %get3A_37 = arith.constant 0 : index
    %get3A_38 = vector.load %arg6[%get3A_36, %get3A_37] : memref<1x512xf32, #tpu.memory_space<vmem>>, vector<1x512xf32>
    %add3A_39 = vector.broadcast %get3A_38 : vector<1x512xf32> to vector<1000x512xf32>
    %add3A_40 = arith.addf %dot_general3A_35, %add3A_39 : vector<1000x512xf32>
    %slice3A = vector.extract_strided_slice %add3A_40 {offsets = [0, 0], sizes = [1000, 128], strides = [1, 1]} : vector<1000x512xf32> to vector<1000x128xf32>
    %swap3A = arith.constant 0 : index
    %swap3A_41 = arith.constant 0 : index
    %swap3A_42 = vector.load %arg7[%swap3A, %swap3A_41] : memref<1000x128xf32, #tpu.memory_space<vmem>>, vector<1000x128xf32>
    tpu.vector_store %arg7[%swap3A, %swap3A_41], %slice3A {strides = array<i32>} : memref<1000x128xf32, #tpu.memory_space<vmem>>, vector<1000x128xf32>,
    %slice3A_43 = vector.extract_strided_slice %add3A_40 {offsets = [0, 128], sizes = [1000, 128], strides = [1, 1]} : vector<1000x512xf32> to vector<1000x128xf32>
    %swap3A_44 = arith.constant 0 : index
    %swap3A_45 = arith.constant 0 : index
    %swap3A_46 = vector.load %arg8[%swap3A_44, %swap3A_45] : memref<1000x128xf32, #tpu.memory_space<vmem>>, vector<1000x128xf32>
    tpu.vector_store %arg8[%swap3A_44, %swap3A_45], %slice3A_43 {strides = array<i32>} : memref<1000x128xf32, #tpu.memory_space<vmem>>, vector<1000x128xf32>,
    %slice3A_47 = vector.extract_strided_slice %add3A_40 {offsets = [0, 256], sizes = [1000, 128], strides = [1, 1]} : vector<1000x512xf32> to vector<1000x128xf32>
    %swap3A_48 = arith.constant 0 : index
    %swap3A_49 = arith.constant 0 : index
    %swap3A_50 = vector.load %arg9[%swap3A_48, %swap3A_49] : memref<1000x128xf32, #tpu.memory_space<vmem>>, vector<1000x128xf32>
    tpu.vector_store %arg9[%swap3A_48, %swap3A_49], %slice3A_47 {strides = array<i32>} : memref<1000x128xf32, #tpu.memory_space<vmem>>, vector<1000x128xf32>,
    %slice3A_51 = vector.extract_strided_slice %add3A_40 {offsets = [0, 384], sizes = [1000, 128], strides = [1, 1]} : vector<1000x512xf32> to vector<1000x128xf32>
    %swap3A_52 = arith.constant 0 : index
    %swap3A_53 = arith.constant 0 : index
    %swap3A_54 = vector.load %arg10[%swap3A_52, %swap3A_53] : memref<1000x128xf32, #tpu.memory_space<vmem>>, vector<1000x128xf32>
    tpu.vector_store %arg10[%swap3A_52, %swap3A_53], %slice3A_51 {strides = array<i32>} : memref<1000x128xf32, #tpu.memory_space<vmem>>, vector<1000x128xf32>,
    return
  }
  func.func @transform_0(%arg0: i32) -> (i32, i32) {
    %c0_i32 = arith.constant 0 : i32
    %c0_i32_0 = arith.constant 0 : i32
    return %arg0, %c0_i32 : i32, i32
  }
  func.func @transform_1(%arg0: i32) -> (i32, i32) {
    %c0_i32 = arith.constant 0 : i32
    %c0_i32_0 = arith.constant 0 : i32
    %c0_i32_1 = arith.constant 0 : i32
    return %c0_i32, %c0_i32_0 : i32, i32
  }
  func.func @transform_2(%arg0: i32) -> (i32, i32) {
    %c0_i32 = arith.constant 0 : i32
    %c0_i32_0 = arith.constant 0 : i32
    %c0_i32_1 = arith.constant 0 : i32
    return %c0_i32, %c0_i32_0 : i32, i32
  }
  func.func @transform_3(%arg0: i32) -> (i32, i32) {
    %c0_i32 = arith.constant 0 : i32
    %c0_i32_0 = arith.constant 0 : i32
    %c0_i32_1 = arith.constant 0 : i32
    return %c0_i32, %c0_i32_0 : i32, i32
  }
  func.func @transform_4(%arg0: i32) -> (i32, i32) {
    %c0_i32 = arith.constant 0 : i32
    %c0_i32_0 = arith.constant 0 : i32
    %c0_i32_1 = arith.constant 0 : i32
    return %c0_i32, %c0_i32_0 : i32, i32
  }
  func.func @transform_5(%arg0: i32) -> (i32, i32) {
    %c0_i32 = arith.constant 0 : i32
    %c0_i32_0 = arith.constant 0 : i32
    %c0_i32_1 = arith.constant 0 : i32
    return %c0_i32, %c0_i32_0 : i32, i32
  }
  func.func @transform_6(%arg0: i32) -> (i32, i32) {
    %c0_i32 = arith.constant 0 : i32
    %c0_i32_0 = arith.constant 0 : i32
    return %arg0, %c0_i32 : i32, i32
  }
  func.func @transform_7(%arg0: i32) -> (i32, i32) {
    %c0_i32 = arith.constant 0 : i32
    %c0_i32_0 = arith.constant 0 : i32
    return %arg0, %c0_i32 : i32, i32
  }
  func.func @transform_8(%arg0: i32) -> (i32, i32) {
    %c0_i32 = arith.constant 0 : i32
    %c0_i32_0 = arith.constant 0 : i32
    return %arg0, %c0_i32 : i32, i32
  }
  func.func @transform_9(%arg0: i32) -> (i32, i32) {
    %c0_i32 = arith.constant 0 : i32
    %c0_i32_0 = arith.constant 0 : i32
    return %arg0, %c0_i32 : i32, i32
  }
}

module attributes {stable_mosaic.version = 14 : i64} {
  func.func @_head_body(%arg0: i32, %arg1: memref<1000x128xf32, #tpu.memory_space<vmem>>, %arg2: memref<8x128xf32, #tpu.memory_space<vmem>>, %arg3: memref<1x128xf32, #tpu.memory_space<vmem>>, %arg4: memref<1x128xf32, #tpu.memory_space<vmem>>, %arg5: memref<9xi32, #tpu.memory_space<smem>>, %arg6: memref<8x16xf32, #tpu.memory_space<vmem>>, %arg7: memref<128x128xf32, #tpu.memory_space<vmem>>, %arg8: memref<16x128xf32, #tpu.memory_space<vmem>>, %arg9: memref<1x128xf32, #tpu.memory_space<vmem>>, %arg10: memref<128x8xf32, #tpu.memory_space<vmem>>, %arg11: memref<1x8xf32, #tpu.memory_space<vmem>>, %arg12: memref<1000x8xf32, #tpu.memory_space<vmem>>) attributes {dimension_semantics = [#tpu.dimension_semantics<arbitrary>], iteration_bounds = array<i64: 10>, scalar_prefetch = 0 : i64, scratch_operands = 0 : i64, tpu.core_type = #tpu.core_type<tc>, window_params = [{transform_indices = @transform_0, window_bounds = array<i64: 1000, 128>}, {pipeline_mode = #tpu.pipeline_mode<synchronous>, transform_indices = @transform_1, window_bounds = array<i64: 8, 128>}, {pipeline_mode = #tpu.pipeline_mode<synchronous>, transform_indices = @transform_2, window_bounds = array<i64: 1, 128>}, {pipeline_mode = #tpu.pipeline_mode<synchronous>, transform_indices = @transform_3, window_bounds = array<i64: 1, 128>}, {transform_indices = @transform_4, window_bounds = array<i64: 9>}, {pipeline_mode = #tpu.pipeline_mode<synchronous>, transform_indices = @transform_5, window_bounds = array<i64: 8, 16>}, {pipeline_mode = #tpu.pipeline_mode<synchronous>, transform_indices = @transform_6, window_bounds = array<i64: 128, 128>}, {pipeline_mode = #tpu.pipeline_mode<synchronous>, transform_indices = @transform_7, window_bounds = array<i64: 16, 128>}, {pipeline_mode = #tpu.pipeline_mode<synchronous>, transform_indices = @transform_8, window_bounds = array<i64: 1, 128>}, {pipeline_mode = #tpu.pipeline_mode<synchronous>, transform_indices = @transform_9, window_bounds = array<i64: 128, 8>}, {pipeline_mode = #tpu.pipeline_mode<synchronous>, transform_indices = @transform_10, window_bounds = array<i64: 1, 8>}, {transform_indices = @transform_11, window_bounds = array<i64: 1000, 8>}]} {
    %get3A = arith.constant 0 : index
    %get3A_0 = arith.constant 0 : index
    %get3A_1 = vector.load %arg2[%get3A, %get3A_0] : memref<8x128xf32, #tpu.memory_space<vmem>>, vector<1x128xf32>
    %mul3A = arith.constant 9.99999974E-5 : f32
    %mul3A_2 = vector.broadcast %mul3A : f32 to vector<1x128xf32>
    %mul3A_3 = arith.mulf %get3A_1, %mul3A_2 : vector<1x128xf32>
    %get3A_4 = arith.constant 1 : index
    %get3A_5 = arith.constant 0 : index
    %get3A_6 = vector.load %arg2[%get3A_4, %get3A_5] : memref<8x128xf32, #tpu.memory_space<vmem>>, vector<1x128xf32>
    %mul3A_7 = arith.constant 9.99999974E-5 : f32
    %mul3A_8 = vector.broadcast %mul3A_7 : f32 to vector<1x128xf32>
    %mul3A_9 = arith.mulf %get3A_6, %mul3A_8 : vector<1x128xf32>
    %mul3A_10 = arith.mulf %mul3A_3, %mul3A_3 : vector<1x128xf32>
    %sub3A = arith.subf %mul3A_9, %mul3A_10 : vector<1x128xf32>
    %get3A_11 = arith.constant 0 : index
    %get3A_12 = arith.constant 0 : index
    %get3A_13 = vector.load %arg1[%get3A_11, %get3A_12] : memref<1000x128xf32, #tpu.memory_space<vmem>>, vector<1000x128xf32>
    %sub3A_14 = vector.broadcast %mul3A_3 : vector<1x128xf32> to vector<1000x128xf32>
    %sub3A_15 = arith.subf %get3A_13, %sub3A_14 : vector<1000x128xf32>
    %add3A = arith.constant 9.99999974E-6 : f32
    %add3A_16 = vector.broadcast %add3A : f32 to vector<1x128xf32>
    %add3A_17 = arith.addf %sub3A, %add3A_16 : vector<1x128xf32>
    %rsqrt3A = math.rsqrt %add3A_17 : vector<1x128xf32>
    %mul3A_18 = vector.broadcast %rsqrt3A : vector<1x128xf32> to vector<1000x128xf32>
    %mul3A_19 = arith.mulf %sub3A_15, %mul3A_18 : vector<1000x128xf32>
    %get3A_20 = arith.constant 0 : index
    %get3A_21 = arith.constant 0 : index
    %get3A_22 = vector.load %arg3[%get3A_20, %get3A_21] : memref<1x128xf32, #tpu.memory_space<vmem>>, vector<1x128xf32>
    %mul3A_23 = vector.broadcast %get3A_22 : vector<1x128xf32> to vector<1000x128xf32>
    %mul3A_24 = arith.mulf %mul3A_19, %mul3A_23 : vector<1000x128xf32>
    %get3A_25 = arith.constant 0 : index
    %get3A_26 = arith.constant 0 : index
    %get3A_27 = vector.load %arg4[%get3A_25, %get3A_26] : memref<1x128xf32, #tpu.memory_space<vmem>>, vector<1x128xf32>
    %add3A_28 = vector.broadcast %get3A_27 : vector<1x128xf32> to vector<1000x128xf32>
    %add3A_29 = arith.addf %mul3A_24, %add3A_28 : vector<1000x128xf32>
    %max3A = arith.constant 0.000000e+00 : f32
    %max3A_30 = vector.broadcast %max3A : f32 to vector<1000x128xf32>
    %max3A_31 = arith.maximumf %add3A_29, %max3A_30 : vector<1000x128xf32>
    %mul3A_32 = arith.constant 1000 : i32
    %mul3A_33 = arith.muli %arg0, %mul3A_32 : i32
    %iota3A = tpu.iota {dimensions = array<i32: 0>} : vector<1000x1xi32>
    %add3A_34 = vector.broadcast %mul3A_33 : i32 to vector<1000x1xi32>
    %add3A_35 = arith.addi %add3A_34, %iota3A : vector<1000x1xi32>
    %broadcast_in_dim3A = arith.constant 0 : i32
    %broadcast_in_dim3A_36 = vector.broadcast %broadcast_in_dim3A : i32 to vector<1000x1xi32>
    %get3A_37 = arith.constant 1 : index
    %get3A_38 = memref.load %arg5[%get3A_37] : memref<9xi32, #tpu.memory_space<smem>>
    %ge3A = vector.broadcast %get3A_38 : i32 to vector<1000x1xi32>
    %ge3A_39 = arith.cmpi sge, %add3A_35, %ge3A : vector<1000x1xi32>
    %convert_element_type3A = arith.extui %ge3A_39 : vector<1000x1xi1> to vector<1000x1xi32>
    %add3A_40 = arith.addi %broadcast_in_dim3A_36, %convert_element_type3A : vector<1000x1xi32>
    %get3A_41 = arith.constant 2 : index
    %get3A_42 = memref.load %arg5[%get3A_41] : memref<9xi32, #tpu.memory_space<smem>>
    %ge3A_43 = vector.broadcast %get3A_42 : i32 to vector<1000x1xi32>
    %ge3A_44 = arith.cmpi sge, %add3A_35, %ge3A_43 : vector<1000x1xi32>
    %convert_element_type3A_45 = arith.extui %ge3A_44 : vector<1000x1xi1> to vector<1000x1xi32>
    %add3A_46 = arith.addi %add3A_40, %convert_element_type3A_45 : vector<1000x1xi32>
    %get3A_47 = arith.constant 3 : index
    %get3A_48 = memref.load %arg5[%get3A_47] : memref<9xi32, #tpu.memory_space<smem>>
    %ge3A_49 = vector.broadcast %get3A_48 : i32 to vector<1000x1xi32>
    %ge3A_50 = arith.cmpi sge, %add3A_35, %ge3A_49 : vector<1000x1xi32>
    %convert_element_type3A_51 = arith.extui %ge3A_50 : vector<1000x1xi1> to vector<1000x1xi32>
    %add3A_52 = arith.addi %add3A_46, %convert_element_type3A_51 : vector<1000x1xi32>
    %get3A_53 = arith.constant 4 : index
    %get3A_54 = memref.load %arg5[%get3A_53] : memref<9xi32, #tpu.memory_space<smem>>
    %ge3A_55 = vector.broadcast %get3A_54 : i32 to vector<1000x1xi32>
    %ge3A_56 = arith.cmpi sge, %add3A_35, %ge3A_55 : vector<1000x1xi32>
    %convert_element_type3A_57 = arith.extui %ge3A_56 : vector<1000x1xi1> to vector<1000x1xi32>
    %add3A_58 = arith.addi %add3A_52, %convert_element_type3A_57 : vector<1000x1xi32>
    %get3A_59 = arith.constant 5 : index
    %get3A_60 = memref.load %arg5[%get3A_59] : memref<9xi32, #tpu.memory_space<smem>>
    %ge3A_61 = vector.broadcast %get3A_60 : i32 to vector<1000x1xi32>
    %ge3A_62 = arith.cmpi sge, %add3A_35, %ge3A_61 : vector<1000x1xi32>
    %convert_element_type3A_63 = arith.extui %ge3A_62 : vector<1000x1xi1> to vector<1000x1xi32>
    %add3A_64 = arith.addi %add3A_58, %convert_element_type3A_63 : vector<1000x1xi32>
    %get3A_65 = arith.constant 6 : index
    %get3A_66 = memref.load %arg5[%get3A_65] : memref<9xi32, #tpu.memory_space<smem>>
    %ge3A_67 = vector.broadcast %get3A_66 : i32 to vector<1000x1xi32>
    %ge3A_68 = arith.cmpi sge, %add3A_35, %ge3A_67 : vector<1000x1xi32>
    %convert_element_type3A_69 = arith.extui %ge3A_68 : vector<1000x1xi1> to vector<1000x1xi32>
    %add3A_70 = arith.addi %add3A_64, %convert_element_type3A_69 : vector<1000x1xi32>
    %get3A_71 = arith.constant 7 : index
    %get3A_72 = memref.load %arg5[%get3A_71] : memref<9xi32, #tpu.memory_space<smem>>
    %ge3A_73 = vector.broadcast %get3A_72 : i32 to vector<1000x1xi32>
    %ge3A_74 = arith.cmpi sge, %add3A_35, %ge3A_73 : vector<1000x1xi32>
    %convert_element_type3A_75 = arith.extui %ge3A_74 : vector<1000x1xi1> to vector<1000x1xi32>
    %add3A_76 = arith.addi %add3A_70, %convert_element_type3A_75 : vector<1000x1xi32>
    %get3A_77 = arith.constant 0 : index
    %get3A_78 = arith.constant 0 : index
    %get3A_79 = vector.load %arg6[%get3A_77, %get3A_78] : memref<8x16xf32, #tpu.memory_space<vmem>>, vector<8x16xf32>
    %get3A_80 = arith.constant 0 : index
    %get3A_81 = arith.constant 0 : index
    %get3A_82 = vector.load %arg8[%get3A_80, %get3A_81] : memref<16x128xf32, #tpu.memory_space<vmem>>, vector<16x128xf32>
    %dot_general3A = arith.constant dense<0.000000e+00> : vector<8x128xf32>
    %dot_general3A_83 = tpu.matmul %get3A_79, %get3A_82, %dot_general3A {dimension_numbers = #tpu.dot_dimension_numbers<[1], [0], [0], [1], [0, 0, 1, 1], [], []>, transpose_lhs_hint = false} : vector<8x16xf32>, vector<16x128xf32>, vector<8x128xf32> -> vector<8x128xf32>
    %broadcast_in_dim3A_84 = arith.constant 0.000000e+00 : f32
    %broadcast_in_dim3A_85 = vector.broadcast %broadcast_in_dim3A_84 : f32 to vector<1000x128xf32>
    %eq3A = arith.constant 0 : i32
    %eq3A_86 = vector.broadcast %eq3A : i32 to vector<1000x1xi32>
    %eq3A_87 = arith.cmpi eq, %add3A_76, %eq3A_86 : vector<1000x1xi32>
    %slice3A = vector.extract_strided_slice %dot_general3A_83 {offsets = [0, 0], sizes = [1, 128], strides = [1, 1]} : vector<8x128xf32> to vector<1x128xf32>
    %broadcast_in_dim3A_88 = vector.shape_cast %eq3A_87 : vector<1000x1xi1> to vector<1000x1xi1>
    %broadcast_in_dim3A_89 = vector.broadcast %broadcast_in_dim3A_88 : vector<1000x1xi1> to vector<1000x128xi1>
    %broadcast_in_dim3A_90 = vector.shape_cast %slice3A : vector<1x128xf32> to vector<1x128xf32>
    %broadcast_in_dim3A_91 = vector.broadcast %broadcast_in_dim3A_90 : vector<1x128xf32> to vector<1000x128xf32>
    %select_n3A = arith.select %broadcast_in_dim3A_89, %broadcast_in_dim3A_91, %broadcast_in_dim3A_85 : vector<1000x128xi1>, vector<1000x128xf32>
    %eq3A_92 = arith.constant 1 : i32
    %eq3A_93 = vector.broadcast %eq3A_92 : i32 to vector<1000x1xi32>
    %eq3A_94 = arith.cmpi eq, %add3A_76, %eq3A_93 : vector<1000x1xi32>
    %slice3A_95 = vector.extract_strided_slice %dot_general3A_83 {offsets = [1, 0], sizes = [1, 128], strides = [1, 1]} : vector<8x128xf32> to vector<1x128xf32>
    %broadcast_in_dim3A_96 = vector.shape_cast %eq3A_94 : vector<1000x1xi1> to vector<1000x1xi1>
    %broadcast_in_dim3A_97 = vector.broadcast %broadcast_in_dim3A_96 : vector<1000x1xi1> to vector<1000x128xi1>
    %broadcast_in_dim3A_98 = vector.shape_cast %slice3A_95 : vector<1x128xf32> to vector<1x128xf32>
    %broadcast_in_dim3A_99 = vector.broadcast %broadcast_in_dim3A_98 : vector<1x128xf32> to vector<1000x128xf32>
    %select_n3A_100 = arith.select %broadcast_in_dim3A_97, %broadcast_in_dim3A_99, %select_n3A : vector<1000x128xi1>, vector<1000x128xf32>
    %eq3A_101 = arith.constant 2 : i32
    %eq3A_102 = vector.broadcast %eq3A_101 : i32 to vector<1000x1xi32>
    %eq3A_103 = arith.cmpi eq, %add3A_76, %eq3A_102 : vector<1000x1xi32>
    %slice3A_104 = vector.extract_strided_slice %dot_general3A_83 {offsets = [2, 0], sizes = [1, 128], strides = [1, 1]} : vector<8x128xf32> to vector<1x128xf32>
    %broadcast_in_dim3A_105 = vector.shape_cast %eq3A_103 : vector<1000x1xi1> to vector<1000x1xi1>
    %broadcast_in_dim3A_106 = vector.broadcast %broadcast_in_dim3A_105 : vector<1000x1xi1> to vector<1000x128xi1>
    %broadcast_in_dim3A_107 = vector.shape_cast %slice3A_104 : vector<1x128xf32> to vector<1x128xf32>
    %broadcast_in_dim3A_108 = vector.broadcast %broadcast_in_dim3A_107 : vector<1x128xf32> to vector<1000x128xf32>
    %select_n3A_109 = arith.select %broadcast_in_dim3A_106, %broadcast_in_dim3A_108, %select_n3A_100 : vector<1000x128xi1>, vector<1000x128xf32>
    %eq3A_110 = arith.constant 3 : i32
    %eq3A_111 = vector.broadcast %eq3A_110 : i32 to vector<1000x1xi32>
    %eq3A_112 = arith.cmpi eq, %add3A_76, %eq3A_111 : vector<1000x1xi32>
    %slice3A_113 = vector.extract_strided_slice %dot_general3A_83 {offsets = [3, 0], sizes = [1, 128], strides = [1, 1]} : vector<8x128xf32> to vector<1x128xf32>
    %broadcast_in_dim3A_114 = vector.shape_cast %eq3A_112 : vector<1000x1xi1> to vector<1000x1xi1>
    %broadcast_in_dim3A_115 = vector.broadcast %broadcast_in_dim3A_114 : vector<1000x1xi1> to vector<1000x128xi1>
    %broadcast_in_dim3A_116 = vector.shape_cast %slice3A_113 : vector<1x128xf32> to vector<1x128xf32>
    %broadcast_in_dim3A_117 = vector.broadcast %broadcast_in_dim3A_116 : vector<1x128xf32> to vector<1000x128xf32>
    %select_n3A_118 = arith.select %broadcast_in_dim3A_115, %broadcast_in_dim3A_117, %select_n3A_109 : vector<1000x128xi1>, vector<1000x128xf32>
    %eq3A_119 = arith.constant 4 : i32
    %eq3A_120 = vector.broadcast %eq3A_119 : i32 to vector<1000x1xi32>
    %eq3A_121 = arith.cmpi eq, %add3A_76, %eq3A_120 : vector<1000x1xi32>
    %slice3A_122 = vector.extract_strided_slice %dot_general3A_83 {offsets = [4, 0], sizes = [1, 128], strides = [1, 1]} : vector<8x128xf32> to vector<1x128xf32>
    %broadcast_in_dim3A_123 = vector.shape_cast %eq3A_121 : vector<1000x1xi1> to vector<1000x1xi1>
    %broadcast_in_dim3A_124 = vector.broadcast %broadcast_in_dim3A_123 : vector<1000x1xi1> to vector<1000x128xi1>
    %broadcast_in_dim3A_125 = vector.shape_cast %slice3A_122 : vector<1x128xf32> to vector<1x128xf32>
    %broadcast_in_dim3A_126 = vector.broadcast %broadcast_in_dim3A_125 : vector<1x128xf32> to vector<1000x128xf32>
    %select_n3A_127 = arith.select %broadcast_in_dim3A_124, %broadcast_in_dim3A_126, %select_n3A_118 : vector<1000x128xi1>, vector<1000x128xf32>
    %eq3A_128 = arith.constant 5 : i32
    %eq3A_129 = vector.broadcast %eq3A_128 : i32 to vector<1000x1xi32>
    %eq3A_130 = arith.cmpi eq, %add3A_76, %eq3A_129 : vector<1000x1xi32>
    %slice3A_131 = vector.extract_strided_slice %dot_general3A_83 {offsets = [5, 0], sizes = [1, 128], strides = [1, 1]} : vector<8x128xf32> to vector<1x128xf32>
    %broadcast_in_dim3A_132 = vector.shape_cast %eq3A_130 : vector<1000x1xi1> to vector<1000x1xi1>
    %broadcast_in_dim3A_133 = vector.broadcast %broadcast_in_dim3A_132 : vector<1000x1xi1> to vector<1000x128xi1>
    %broadcast_in_dim3A_134 = vector.shape_cast %slice3A_131 : vector<1x128xf32> to vector<1x128xf32>
    %broadcast_in_dim3A_135 = vector.broadcast %broadcast_in_dim3A_134 : vector<1x128xf32> to vector<1000x128xf32>
    %select_n3A_136 = arith.select %broadcast_in_dim3A_133, %broadcast_in_dim3A_135, %select_n3A_127 : vector<1000x128xi1>, vector<1000x128xf32>
    %eq3A_137 = arith.constant 6 : i32
    %eq3A_138 = vector.broadcast %eq3A_137 : i32 to vector<1000x1xi32>
    %eq3A_139 = arith.cmpi eq, %add3A_76, %eq3A_138 : vector<1000x1xi32>
    %slice3A_140 = vector.extract_strided_slice %dot_general3A_83 {offsets = [6, 0], sizes = [1, 128], strides = [1, 1]} : vector<8x128xf32> to vector<1x128xf32>
    %broadcast_in_dim3A_141 = vector.shape_cast %eq3A_139 : vector<1000x1xi1> to vector<1000x1xi1>
    %broadcast_in_dim3A_142 = vector.broadcast %broadcast_in_dim3A_141 : vector<1000x1xi1> to vector<1000x128xi1>
    %broadcast_in_dim3A_143 = vector.shape_cast %slice3A_140 : vector<1x128xf32> to vector<1x128xf32>
    %broadcast_in_dim3A_144 = vector.broadcast %broadcast_in_dim3A_143 : vector<1x128xf32> to vector<1000x128xf32>
    %select_n3A_145 = arith.select %broadcast_in_dim3A_142, %broadcast_in_dim3A_144, %select_n3A_136 : vector<1000x128xi1>, vector<1000x128xf32>
    %eq3A_146 = arith.constant 7 : i32
    %eq3A_147 = vector.broadcast %eq3A_146 : i32 to vector<1000x1xi32>
    %eq3A_148 = arith.cmpi eq, %add3A_76, %eq3A_147 : vector<1000x1xi32>
    %slice3A_149 = vector.extract_strided_slice %dot_general3A_83 {offsets = [7, 0], sizes = [1, 128], strides = [1, 1]} : vector<8x128xf32> to vector<1x128xf32>
    %broadcast_in_dim3A_150 = vector.shape_cast %eq3A_148 : vector<1000x1xi1> to vector<1000x1xi1>
    %broadcast_in_dim3A_151 = vector.broadcast %broadcast_in_dim3A_150 : vector<1000x1xi1> to vector<1000x128xi1>
    %broadcast_in_dim3A_152 = vector.shape_cast %slice3A_149 : vector<1x128xf32> to vector<1x128xf32>
    %broadcast_in_dim3A_153 = vector.broadcast %broadcast_in_dim3A_152 : vector<1x128xf32> to vector<1000x128xf32>
    %select_n3A_154 = arith.select %broadcast_in_dim3A_151, %broadcast_in_dim3A_153, %select_n3A_145 : vector<1000x128xi1>, vector<1000x128xf32>
    %get3A_155 = arith.constant 0 : index
    %get3A_156 = arith.constant 0 : index
    %get3A_157 = vector.load %arg7[%get3A_155, %get3A_156] : memref<128x128xf32, #tpu.memory_space<vmem>>, vector<128x128xf32>
    %dot_general3A_158 = arith.constant dense<0.000000e+00> : vector<1000x128xf32>
    %dot_general3A_159 = tpu.matmul %max3A_31, %get3A_157, %dot_general3A_158 {dimension_numbers = #tpu.dot_dimension_numbers<[1], [0], [0], [1], [0, 0, 1, 1], [], []>, transpose_lhs_hint = false} : vector<1000x128xf32>, vector<128x128xf32>, vector<1000x128xf32> -> vector<1000x128xf32>
    %add3A_160 = arith.addf %dot_general3A_159, %select_n3A_154 : vector<1000x128xf32>
    %get3A_161 = arith.constant 0 : index
    %get3A_162 = arith.constant 0 : index
    %get3A_163 = vector.load %arg9[%get3A_161, %get3A_162] : memref<1x128xf32, #tpu.memory_space<vmem>>, vector<1x128xf32>
    %add3A_164 = vector.broadcast %get3A_163 : vector<1x128xf32> to vector<1000x128xf32>
    %add3A_165 = arith.addf %add3A_160, %add3A_164 : vector<1000x128xf32>
    %max3A_166 = arith.constant 0.000000e+00 : f32
    %max3A_167 = vector.broadcast %max3A_166 : f32 to vector<1000x128xf32>
    %max3A_168 = arith.maximumf %add3A_165, %max3A_167 : vector<1000x128xf32>
    %get3A_169 = arith.constant 0 : index
    %get3A_170 = arith.constant 0 : index
    %get3A_171 = vector.load %arg10[%get3A_169, %get3A_170] : memref<128x8xf32, #tpu.memory_space<vmem>>, vector<128x8xf32>
    %dot_general3A_172 = arith.constant dense<0.000000e+00> : vector<1000x8xf32>
    %dot_general3A_173 = tpu.matmul %max3A_168, %get3A_171, %dot_general3A_172 {dimension_numbers = #tpu.dot_dimension_numbers<[1], [0], [0], [1], [0, 0, 1, 1], [], []>, transpose_lhs_hint = false} : vector<1000x128xf32>, vector<128x8xf32>, vector<1000x8xf32> -> vector<1000x8xf32>
    %get3A_174 = arith.constant 0 : index
    %get3A_175 = arith.constant 0 : index
    %get3A_176 = vector.load %arg11[%get3A_174, %get3A_175] : memref<1x8xf32, #tpu.memory_space<vmem>>, vector<1x8xf32>
    %add3A_177 = vector.broadcast %get3A_176 : vector<1x8xf32> to vector<1000x8xf32>
    %add3A_178 = arith.addf %dot_general3A_173, %add3A_177 : vector<1000x8xf32>
    %swap3A = arith.constant 0 : index
    %swap3A_179 = arith.constant 0 : index
    %swap3A_180 = vector.load %arg12[%swap3A, %swap3A_179] : memref<1000x8xf32, #tpu.memory_space<vmem>>, vector<1000x8xf32>
    tpu.vector_store %arg12[%swap3A, %swap3A_179], %add3A_178 {strides = array<i32>} : memref<1000x8xf32, #tpu.memory_space<vmem>>, vector<1000x8xf32>,
    return
  }
  func.func @transform_0(%arg0: i32) -> (i32, i32) {
    %c0_i32 = arith.constant 0 : i32
    %c0_i32_0 = arith.constant 0 : i32
    return %arg0, %c0_i32 : i32, i32
  }
  func.func @transform_1(%arg0: i32) -> (i32, i32) {
    %c0_i32 = arith.constant 0 : i32
    %c0_i32_0 = arith.constant 0 : i32
    %c0_i32_1 = arith.constant 0 : i32
    return %c0_i32, %c0_i32_0 : i32, i32
  }
  func.func @transform_2(%arg0: i32) -> (i32, i32) {
    %c0_i32 = arith.constant 0 : i32
    %c0_i32_0 = arith.constant 0 : i32
    %c0_i32_1 = arith.constant 0 : i32
    return %c0_i32, %c0_i32_0 : i32, i32
  }
  func.func @transform_3(%arg0: i32) -> (i32, i32) {
    %c0_i32 = arith.constant 0 : i32
    %c0_i32_0 = arith.constant 0 : i32
    %c0_i32_1 = arith.constant 0 : i32
    return %c0_i32, %c0_i32_0 : i32, i32
  }
  func.func @transform_4(%arg0: i32) -> i32 {
    %c0_i32 = arith.constant 0 : i32
    %c0_i32_0 = arith.constant 0 : i32
    return %c0_i32 : i32
  }
  func.func @transform_5(%arg0: i32) -> (i32, i32) {
    %c0_i32 = arith.constant 0 : i32
    %c0_i32_0 = arith.constant 0 : i32
    %c0_i32_1 = arith.constant 0 : i32
    return %c0_i32, %c0_i32_0 : i32, i32
  }
  func.func @transform_6(%arg0: i32) -> (i32, i32) {
    %c0_i32 = arith.constant 0 : i32
    %c0_i32_0 = arith.constant 0 : i32
    %c0_i32_1 = arith.constant 0 : i32
    return %c0_i32, %c0_i32_0 : i32, i32
  }
  func.func @transform_7(%arg0: i32) -> (i32, i32) {
    %c0_i32 = arith.constant 0 : i32
    %c0_i32_0 = arith.constant 0 : i32
    %c0_i32_1 = arith.constant 0 : i32
    return %c0_i32, %c0_i32_0 : i32, i32
  }
  func.func @transform_8(%arg0: i32) -> (i32, i32) {
    %c0_i32 = arith.constant 0 : i32
    %c0_i32_0 = arith.constant 0 : i32
    %c0_i32_1 = arith.constant 0 : i32
    return %c0_i32, %c0_i32_0 : i32, i32
  }
  func.func @transform_9(%arg0: i32) -> (i32, i32) {
    %c0_i32 = arith.constant 0 : i32
    %c0_i32_0 = arith.constant 0 : i32
    %c0_i32_1 = arith.constant 0 : i32
    return %c0_i32, %c0_i32_0 : i32, i32
  }
  func.func @transform_10(%arg0: i32) -> (i32, i32) {
    %c0_i32 = arith.constant 0 : i32
    %c0_i32_0 = arith.constant 0 : i32
    %c0_i32_1 = arith.constant 0 : i32
    return %c0_i32, %c0_i32_0 : i32, i32
  }
  func.func @transform_11(%arg0: i32) -> (i32, i32) {
    %c0_i32 = arith.constant 0 : i32
    %c0_i32_0 = arith.constant 0 : i32
    return %arg0, %c0_i32 : i32, i32
  }
}

</mosaic_0001>

<sc_bundles>
// kernel: kernel.15.cloned.1.call-start
scs
__scs_entry_jumppad:
0x0: {  	(pc) =	sbr.rel $0x88, $3  }
0x1: {  	(tag) =	ssettag $0x0;
	lr =	simm.s32 $0x1  }
0x2: {  	[smem:$0x3F85] =	sst lr;
	_ =	strace $0xD0000000  }
0x3: {  	_ = 	snop  }
0x4: {  	_ = 	snop  }
0x5: {  	_ = 	snop  }
0x6: {  	_ = 	snop  }
0x7: {  	_ = 	snop  }
__scs_overlays_trampoline_lowered:
0x8: {  	[smem:$0x3F94] =	sst s0  }
0x9: {  	[smem:$0x3F95] =	sst s1  }
0xa: {  	[smem:$0x3F96] =	sst s2  }
0xb: {  	[smem:$0x3F97] =	sst s3  }
0xc: {  	[smem:$0x3F98] =	sst s4  }
0xd: {  	[smem:$0x3F99] =	sst s5  }
0xe: {  	[smem:$0x3F9A] =	sst s6  }
0xf: {  	[smem:$0x3F9B] =	sst s7  }
0x10: {  	[smem:$0x3F9C] =	sst s8  }
0x11: {  	[smem:$0x3F9D] =	sst s9;
	s0 =	simm.s32 @!p0 $0x0  }
0x12: {  	s1 =	sld [smem:$0x3F83];
	s0 =	simm.s32 @p0 $0x1  }
0x13: {  	[smem:$0x3F9E] =	sst s0;
	s0 =	simm.s32 @!p1 $0x0  }
0x14: {  	s2 =	sld [smem:$0x3F82];
	s0 =	simm.s32 @p1 $0x1  }
0x15: {  	[smem:$0x3F9F] =	sst s0;
	s0 =	simm.s32 @!p2 $0x0  }
0x16: {  	s3 =	sld [smem:$0x3FDB];
	s0 =	simm.s32 @p2 $0x1  }
0x17: {  	s4 =	simm.s32 $0x1BF5;
	[smem:$0x3FA1] =	sst s0  }
0x18: {  	s0 =	sld [smem:$0x3F84];
	_ =	swait.ge [sflag:s4], $0x0  }
0x19: {  	s7 =	sld [smem:$0x3F85]  }
0x1a: {  	s8 =	sadd.s32 $0xFFFFE003, lr  }
0x1b: {  	s9 =	sadd.s32 $0xFFFFFEF7, lr;
	s5 =	simm.s32 $0xFFFFFFFF;
	p2 =	slt.u32 s8, $0xFFFFF086  }
0x1c: {  	p1 =	slt.u32 s9, $0xF7A;
	s5 =	simm.s32 @!p2 $0x0  }
0x1d: {  	s5 =	simm.s32 @p1 $0x1;
	p0 =	seq.s32 s7, s2  }
0x1e: {  	s7 =	smul.u32 @!p0 $0xF7A, s2;
	p2 =	seq.s32 @!p0 s5, $0x0  }
0x1f: {  	s9 =	smul.u32 $0xF7A, s1;
	s8 =	simm.s32 @!p0 $0x1BF5;
	p2 =	por !p2, p0  }
0x20: {  	[sflag:s8] =	ssyncset.s32 @!p0 $0xFFFFF086;
	s6 =	sadd.s32 @!p0 s3, s7;
	s7 =	simm.s32 @!p0 $0x108  }
0x21: {  	s3 =	sadd.s32 s3, s9;
	s6 =	sadd.s32 @!p0 $0x88, s6;
	s7 =	simm.s32 @p2 $0x1082  }
0x22: {  	[simem:s7], [sflag:s8] =	dma.local @!p0 [hbm:s6], $0xF7A  }
0x23: {  	s9 =	sor.u32 $0xD0000000, s2;
	s6 =	simm.s32 $0x108;
	_ =	swait.ge @!p0 [sflag:s8], $0x0  }
0x24: {  	s3 =	sadd.s32 $0x88, s3;
	s6 =	simm.s32 @!p1 $0x1082;
	[sflag:s4] =	ssyncset.s32 $0xFFFFF086  }
0x25: {  	[simem:s6], [sflag:s4] =	dma.local [hbm:s3], $0xF7A  }
0x26: {  	[smem:$0x3F85] =	sst s1;
	(tag) =	ssettag s2;
	_ =	strace s9  }
0x27: {  	s1 =	sld [smem:$0x3F95]  }
0x28: {  	s2 =	sld [smem:$0x3F96]  }
0x29: {  	s4 =	sld [smem:$0x3F98]  }
0x2a: {  	p0 =	seq.s32 s5, $0x0;
	s5 =	sld [smem:$0x3F99]  }
0x2b: {  	s6 =	sld [smem:$0x3F9A]  }
0x2c: {  	s7 =	sld [smem:$0x3F9B]  }
0x2d: {  	s3 =	simm.s32 $0x108;
	s8 =	sld [smem:$0x3F9C]  }
0x2e: {  	s3 =	simm.s32 @!p0 $0x1082;
	s9 =	sld [smem:$0x3F9D]  }
0x2f: {  	lr =	sadd.s32 s0, s3;
	s0 =	sld [smem:$0x3F94]  }
0x30: {  	s3 =	sld [smem:$0x3F97]  }
0x31: {  	[smem:$0x3FA0] =	sst s10  }
0x32: {  	s10 =	sld [smem:$0x3F9E];
	_ =	sdelay $0x3  }
0x33: {  	p0 =	seq.s32 s10, $0x1;
	s10 =	sld [smem:$0x3FA0];
	_ =	sdelay $0x3  }
0x34: {  	[smem:$0x3FA0] =	sst s10  }
0x35: {  	s10 =	sld [smem:$0x3F9F];
	_ =	sdelay $0x3  }
0x36: {  	p1 =	seq.s32 s10, $0x1;
	s10 =	sld [smem:$0x3FA0];
	_ =	sdelay $0x3  }
0x37: {  	[smem:$0x3FA0] =	sst s10  }
0x38: {  	s10 =	sld [smem:$0x3FA1]  }
0x39: {  	_ = 	snop;
	(pc) =	sbr.ind lr, $3  }
0x3a: {  	_ = 	snop  }
0x3b: {  	_ = 	snop  }
0x3c: {  	p2 =	seq.s32 s10, $0x1;
	s10 =	sld [smem:$0x3FA0]  }
0x3d: {  	_ =	shalt  }
0x3e: {  	_ =	shalt  }
0x3f: {  	_ =	shalt  }
0x40: {  	_ =	shalt  }
0x41: {  	_ =	shalt  }
0x42: {  	_ =	shalt  }
0x43: {  	_ =	shalt  }
0x44: {  	_ =	shalt  }
0x45: {  	_ =	shalt  }
0x46: {  	_ =	shalt  }
0x47: {  	_ =	shalt  }
0x48: {  	_ =	shalt  }
0x49: {  	_ =	shalt  }
0x4a: {  	_ =	shalt  }
0x4b: {  	_ =	shalt  }
0x4c: {  	_ =	shalt  }
0x4d: {  	_ =	shalt  }
0x4e: {  	_ =	shalt  }
0x4f: {  	_ =	shalt  }
0x50: {  	_ =	shalt  }
0x51: {  	_ =	shalt  }
0x52: {  	_ =	shalt  }
0x53: {  	_ =	shalt  }
0x54: {  	_ =	shalt  }
0x55: {  	_ =	shalt  }
0x56: {  	_ =	shalt  }
0x57: {  	_ =	shalt  }
0x58: {  	_ =	shalt  }
0x59: {  	_ =	shalt  }
0x5a: {  	_ =	shalt  }
0x5b: {  	_ =	shalt  }
0x5c: {  	_ =	shalt  }
0x5d: {  	_ =	shalt  }
0x5e: {  	_ =	shalt  }
0x5f: {  	_ =	shalt  }
0x60: {  	_ =	shalt  }
0x61: {  	_ =	shalt  }
0x62: {  	_ =	shalt  }
0x63: {  	_ =	shalt  }
0x64: {  	_ =	shalt  }
0x65: {  	_ =	shalt  }
0x66: {  	_ =	shalt  }
0x67: {  	_ =	shalt  }
0x68: {  	_ =	shalt  }
0x69: {  	_ =	shalt  }
0x6a: {  	_ =	shalt  }
0x6b: {  	_ =	shalt  }
0x6c: {  	_ =	shalt  }
0x6d: {  	_ =	shalt  }
0x6e: {  	_ =	shalt  }
0x6f: {  	_ =	shalt  }
0x70: {  	_ =	shalt  }
0x71: {  	_ =	shalt  }
0x72: {  	_ =	shalt  }
0x73: {  	_ =	shalt  }
0x74: {  	_ =	shalt  }
0x75: {  	_ =	shalt  }
0x76: {  	_ =	shalt  }
0x77: {  	_ =	shalt  }
0x78: {  	_ =	shalt  }
0x79: {  	_ =	shalt  }
0x7a: {  	_ =	shalt  }
0x7b: {  	_ =	shalt  }
0x7c: {  	_ =	shalt  }
0x7d: {  	_ =	shalt  }
0x7e: {  	_ =	shalt  }
0x7f: {  	_ =	shalt  }
0x80: {  	_ =	shalt  }
0x81: {  	_ =	shalt  }
0x82: {  	_ =	shalt  }
0x83: {  	_ =	shalt  }
0x84: {  	_ =	shalt  }
0x85: {  	_ =	shalt  }
0x86: {  	_ =	shalt  }
0x87: {  	_ =	shalt  }
.Lfunc_end0:
.L_simem_size_0:
called_computation_lowered:
.L_overlay_start_0:
0x88: {  	s2 =	sld [smem:$0x3FD9]  }
0x89: {  	s3 =	sld [smem:$0x3FFE];
	_ =	sdelay $0x1  }
0x8a: {  	s1 =	srdreg.scid  }
0x8b: {  	s0 =	sand.u32 $0x1, s1  }
0x8c: {  	s16 =	sshll.u32 s0, $0xA;
	s2 =	sadd.s32 s3, s2  }
0x8d: {  	s2 =	sadd.s32 s2, s16  }
0x8e: {  	[smem:$0x3FAC] =	sst s2  }
0x8f: {  	_ = 	snop  }
0x90: {  	(tm) =	ssettm $0x1  }
0x91: {  	s17 =	sld [smem:$0x3FFB];
	_ =	sdelay $0x3  }
0x92: {  	_ =	strace s17  }
0x93: {  	s2 =	sld [smem:$0x3FFC];
	_ =	sdelay $0x3  }
0x94: {  	_ =	strace s2  }
0x95: {  	s2 =	sld [smem:$0x3FFD];
	_ =	sdelay $0x3  }
0x96: {  	_ =	strace s2  }
0x97: {  	_ =	strace $0x8FFFFFFF  }
0x98: {  	s18 =	sld [smem:$0x3FDB];
	_ =	sdelay $0x1  }
0x99: {  	s19 =	simm.s32 $_scs_section_size  }
0x9a: {  	s4 =	simm.s32 $_size__tile_overlayer_lowered;
	s5 =	simm.s32 $_tile_overlayer_lowered  }
0x9b: {  	s22 =	simm.s32 $0x1BFF;
	s21 =	sshll.u32 s5, $0x1;
	s2 =	sadd.s32 s19, s18  }
0x9c: {  	s6 =	simm.s32 $0x0;
	s20 =	sshll.u32 s4, $0x1;
	s4 =	sadd.s32 s21, s2  }
0x9d: {  	[timem:s6], [sflag:s22] =	dma.local [hbm:s4], s20  }
0x9e: {  	_ =	swait.ge [sflag:s22], s20  }
0x9f: {  	s3 =	ssub.s32 $0x0, s20;
	[sflag:s22] =	ssyncset.done $0x0  }
0xa0: {  	[sflag:s22] =	ssyncadd.s32 s3;
	_ =	sdelay $0x1  }
0xa1: {  	s23 =	simm.s32 $0x1B8B  }
0xa2: {  	_ =	swait.ge [sflag:s23], $0x1  }
0xa3: {  	[sflag:s23] =	ssyncset.done $0x0  }
0xa4: {  	s25 =	simm.s32 $0x1B8E;
	s24 =	sld [smem:$0x3FFE];
	[sflag:s23] =	ssyncadd.s32 $0xFFFFFFFF  }
0xa5: {  	s26 =	simm.s32 $execute0_lowered;
	[smem:$0x3FD2] =	sst s25  }
0xa6: {  	s4 =	sshll.u32 s26, $0x1;
	_ =	strace $0x80000046;
	[dreg:$0x1] =	wrdreg $0xFFFFFFFF  }
0xa7: {  	s28 =	simm.s32 $_size_execute0_lowered;
	s2 =	sadd.s32 s2, s4;
	[dreg:$0x0] =	wrdreg $0x0  }
0xa8: {  	s4 =	sshll.u32 s28, $0x1;
	[dreg:$0x2] =	wrdreg s2  }
0xa9: {  	[dreg:$0x3] =	wrdreg s4  }
0xaa: {  	[dreg:$0x4] =	wrdreg $0xC0  }
0xab: {  	_ =	task [dreg:s6], $0x5FFFF  }
0xac: {  	[dreg:$0x1] =	wrdreg $0xFFFFFFFF  }
0xad: {  	[dreg:$0x0] =	wrdreg $0x60  }
0xae: {  	[dreg:$0x2] =	wrdreg s24  }
0xaf: {  	[dreg:$0x3] =	wrdreg $0x9  }
0xb0: {  	_ =	task.clear_ibuf [dreg:s6], $0x4FFFF;
	_ =	strace $0x90000046  }
0xb1: {  	s29 =	simm.s32 $0x9;
	_ =	strace $0x80000048  }
0xb2: {  	_ =	swait.ge [sflag:s29], $0x1  }
0xb3: {  	[sflag:s29] =	ssyncadd.s32 $0xFFFFFFFF  }
0xb4: {  	_ =	strace $0x90000048  }
0xb5: {  	_ =	sfence  }
0xb6: {  	s30 =	sld [smem:$0x0];
	_ =	sdelay $0x2  }
0xb7: {  	s31 =	sshll.u32 s1, $0xD;
	s1 =	sshrl.u32 s1, $0x2  }
0xb8: {  	s3 =	sand.u32 $0x4000, s31;
	s1 =	sadd.s32 s1, s30  }
0xb9: {  	s0 =	sor.u32 s3, s0;
	s1 =	sshll.u32 s1, $0x11  }
0xba: {  	s0 =	sor.u32 s1, s0  }
0xbb: {  	s0 =	sadd.s32 $0x8F2B, s0  }
0xbc: {  	[sflag:s0] =	ssyncadd.remote.s32 $0x1  }
0xbd: {  	_ =	sfence.sel $0xFFFF  }
0xbe: {  	[dreg:$0x0] =	wrdreg $0xFFFFFFFF;
	(pc) =	sbr.abs _section_cstart, $3  }
0xbf: {  	[dreg:$0x1] =	wrdreg $0xFFFFFFFF  }
0xc0: {  	_ =	task.clear_ibuf [dreg:s6], $0x2FFFF;
	_ =	strace $0x9FFFFFFF  }
0xc1: {  	(tm) =	ssettm $0x7FFFFFFF  }
tec
execute0_lowered:
.L_overlay_start_1:
0x0: {  	(tag) =	ssettag $0x1  }
0x1: {  	s6 =	rddreg [dreg:$0x0]  }
0x2: {  	s0 =	rddreg [dreg:$0x1]  }
0x3: {  	s2 =	simm.s32 $0x0;
	s1 =	stileid.u32;
	s5 =	srdreg.scid  }
0x4: {  	s13 =	simm.s32 $0x80;
	s14 =	simm.s32 $0x50;
	s15 =	simm.s32 $0x100  }
0x5: {  	s16 =	simm.s32 $0x2900;
	s17 =	simm.s32 $0x5100;
	s18 =	simm.s32 $0x1  }
0x6: {  	s19 =	simm.s32 $0x2;
	s20 =	simm.s32 $0x3;
	s21 =	simm.s32 $0x0  }
0x7: {  	[smem:$0x7FF] =	sst s2;
	s3 =	sadd.s32 $0x1AE00, s6;
	s7 =	smul.u32 $0x4E200, s1  }
0x8: {  	s4 =	sadd.s32 $0x42000, s6;
	s8 =	sand.u32 $0x1, s5;
	s11 =	smul.u32 $0x9C4, s1  }
0x9: {  	s5 =	sadd.s32 $0x69200, s6;
	s9 =	ssub.s32 $0x2, s8;
	s10 =	smul.u32 $0x27100, s8  }
0xa: {  	_ =	strace $0x80000047;
	s31 =	smul.u32 $0x4E2, s8;
	s12 =	sshrl.u32 s9, $0x1  }
0xb: {  	s7 =	sadd.s32 s7, s6;
	s11 =	sadd.s32 s11, s6;
	s9 =	ssub.s32 s9, s12  }
0xc: {  	s10 =	sadd.s32 s10, s7;
	s11 =	sadd.s32 s31, s11;
	s12 =	simm.s32 $0x4  }
0xd: {  	s6 =	smax.u32 s9, $0x1;
	s7 =	sadd.s32 $0xB7600, s10;
	s8 =	sadd.s32 $0x599600, s10  }
0xe: {  	s9 =	sadd.s32 $0xA7B600, s10;
	s10 =	sadd.s32 $0x7200, s11;
	s11 =	sadd.s32 $0x11000, s11  }
.LBB2_1:
0xf: {  	[tilespmem:s2], [sflag:$0x4] =	stream.linear.gather [hbm4b:s10+s2], $0x50, $0x38;
	[tilespmem:$0x7900] =	vst v63  }
0x10: {  	_ =	swait.ge [sflag:s12], $0x50  }
0x11: {  	[sflag:s12] =	ssyncset.done $0x0  }
0x12: {  	[sflag:s12] =	ssyncadd.s32 $0xFFFFFFB0  }
0x13: {  	[tilespmem:s13], [sflag:$0x4] =	stream.linear.gather [hbm4b:s11+s2], $0x50, $0x38;
	[tilespmem:$0x7900] =	vst v63  }
0x14: {  	_ =	swait.ge [sflag:s12], $0x50  }
0x15: {  	[sflag:s12] =	ssyncset.done $0x0  }
0x16: {  	[sflag:s12] =	ssyncadd.s32 $0xFFFFFFB0  }
0x17: {  	[tilespmem:s15], [sflag:$0x1] =	stream.indirect.gather [hbm4b:s3+s14], $0x80, s13, s14, $0xb8;
	[tilespmem:$0x7900] =	vst v63  }
0x18: {  	_ = 	snop  }
0x19: {  	[tilespmem:s16], [sflag:$0x2] =	stream.indirect.gather [hbm4b:s4+s14], $0x80, s2, s14, $0xb8;
	[tilespmem:$0x7900] =	vst v63  }
0x1a: {  	_ = 	snop  }
0x1b: {  	[tilespmem:s17], [sflag:$0x3] =	stream.indirect.gather [hbm4b:s5+s14], $0x80, s2, s14, $0xb8;
	[tilespmem:$0x7900] =	vst v63  }
0x1c: {  	_ =	swait.ge [sflag:s18], $0x2800  }
0x1d: {  	[sflag:s18] =	ssyncset.done $0x0  }
0x1e: {  	[sflag:s18] =	ssyncadd.s32 $0xFFFFD800  }
0x1f: {  	_ =	swait.ge [sflag:s19], $0x2800  }
0x20: {  	[sflag:s19] =	ssyncset.done $0x0  }
0x21: {  	[sflag:s19] =	ssyncadd.s32 $0xFFFFD800  }
0x22: {  	_ =	swait.ge [sflag:s20], $0x2800  }
0x23: {  	[sflag:s20] =	ssyncset.done $0x0  }
0x24: {  	s22 =	sadd.s32 $0x0, s7;
	[sflag:s20] =	ssyncadd.s32 $0xFFFFD800  }
0x25: {  	[hbm4b:s22+s2] =	stream.linear.scatter [tilespmem:s15], [sflag:$0x4], $0x2800, $0x38;
	[tilespmem:$0x7900] =	vst v63  }
0x26: {  	_ =	swait.ge [sflag:s12], $0x2800  }
0x27: {  	[sflag:s12] =	ssyncset.done $0x0  }
0x28: {  	s30 =	sadd.s32 $0x0, s8;
	[sflag:s12] =	ssyncadd.s32 $0xFFFFD800  }
0x29: {  	[hbm4b:s30+s2] =	stream.linear.scatter [tilespmem:s16], [sflag:$0x4], $0x2800, $0x38;
	[tilespmem:$0x7900] =	vst v63  }
0x2a: {  	_ =	swait.ge [sflag:s12], $0x2800  }
0x2b: {  	[sflag:s12] =	ssyncset.done $0x0  }
0x2c: {  	s31 =	sadd.s32 $0x0, s9;
	[sflag:s12] =	ssyncadd.s32 $0xFFFFD800  }
0x2d: {  	[hbm4b:s31+s2] =	stream.linear.scatter [tilespmem:s17], [sflag:$0x4], $0x2800, $0x38;
	[tilespmem:$0x7900] =	vst v63  }
0x2e: {  	s23 =	smov.u32 s10;
	_ =	swait.ge [sflag:s12], $0x2800  }
0x2f: {  	s24 =	smov.u32 s11;
	s22 =	simm.s32 $0x500;
	[sflag:s12] =	ssyncset.done $0x0  }
.LBB2_2:
0x30: {  	[sflag:s12] =	ssyncadd.s32 $0xFFFFD800  }
0x31: {  	s23 =	sadd.s32 $0xA, s23;
	s24 =	sadd.s32 $0xA, s24;
	s25 =	smov.u32 s22  }
0x32: {  	[tilespmem:s2], [sflag:$0x4] =	stream.linear.gather [hbm4b:s23+s2], $0x50, $0x38;
	[tilespmem:$0x7900] =	vst v63  }
0x33: {  	p0 =	sne.s32 s22, $0x26C00;
	s22 =	sadd.s32 $0x500, s22;
	_ =	swait.ge [sflag:s12], $0x50  }
0x34: {  	[sflag:s12] =	ssyncset.done $0x0  }
0x35: {  	[sflag:s12] =	ssyncadd.s32 $0xFFFFFFB0  }
0x36: {  	[tilespmem:s13], [sflag:$0x4] =	stream.linear.gather [hbm4b:s24+s2], $0x50, $0x38;
	[tilespmem:$0x7900] =	vst v63  }
0x37: {  	_ =	swait.ge [sflag:s12], $0x50  }
0x38: {  	[sflag:s12] =	ssyncset.done $0x0  }
0x39: {  	[sflag:s12] =	ssyncadd.s32 $0xFFFFFFB0  }
0x3a: {  	[tilespmem:s15], [sflag:$0x1] =	stream.indirect.gather [hbm4b:s3+s14], $0x80, s13, s14, $0xb8;
	[tilespmem:$0x7900] =	vst v63  }
0x3b: {  	_ = 	snop  }
0x3c: {  	[tilespmem:s16], [sflag:$0x2] =	stream.indirect.gather [hbm4b:s4+s14], $0x80, s2, s14, $0xb8;
	[tilespmem:$0x7900] =	vst v63  }
0x3d: {  	_ = 	snop  }
0x3e: {  	[tilespmem:s17], [sflag:$0x3] =	stream.indirect.gather [hbm4b:s5+s14], $0x80, s2, s14, $0xb8;
	[tilespmem:$0x7900] =	vst v63  }
0x3f: {  	_ =	swait.ge [sflag:s18], $0x2800  }
0x40: {  	[sflag:s18] =	ssyncset.done $0x0  }
0x41: {  	[sflag:s18] =	ssyncadd.s32 $0xFFFFD800  }
0x42: {  	_ =	swait.ge [sflag:s19], $0x2800  }
0x43: {  	[sflag:s19] =	ssyncset.done $0x0  }
0x44: {  	[sflag:s19] =	ssyncadd.s32 $0xFFFFD800  }
0x45: {  	_ =	swait.ge [sflag:s20], $0x2800  }
0x46: {  	[sflag:s20] =	ssyncset.done $0x0  }
0x47: {  	s26 =	sadd.s32 s25, s7;
	[sflag:s20] =	ssyncadd.s32 $0xFFFFD800  }
0x48: {  	[hbm4b:s26+s2] =	stream.linear.scatter [tilespmem:s15], [sflag:$0x4], $0x2800, $0x38;
	[tilespmem:$0x7900] =	vst v63  }
0x49: {  	_ =	swait.ge [sflag:s12], $0x2800  }
0x4a: {  	[sflag:s12] =	ssyncset.done $0x0  }
0x4b: {  	s26 =	sadd.s32 s25, s8;
	[sflag:s12] =	ssyncadd.s32 $0xFFFFD800  }
0x4c: {  	[hbm4b:s26+s2] =	stream.linear.scatter [tilespmem:s16], [sflag:$0x4], $0x2800, $0x38;
	[tilespmem:$0x7900] =	vst v63  }
0x4d: {  	_ =	swait.ge [sflag:s12], $0x2800  }
.Ltmp0:
0x4e: {  	[sflag:s12] =	ssyncset.done $0x0;
	(pc) =	sbr.rel @p0 .LBB2_2-.Ltmp0, $4  }
0x4f: {  	s25 =	sadd.s32 s25, s9;
	[sflag:s12] =	ssyncadd.s32 $0xFFFFD800  }
0x50: {  	[hbm4b:s25+s2] =	stream.linear.scatter [tilespmem:s17], [sflag:$0x4], $0x2800, $0x38;
	[tilespmem:$0x7900] =	vst v63  }
0x51: {  	_ =	swait.ge [sflag:s12], $0x2800  }
0x52: {  	[sflag:s12] =	ssyncset.done $0x0  }
0x53: {  	s21 =	sadd.s32 $0x1, s21  }
0x54: {  	p0 =	sne.s32 s21, s6  }
.Ltmp1:
0x55: {  	_ = 	snop;
	(pc) =	sbr.rel @p0 .LBB2_1-.Ltmp1, $2  }
0x56: {  	_ =	sdelay $0x2  }
0x57: {  	[sflag:s12] =	ssyncadd.s32 $0xFFFFD800  }
0x58: {  	_ =	sfence.sel $0x180000  }
0x59: {  	[bflag:$0x0] =	sbarrier.arrive $0xFFFF  }
0x5a: {  	p0 =	sne.s32 s1, $0x0;
	_ =	strace $0x90000047  }
0x5b: {  	s0 =	sadd.s32 @!p0 $0x100000, s0;
	[bflag:$0x2] =	sbarrier.arrive $0xFFFF  }
0x5c: {  	[sflag:s0] =	ssyncadd.tile.s32 @!p0 $0x1;
	_ =	shalt  }
.Lfunc_end2:
_tile_overlayer_lowered:
.L_overlay_start_2:
0x5d: {  	(tag) =	ssettag $0x2  }
0x5e: {  	s0 =	rddreg [dreg:$0x0];
	s2 =	stileid.u32  }
0x5f: {  	s1 =	rddreg [dreg:$0x1];
	p0 =	sne.s32 s2, $0x0  }
0x60: {  	s3 =	rddreg [dreg:$0x2];
	[bflag:$0x3] =	sbarrier.arrive $0xFFFF;
	s2 =	simm.s32 @!p0 $0x1C04  }
0x61: {  	[timem:s3], [sflag:s2] =	dma.local @!p0 [hbm:s0], s1  }
0x62: {  	s0 =	simm.s32 @!p0 $0x4  }
0x63: {  	_ =	swait.ge @!p0 [sflag:s0], s1  }
0x64: {  	s1 =	ssub.s32 @!p0 $0x0, s1;
	[sflag:s0] =	ssyncset.done @!p0 $0x0  }
0x65: {  	[sflag:s0] =	ssyncadd.s32 @!p0 s1  }
0x66: {  	[bflag:$0x3] =	sbarrier.arrive $0xFFFF  }
0x67: {  	_ =	shalt  }

// kernel: kernel.18.cloned.1.call-start
scs
__scs_entry_jumppad:
0x0: {  	(pc) =	sbr.rel $0x88, $3  }
0x1: {  	(tag) =	ssettag $0x0;
	lr =	simm.s32 $0x1  }
0x2: {  	[smem:$0x3F85] =	sst lr;
	_ =	strace $0xD0000000  }
0x3: {  	_ = 	snop  }
0x4: {  	_ = 	snop  }
0x5: {  	_ = 	snop  }
0x6: {  	_ = 	snop  }
0x7: {  	_ = 	snop  }
__scs_overlays_trampoline_lowered:
0x8: {  	[smem:$0x3F94] =	sst s0  }
0x9: {  	[smem:$0x3F95] =	sst s1  }
0xa: {  	[smem:$0x3F96] =	sst s2  }
0xb: {  	[smem:$0x3F97] =	sst s3  }
0xc: {  	[smem:$0x3F98] =	sst s4  }
0xd: {  	[smem:$0x3F99] =	sst s5  }
0xe: {  	[smem:$0x3F9A] =	sst s6  }
0xf: {  	[smem:$0x3F9B] =	sst s7  }
0x10: {  	[smem:$0x3F9C] =	sst s8  }
0x11: {  	[smem:$0x3F9D] =	sst s9;
	s0 =	simm.s32 @!p0 $0x0  }
0x12: {  	s1 =	sld [smem:$0x3F83];
	s0 =	simm.s32 @p0 $0x1  }
0x13: {  	[smem:$0x3F9E] =	sst s0;
	s0 =	simm.s32 @!p1 $0x0  }
0x14: {  	s2 =	sld [smem:$0x3F82];
	s0 =	simm.s32 @p1 $0x1  }
0x15: {  	[smem:$0x3F9F] =	sst s0;
	s0 =	simm.s32 @!p2 $0x0  }
0x16: {  	s3 =	sld [smem:$0x3FDB];
	s0 =	simm.s32 @p2 $0x1  }
0x17: {  	s4 =	simm.s32 $0x1BF5;
	[smem:$0x3FA1] =	sst s0  }
0x18: {  	s0 =	sld [smem:$0x3F84];
	_ =	swait.ge [sflag:s4], $0x0  }
0x19: {  	s7 =	sld [smem:$0x3F85]  }
0x1a: {  	s8 =	sadd.s32 $0xFFFFE003, lr  }
0x1b: {  	s9 =	sadd.s32 $0xFFFFFEF7, lr;
	s5 =	simm.s32 $0xFFFFFFFF;
	p2 =	slt.u32 s8, $0xFFFFF086  }
0x1c: {  	p1 =	slt.u32 s9, $0xF7A;
	s5 =	simm.s32 @!p2 $0x0  }
0x1d: {  	s5 =	simm.s32 @p1 $0x1;
	p0 =	seq.s32 s7, s2  }
0x1e: {  	s7 =	smul.u32 @!p0 $0xF7A, s2;
	p2 =	seq.s32 @!p0 s5, $0x0  }
0x1f: {  	s9 =	smul.u32 $0xF7A, s1;
	s8 =	simm.s32 @!p0 $0x1BF5;
	p2 =	por !p2, p0  }
0x20: {  	[sflag:s8] =	ssyncset.s32 @!p0 $0xFFFFF086;
	s6 =	sadd.s32 @!p0 s3, s7;
	s7 =	simm.s32 @!p0 $0x108  }
0x21: {  	s3 =	sadd.s32 s3, s9;
	s6 =	sadd.s32 @!p0 $0x88, s6;
	s7 =	simm.s32 @p2 $0x1082  }
0x22: {  	[simem:s7], [sflag:s8] =	dma.local @!p0 [hbm:s6], $0xF7A  }
0x23: {  	s9 =	sor.u32 $0xD0000000, s2;
	s6 =	simm.s32 $0x108;
	_ =	swait.ge @!p0 [sflag:s8], $0x0  }
0x24: {  	s3 =	sadd.s32 $0x88, s3;
	s6 =	simm.s32 @!p1 $0x1082;
	[sflag:s4] =	ssyncset.s32 $0xFFFFF086  }
0x25: {  	[simem:s6], [sflag:s4] =	dma.local [hbm:s3], $0xF7A  }
0x26: {  	[smem:$0x3F85] =	sst s1;
	(tag) =	ssettag s2;
	_ =	strace s9  }
0x27: {  	s1 =	sld [smem:$0x3F95]  }
0x28: {  	s2 =	sld [smem:$0x3F96]  }
0x29: {  	s4 =	sld [smem:$0x3F98]  }
0x2a: {  	p0 =	seq.s32 s5, $0x0;
	s5 =	sld [smem:$0x3F99]  }
0x2b: {  	s6 =	sld [smem:$0x3F9A]  }
0x2c: {  	s7 =	sld [smem:$0x3F9B]  }
0x2d: {  	s3 =	simm.s32 $0x108;
	s8 =	sld [smem:$0x3F9C]  }
0x2e: {  	s3 =	simm.s32 @!p0 $0x1082;
	s9 =	sld [smem:$0x3F9D]  }
0x2f: {  	lr =	sadd.s32 s0, s3;
	s0 =	sld [smem:$0x3F94]  }
0x30: {  	s3 =	sld [smem:$0x3F97]  }
0x31: {  	[smem:$0x3FA0] =	sst s10  }
0x32: {  	s10 =	sld [smem:$0x3F9E];
	_ =	sdelay $0x3  }
0x33: {  	p0 =	seq.s32 s10, $0x1;
	s10 =	sld [smem:$0x3FA0];
	_ =	sdelay $0x3  }
0x34: {  	[smem:$0x3FA0] =	sst s10  }
0x35: {  	s10 =	sld [smem:$0x3F9F];
	_ =	sdelay $0x3  }
0x36: {  	p1 =	seq.s32 s10, $0x1;
	s10 =	sld [smem:$0x3FA0];
	_ =	sdelay $0x3  }
0x37: {  	[smem:$0x3FA0] =	sst s10  }
0x38: {  	s10 =	sld [smem:$0x3FA1]  }
0x39: {  	_ = 	snop;
	(pc) =	sbr.ind lr, $3  }
0x3a: {  	_ = 	snop  }
0x3b: {  	_ = 	snop  }
0x3c: {  	p2 =	seq.s32 s10, $0x1;
	s10 =	sld [smem:$0x3FA0]  }
0x3d: {  	_ =	shalt  }
0x3e: {  	_ =	shalt  }
0x3f: {  	_ =	shalt  }
0x40: {  	_ =	shalt  }
0x41: {  	_ =	shalt  }
0x42: {  	_ =	shalt  }
0x43: {  	_ =	shalt  }
0x44: {  	_ =	shalt  }
0x45: {  	_ =	shalt  }
0x46: {  	_ =	shalt  }
0x47: {  	_ =	shalt  }
0x48: {  	_ =	shalt  }
0x49: {  	_ =	shalt  }
0x4a: {  	_ =	shalt  }
0x4b: {  	_ =	shalt  }
0x4c: {  	_ =	shalt  }
0x4d: {  	_ =	shalt  }
0x4e: {  	_ =	shalt  }
0x4f: {  	_ =	shalt  }
0x50: {  	_ =	shalt  }
0x51: {  	_ =	shalt  }
0x52: {  	_ =	shalt  }
0x53: {  	_ =	shalt  }
0x54: {  	_ =	shalt  }
0x55: {  	_ =	shalt  }
0x56: {  	_ =	shalt  }
0x57: {  	_ =	shalt  }
0x58: {  	_ =	shalt  }
0x59: {  	_ =	shalt  }
0x5a: {  	_ =	shalt  }
0x5b: {  	_ =	shalt  }
0x5c: {  	_ =	shalt  }
0x5d: {  	_ =	shalt  }
0x5e: {  	_ =	shalt  }
0x5f: {  	_ =	shalt  }
0x60: {  	_ =	shalt  }
0x61: {  	_ =	shalt  }
0x62: {  	_ =	shalt  }
0x63: {  	_ =	shalt  }
0x64: {  	_ =	shalt  }
0x65: {  	_ =	shalt  }
0x66: {  	_ =	shalt  }
0x67: {  	_ =	shalt  }
0x68: {  	_ =	shalt  }
0x69: {  	_ =	shalt  }
0x6a: {  	_ =	shalt  }
0x6b: {  	_ =	shalt  }
0x6c: {  	_ =	shalt  }
0x6d: {  	_ =	shalt  }
0x6e: {  	_ =	shalt  }
0x6f: {  	_ =	shalt  }
0x70: {  	_ =	shalt  }
0x71: {  	_ =	shalt  }
0x72: {  	_ =	shalt  }
0x73: {  	_ =	shalt  }
0x74: {  	_ =	shalt  }
0x75: {  	_ =	shalt  }
0x76: {  	_ =	shalt  }
0x77: {  	_ =	shalt  }
0x78: {  	_ =	shalt  }
0x79: {  	_ =	shalt  }
0x7a: {  	_ =	shalt  }
0x7b: {  	_ =	shalt  }
0x7c: {  	_ =	shalt  }
0x7d: {  	_ =	shalt  }
0x7e: {  	_ =	shalt  }
0x7f: {  	_ =	shalt  }
0x80: {  	_ =	shalt  }
0x81: {  	_ =	shalt  }
0x82: {  	_ =	shalt  }
0x83: {  	_ =	shalt  }
0x84: {  	_ =	shalt  }
0x85: {  	_ =	shalt  }
0x86: {  	_ =	shalt  }
0x87: {  	_ =	shalt  }
.Lfunc_end0:
.L_simem_size_0:
called_computation.1_lowered:
.L_overlay_start_0:
0x88: {  	s2 =	sld [smem:$0x3FD9]  }
0x89: {  	s3 =	sld [smem:$0x3FFE];
	_ =	sdelay $0x1  }
0x8a: {  	s1 =	srdreg.scid  }
0x8b: {  	s0 =	sand.u32 $0x1, s1  }
0x8c: {  	s16 =	sshll.u32 s0, $0xA;
	s2 =	sadd.s32 s3, s2  }
0x8d: {  	s2 =	sadd.s32 s2, s16  }
0x8e: {  	[smem:$0x3FAC] =	sst s2  }
0x8f: {  	_ = 	snop  }
0x90: {  	(tm) =	ssettm $0x1  }
0x91: {  	s17 =	sld [smem:$0x3FFB];
	_ =	sdelay $0x3  }
0x92: {  	_ =	strace s17  }
0x93: {  	s2 =	sld [smem:$0x3FFC];
	_ =	sdelay $0x3  }
0x94: {  	_ =	strace s2  }
0x95: {  	s2 =	sld [smem:$0x3FFD];
	_ =	sdelay $0x3  }
0x96: {  	_ =	strace s2  }
0x97: {  	_ =	strace $0x8FFFFFFF  }
0x98: {  	s18 =	sld [smem:$0x3FDB];
	_ =	sdelay $0x1  }
0x99: {  	s19 =	simm.s32 $_scs_section_size  }
0x9a: {  	s4 =	simm.s32 $_size__tile_overlayer_lowered;
	s5 =	simm.s32 $_tile_overlayer_lowered  }
0x9b: {  	s22 =	simm.s32 $0x1BFF;
	s21 =	sshll.u32 s5, $0x1;
	s2 =	sadd.s32 s19, s18  }
0x9c: {  	s6 =	simm.s32 $0x0;
	s20 =	sshll.u32 s4, $0x1;
	s4 =	sadd.s32 s21, s2  }
0x9d: {  	[timem:s6], [sflag:s22] =	dma.local [hbm:s4], s20  }
0x9e: {  	_ =	swait.ge [sflag:s22], s20  }
0x9f: {  	s3 =	ssub.s32 $0x0, s20;
	[sflag:s22] =	ssyncset.done $0x0  }
0xa0: {  	[sflag:s22] =	ssyncadd.s32 s3;
	_ =	sdelay $0x1  }
0xa1: {  	s23 =	simm.s32 $0x1B8B  }
0xa2: {  	_ =	swait.ge [sflag:s23], $0x1  }
0xa3: {  	[sflag:s23] =	ssyncset.done $0x0  }
0xa4: {  	s25 =	simm.s32 $0x1B8E;
	s24 =	sld [smem:$0x3FFE];
	[sflag:s23] =	ssyncadd.s32 $0xFFFFFFFF  }
0xa5: {  	s26 =	simm.s32 $execute0_lowered;
	[smem:$0x3FD2] =	sst s25  }
0xa6: {  	s4 =	sshll.u32 s26, $0x1;
	_ =	strace $0x80000049;
	[dreg:$0x1] =	wrdreg $0xFFFFFFFF  }
0xa7: {  	s28 =	simm.s32 $_size_execute0_lowered;
	s2 =	sadd.s32 s2, s4;
	[dreg:$0x0] =	wrdreg $0x0  }
0xa8: {  	s4 =	sshll.u32 s28, $0x1;
	[dreg:$0x2] =	wrdreg s2  }
0xa9: {  	[dreg:$0x3] =	wrdreg s4  }
0xaa: {  	[dreg:$0x4] =	wrdreg $0xC0  }
0xab: {  	_ =	task [dreg:s6], $0x5FFFF  }
0xac: {  	[dreg:$0x1] =	wrdreg $0xFFFFFFFF  }
0xad: {  	[dreg:$0x0] =	wrdreg $0x60  }
0xae: {  	[dreg:$0x2] =	wrdreg s24  }
0xaf: {  	[dreg:$0x3] =	wrdreg $0x50800  }
0xb0: {  	[dreg:$0x4] =	wrdreg $0xC5B00  }
0xb1: {  	[dreg:$0x5] =	wrdreg $0x9  }
0xb2: {  	_ =	task.clear_ibuf [dreg:s6], $0x6FFFF;
	_ =	strace $0x90000049  }
0xb3: {  	s29 =	simm.s32 $0x9;
	_ =	strace $0x8000004B  }
0xb4: {  	_ =	swait.ge [sflag:s29], $0x1  }
0xb5: {  	[sflag:s29] =	ssyncadd.s32 $0xFFFFFFFF  }
0xb6: {  	_ =	strace $0x9000004B  }
0xb7: {  	_ =	sfence  }
0xb8: {  	s30 =	sld [smem:$0x0];
	_ =	sdelay $0x2  }
0xb9: {  	s31 =	sshll.u32 s1, $0xD;
	s1 =	sshrl.u32 s1, $0x2  }
0xba: {  	s3 =	sand.u32 $0x4000, s31;
	s1 =	sadd.s32 s1, s30  }
0xbb: {  	s0 =	sor.u32 s3, s0;
	s1 =	sshll.u32 s1, $0x11  }
0xbc: {  	s0 =	sor.u32 s1, s0  }
0xbd: {  	s0 =	sadd.s32 $0x8F2B, s0  }
0xbe: {  	[sflag:s0] =	ssyncadd.remote.s32 $0x1  }
0xbf: {  	_ =	sfence.sel $0xFFFF  }
0xc0: {  	[dreg:$0x0] =	wrdreg $0xFFFFFFFF;
	(pc) =	sbr.abs _section_cstart, $3  }
0xc1: {  	[dreg:$0x1] =	wrdreg $0xFFFFFFFF  }
0xc2: {  	_ =	task.clear_ibuf [dreg:s6], $0x2FFFF;
	_ =	strace $0x9FFFFFFF  }
0xc3: {  	(tm) =	ssettm $0x7FFFFFFF  }
tec
execute0_lowered:
.L_overlay_start_1:
0x0: {  	(tag) =	ssettag $0x1  }
0x1: {  	s6 =	rddreg [dreg:$0x0]  }
0x2: {  	s1 =	rddreg [dreg:$0x1]  }
0x3: {  	s2 =	rddreg [dreg:$0x2]  }
0x4: {  	s0 =	rddreg [dreg:$0x3]  }
0x5: {  	s10 =	stileid.u32;
	s3 =	simm.s32 $0x0;
	s5 =	srdreg.scid  }
0x6: {  	s15 =	simm.s32 $0x80;
	s16 =	simm.s32 $0x2880;
	s17 =	simm.s32 $0x50  }
0x7: {  	s18 =	simm.s32 $0x0;
	s4 =	smul.u32 $0x9C4, s10;
	[smem:$0x7FF] =	sst s3  }
0x8: {  	s7 =	sand.u32 $0x1, s5;
	s5 =	sadd.s32 $0x1AE00, s6;
	s13 =	smul.u32 $0x4E200, s10  }
0x9: {  	p0 =	sne.s32 s10, $0x0;
	_ =	strace $0x8000004A;
	s8 =	smul.u32 $0x27100, s7  }
0xa: {  	s9 =	ssub.s32 $0x2, s7;
	s14 =	smul.u32 $0x4E2, s7;
	s11 =	sadd.s32 s4, s6  }
0xb: {  	s4 =	sadd.s32 $0x42000, s6;
	s30 =	sshrl.u32 s9, $0x1;
	s12 =	sadd.s32 s8, s6  }
0xc: {  	s31 =	ssub.s32 s9, s30;
	s11 =	sadd.s32 s14, s11;
	s14 =	simm.s32 $0x1  }
0xd: {  	s6 =	sadd.s32 $0xB7600, s12;
	s7 =	sadd.s32 $0x105800, s12;
	s8 =	smax.u32 s31, $0x1  }
0xe: {  	s12 =	sadd.s32 s13, s12;
	s11 =	sadd.s32 $0x11000, s11;
	s13 =	sshrl.u32 @!p0 s2, $0x3  }
0xf: {  	s9 =	sadd.s32 $0xF5D600, s12;
	s10 =	sadd.s32 $0x143F600, s12;
	s12 =	sshrl.u32 @!p0 s1, $0x3  }
.LBB2_1:
0x10: {  	s19 =	simm.s32 @!p0 $0x1C01;
	s20 =	simm.s32 @!p0 $0x1  }
0x11: {  	[spmem:s12], [sflag:s19] =	dma.local @!p0 [hbm:s4], $0x27100  }
0x12: {  	_ =	swait.ge @!p0 [sflag:s20], $0x27100  }
0x13: {  	[sflag:s20] =	ssyncset.done @!p0 $0x0  }
0x14: {  	[sflag:s20] =	ssyncadd.s32 @!p0 $0xFFFD8F00  }
0x15: {  	[spmem:s13], [sflag:s19] =	dma.local @!p0 [hbm:s5], $0x27100  }
0x16: {  	_ =	swait.ge @!p0 [sflag:s20], $0x27100  }
0x17: {  	[sflag:s20] =	ssyncset.done @!p0 $0x0  }
0x18: {  	[sflag:s20] =	ssyncadd.s32 @!p0 $0xFFFD8F00  }
0x19: {  	[bflag:$0x0] =	sbarrier.arrive $0xFFFF  }
0x1a: {  	[tilespmem:s3], [sflag:$0x1] =	stream.linear.gather [hbm4b:s11+s3], $0x50, $0x38;
	[tilespmem:$0xECC0] =	vst v63  }
0x1b: {  	_ =	swait.ge [sflag:s14], $0x50  }
0x1c: {  	[sflag:s14] =	ssyncset.done $0x0  }
0x1d: {  	s30 =	sadd.s32 $0x0, s9;
	[sflag:s14] =	ssyncadd.s32 $0xFFFFFFB0  }
0x1e: {  	[tilespmem:s15], [sflag:$0x1] =	stream.linear.gather [hbm4b:s30+s3], $0x2800, $0x38;
	[tilespmem:$0xECC0] =	vst v63  }
0x1f: {  	_ =	swait.ge [sflag:s14], $0x2800  }
0x20: {  	[sflag:s14] =	ssyncset.done $0x0  }
0x21: {  	s31 =	sadd.s32 $0x0, s10;
	[sflag:s14] =	ssyncadd.s32 $0xFFFFD800  }
0x22: {  	[tilespmem:s16], [sflag:$0x1] =	stream.linear.gather [hbm4b:s31+s3], $0x2800, $0x38;
	[tilespmem:$0xECC0] =	vst v63  }
0x23: {  	_ =	swait.ge [sflag:s14], $0x2800  }
0x24: {  	[sflag:s14] =	ssyncset.done $0x0  }
0x25: {  	[sflag:s14] =	ssyncadd.s32 $0xFFFFD800  }
0x26: {  	[spmem:s1] =	stream.indirect.scatter.add.f32 [tilespmem:s15], [sflag:$0x1], $0x30, s3, s17, $0xb8;
	[tilespmem:$0xECC0] =	vst v63  }
0x27: {  	_ =	swait.ge [sflag:s14], $0xF00  }
0x28: {  	[sflag:s14] =	ssyncset.done $0x0  }
0x29: {  	[sflag:s14] =	ssyncadd.s32 $0xFFFFF100  }
0x2a: {  	[spmem:s2] =	stream.indirect.scatter.add.f32 [tilespmem:s16], [sflag:$0x1], $0x10, s3, s17, $0xb8;
	[tilespmem:$0xECC0] =	vst v63  }
0x2b: {  	_ =	swait.ge [sflag:s14], $0x500  }
0x2c: {  	s19 =	simm.s32 $0x500;
	s20 =	smov.u32 s11;
	[sflag:s14] =	ssyncset.done $0x0  }
.LBB2_2:
0x2d: {  	p1 =	sne.s32 s19, $0x26C00;
	[sflag:s14] =	ssyncadd.s32 $0xFFFFFB00;
	s20 =	sadd.s32 $0xA, s20  }
0x2e: {  	[tilespmem:s3], [sflag:$0x1] =	stream.linear.gather [hbm4b:s20+s3], $0x50, $0x38;
	[tilespmem:$0xECC0] =	vst v63  }
0x2f: {  	s21 =	smov.u32 s19;
	s19 =	sadd.s32 $0x500, s19;
	_ =	swait.ge [sflag:s14], $0x50  }
0x30: {  	[sflag:s14] =	ssyncset.done $0x0  }
0x31: {  	s22 =	sadd.s32 s21, s9;
	[sflag:s14] =	ssyncadd.s32 $0xFFFFFFB0  }
0x32: {  	[tilespmem:s15], [sflag:$0x1] =	stream.linear.gather [hbm4b:s22+s3], $0x2800, $0x38;
	[tilespmem:$0xECC0] =	vst v63  }
0x33: {  	_ =	swait.ge [sflag:s14], $0x2800  }
0x34: {  	[sflag:s14] =	ssyncset.done $0x0  }
0x35: {  	s21 =	sadd.s32 s21, s10;
	[sflag:s14] =	ssyncadd.s32 $0xFFFFD800  }
0x36: {  	[tilespmem:s16], [sflag:$0x1] =	stream.linear.gather [hbm4b:s21+s3], $0x2800, $0x38;
	[tilespmem:$0xECC0] =	vst v63  }
0x37: {  	_ =	swait.ge [sflag:s14], $0x2800  }
0x38: {  	[sflag:s14] =	ssyncset.done $0x0  }
0x39: {  	[sflag:s14] =	ssyncadd.s32 $0xFFFFD800  }
0x3a: {  	[spmem:s1] =	stream.indirect.scatter.add.f32 [tilespmem:s15], [sflag:$0x1], $0x30, s3, s17, $0xb8;
	[tilespmem:$0xECC0] =	vst v63  }
0x3b: {  	_ =	swait.ge [sflag:s14], $0xF00  }
.Ltmp0:
0x3c: {  	[sflag:s14] =	ssyncset.done $0x0;
	(pc) =	sbr.rel @p1 .LBB2_2-.Ltmp0, $4  }
0x3d: {  	[sflag:s14] =	ssyncadd.s32 $0xFFFFF100  }
0x3e: {  	[spmem:s2] =	stream.indirect.scatter.add.f32 [tilespmem:s16], [sflag:$0x1], $0x10, s3, s17, $0xb8;
	[tilespmem:$0xECC0] =	vst v63  }
0x3f: {  	_ =	swait.ge [sflag:s14], $0x500  }
0x40: {  	[sflag:s14] =	ssyncset.done $0x0  }
0x41: {  	[sflag:s14] =	ssyncadd.s32 $0xFFFFFB00  }
0x42: {  	s19 =	simm.s32 @!p0 $0x1C01;
	s20 =	simm.s32 @!p0 $0x1;
	[bflag:$0x0] =	sbarrier.arrive $0xFFFF  }
0x43: {  	[hbm:s6], [sflag:s19] =	dma.local @!p0 [spmem:s12], $0x27100  }
0x44: {  	s18 =	sadd.s32 $0x1, s18;
	_ =	swait.ge @!p0 [sflag:s20], $0x27100  }
0x45: {  	p1 =	sne.s32 s18, s8;
	[sflag:s20] =	ssyncset.done @!p0 $0x0  }
.Ltmp1:
0x46: {  	[sflag:s20] =	ssyncadd.s32 @!p0 $0xFFFD8F00;
	(pc) =	sbr.rel @p1 .LBB2_1-.Ltmp1, $4  }
0x47: {  	[hbm:s7], [sflag:s19] =	dma.local @!p0 [spmem:s13], $0x27100  }
0x48: {  	_ =	swait.ge @!p0 [sflag:s20], $0x27100  }
0x49: {  	[sflag:s20] =	ssyncset.done @!p0 $0x0  }
0x4a: {  	[sflag:s20] =	ssyncadd.s32 @!p0 $0xFFFD8F00  }
0x4b: {  	_ =	sfence.sel $0x180000  }
0x4c: {  	[bflag:$0x0] =	sbarrier.arrive $0xFFFF  }
0x4d: {  	_ =	strace $0x9000004A  }
0x4e: {  	s0 =	sadd.s32 @!p0 $0x100000, s0;
	[bflag:$0x2] =	sbarrier.arrive $0xFFFF  }
0x4f: {  	[sflag:s0] =	ssyncadd.tile.s32 @!p0 $0x1;
	_ =	shalt  }
.Lfunc_end2:
_tile_overlayer_lowered:
.L_overlay_start_2:
0x50: {  	(tag) =	ssettag $0x2  }
0x51: {  	s0 =	rddreg [dreg:$0x0];
	s2 =	stileid.u32  }
0x52: {  	s1 =	rddreg [dreg:$0x1];
	p0 =	sne.s32 s2, $0x0  }
0x53: {  	s3 =	rddreg [dreg:$0x2];
	[bflag:$0x3] =	sbarrier.arrive $0xFFFF;
	s2 =	simm.s32 @!p0 $0x1C01  }
0x54: {  	[timem:s3], [sflag:s2] =	dma.local @!p0 [hbm:s0], s1  }
0x55: {  	s0 =	simm.s32 @!p0 $0x1  }
0x56: {  	_ =	swait.ge @!p0 [sflag:s0], s1  }
0x57: {  	s1 =	ssub.s32 @!p0 $0x0, s1;
	[sflag:s0] =	ssyncset.done @!p0 $0x0  }
0x58: {  	[sflag:s0] =	ssyncadd.s32 @!p0 s1  }
0x59: {  	[bflag:$0x3] =	sbarrier.arrive $0xFFFF  }
0x5a: {  	_ =	shalt  }

// kernel: kernel.21.cloned.1.call-start
scs
__scs_entry_jumppad:
0x0: {  	(pc) =	sbr.rel $0x88, $3  }
0x1: {  	(tag) =	ssettag $0x0;
	lr =	simm.s32 $0x1  }
0x2: {  	[smem:$0x3F85] =	sst lr;
	_ =	strace $0xD0000000  }
0x3: {  	_ = 	snop  }
0x4: {  	_ = 	snop  }
0x5: {  	_ = 	snop  }
0x6: {  	_ = 	snop  }
0x7: {  	_ = 	snop  }
__scs_overlays_trampoline_lowered:
0x8: {  	[smem:$0x3F94] =	sst s0  }
0x9: {  	[smem:$0x3F95] =	sst s1  }
0xa: {  	[smem:$0x3F96] =	sst s2  }
0xb: {  	[smem:$0x3F97] =	sst s3  }
0xc: {  	[smem:$0x3F98] =	sst s4  }
0xd: {  	[smem:$0x3F99] =	sst s5  }
0xe: {  	[smem:$0x3F9A] =	sst s6  }
0xf: {  	[smem:$0x3F9B] =	sst s7  }
0x10: {  	[smem:$0x3F9C] =	sst s8  }
0x11: {  	[smem:$0x3F9D] =	sst s9;
	s0 =	simm.s32 @!p0 $0x0  }
0x12: {  	s1 =	sld [smem:$0x3F83];
	s0 =	simm.s32 @p0 $0x1  }
0x13: {  	[smem:$0x3F9E] =	sst s0;
	s0 =	simm.s32 @!p1 $0x0  }
0x14: {  	s2 =	sld [smem:$0x3F82];
	s0 =	simm.s32 @p1 $0x1  }
0x15: {  	[smem:$0x3F9F] =	sst s0;
	s0 =	simm.s32 @!p2 $0x0  }
0x16: {  	s3 =	sld [smem:$0x3FDB];
	s0 =	simm.s32 @p2 $0x1  }
0x17: {  	s4 =	simm.s32 $0x1BF5;
	[smem:$0x3FA1] =	sst s0  }
0x18: {  	s0 =	sld [smem:$0x3F84];
	_ =	swait.ge [sflag:s4], $0x0  }
0x19: {  	s7 =	sld [smem:$0x3F85]  }
0x1a: {  	s8 =	sadd.s32 $0xFFFFE003, lr  }
0x1b: {  	s9 =	sadd.s32 $0xFFFFFEF7, lr;
	s5 =	simm.s32 $0xFFFFFFFF;
	p2 =	slt.u32 s8, $0xFFFFF086  }
0x1c: {  	p1 =	slt.u32 s9, $0xF7A;
	s5 =	simm.s32 @!p2 $0x0  }
0x1d: {  	s5 =	simm.s32 @p1 $0x1;
	p0 =	seq.s32 s7, s2  }
0x1e: {  	s7 =	smul.u32 @!p0 $0xF7A, s2;
	p2 =	seq.s32 @!p0 s5, $0x0  }
0x1f: {  	s9 =	smul.u32 $0xF7A, s1;
	s8 =	simm.s32 @!p0 $0x1BF5;
	p2 =	por !p2, p0  }
0x20: {  	[sflag:s8] =	ssyncset.s32 @!p0 $0xFFFFF086;
	s6 =	sadd.s32 @!p0 s3, s7;
	s7 =	simm.s32 @!p0 $0x108  }
0x21: {  	s3 =	sadd.s32 s3, s9;
	s6 =	sadd.s32 @!p0 $0x88, s6;
	s7 =	simm.s32 @p2 $0x1082  }
0x22: {  	[simem:s7], [sflag:s8] =	dma.local @!p0 [hbm:s6], $0xF7A  }
0x23: {  	s9 =	sor.u32 $0xD0000000, s2;
	s6 =	simm.s32 $0x108;
	_ =	swait.ge @!p0 [sflag:s8], $0x0  }
0x24: {  	s3 =	sadd.s32 $0x88, s3;
	s6 =	simm.s32 @!p1 $0x1082;
	[sflag:s4] =	ssyncset.s32 $0xFFFFF086  }
0x25: {  	[simem:s6], [sflag:s4] =	dma.local [hbm:s3], $0xF7A  }
0x26: {  	[smem:$0x3F85] =	sst s1;
	(tag) =	ssettag s2;
	_ =	strace s9  }
0x27: {  	s1 =	sld [smem:$0x3F95]  }
0x28: {  	s2 =	sld [smem:$0x3F96]  }
0x29: {  	s4 =	sld [smem:$0x3F98]  }
0x2a: {  	p0 =	seq.s32 s5, $0x0;
	s5 =	sld [smem:$0x3F99]  }
0x2b: {  	s6 =	sld [smem:$0x3F9A]  }
0x2c: {  	s7 =	sld [smem:$0x3F9B]  }
0x2d: {  	s3 =	simm.s32 $0x108;
	s8 =	sld [smem:$0x3F9C]  }
0x2e: {  	s3 =	simm.s32 @!p0 $0x1082;
	s9 =	sld [smem:$0x3F9D]  }
0x2f: {  	lr =	sadd.s32 s0, s3;
	s0 =	sld [smem:$0x3F94]  }
0x30: {  	s3 =	sld [smem:$0x3F97]  }
0x31: {  	[smem:$0x3FA0] =	sst s10  }
0x32: {  	s10 =	sld [smem:$0x3F9E];
	_ =	sdelay $0x3  }
0x33: {  	p0 =	seq.s32 s10, $0x1;
	s10 =	sld [smem:$0x3FA0];
	_ =	sdelay $0x3  }
0x34: {  	[smem:$0x3FA0] =	sst s10  }
0x35: {  	s10 =	sld [smem:$0x3F9F];
	_ =	sdelay $0x3  }
0x36: {  	p1 =	seq.s32 s10, $0x1;
	s10 =	sld [smem:$0x3FA0];
	_ =	sdelay $0x3  }
0x37: {  	[smem:$0x3FA0] =	sst s10  }
0x38: {  	s10 =	sld [smem:$0x3FA1]  }
0x39: {  	_ = 	snop;
	(pc) =	sbr.ind lr, $3  }
0x3a: {  	_ = 	snop  }
0x3b: {  	_ = 	snop  }
0x3c: {  	p2 =	seq.s32 s10, $0x1;
	s10 =	sld [smem:$0x3FA0]  }
0x3d: {  	_ =	shalt  }
0x3e: {  	_ =	shalt  }
0x3f: {  	_ =	shalt  }
0x40: {  	_ =	shalt  }
0x41: {  	_ =	shalt  }
0x42: {  	_ =	shalt  }
0x43: {  	_ =	shalt  }
0x44: {  	_ =	shalt  }
0x45: {  	_ =	shalt  }
0x46: {  	_ =	shalt  }
0x47: {  	_ =	shalt  }
0x48: {  	_ =	shalt  }
0x49: {  	_ =	shalt  }
0x4a: {  	_ =	shalt  }
0x4b: {  	_ =	shalt  }
0x4c: {  	_ =	shalt  }
0x4d: {  	_ =	shalt  }
0x4e: {  	_ =	shalt  }
0x4f: {  	_ =	shalt  }
0x50: {  	_ =	shalt  }
0x51: {  	_ =	shalt  }
0x52: {  	_ =	shalt  }
0x53: {  	_ =	shalt  }
0x54: {  	_ =	shalt  }
0x55: {  	_ =	shalt  }
0x56: {  	_ =	shalt  }
0x57: {  	_ =	shalt  }
0x58: {  	_ =	shalt  }
0x59: {  	_ =	shalt  }
0x5a: {  	_ =	shalt  }
0x5b: {  	_ =	shalt  }
0x5c: {  	_ =	shalt  }
0x5d: {  	_ =	shalt  }
0x5e: {  	_ =	shalt  }
0x5f: {  	_ =	shalt  }
0x60: {  	_ =	shalt  }
0x61: {  	_ =	shalt  }
0x62: {  	_ =	shalt  }
0x63: {  	_ =	shalt  }
0x64: {  	_ =	shalt  }
0x65: {  	_ =	shalt  }
0x66: {  	_ =	shalt  }
0x67: {  	_ =	shalt  }
0x68: {  	_ =	shalt  }
0x69: {  	_ =	shalt  }
0x6a: {  	_ =	shalt  }
0x6b: {  	_ =	shalt  }
0x6c: {  	_ =	shalt  }
0x6d: {  	_ =	shalt  }
0x6e: {  	_ =	shalt  }
0x6f: {  	_ =	shalt  }
0x70: {  	_ =	shalt  }
0x71: {  	_ =	shalt  }
0x72: {  	_ =	shalt  }
0x73: {  	_ =	shalt  }
0x74: {  	_ =	shalt  }
0x75: {  	_ =	shalt  }
0x76: {  	_ =	shalt  }
0x77: {  	_ =	shalt  }
0x78: {  	_ =	shalt  }
0x79: {  	_ =	shalt  }
0x7a: {  	_ =	shalt  }
0x7b: {  	_ =	shalt  }
0x7c: {  	_ =	shalt  }
0x7d: {  	_ =	shalt  }
0x7e: {  	_ =	shalt  }
0x7f: {  	_ =	shalt  }
0x80: {  	_ =	shalt  }
0x81: {  	_ =	shalt  }
0x82: {  	_ =	shalt  }
0x83: {  	_ =	shalt  }
0x84: {  	_ =	shalt  }
0x85: {  	_ =	shalt  }
0x86: {  	_ =	shalt  }
0x87: {  	_ =	shalt  }
.Lfunc_end0:
.L_simem_size_0:
called_computation.2_lowered:
.L_overlay_start_0:
0x88: {  	s2 =	sld [smem:$0x3FD9]  }
0x89: {  	s3 =	sld [smem:$0x3FFE];
	_ =	sdelay $0x1  }
0x8a: {  	s1 =	srdreg.scid  }
0x8b: {  	s0 =	sand.u32 $0x1, s1  }
0x8c: {  	s17 =	sshll.u32 s0, $0xA;
	s2 =	sadd.s32 s3, s2  }
0x8d: {  	s2 =	sadd.s32 s2, s17  }
0x8e: {  	[smem:$0x3FAC] =	sst s2  }
0x8f: {  	_ = 	snop  }
0x90: {  	(tm) =	ssettm $0x1  }
0x91: {  	s18 =	sld [smem:$0x3FFB];
	_ =	sdelay $0x3  }
0x92: {  	_ =	strace s18  }
0x93: {  	s2 =	sld [smem:$0x3FFC];
	_ =	sdelay $0x3  }
0x94: {  	_ =	strace s2  }
0x95: {  	s2 =	sld [smem:$0x3FFD];
	_ =	sdelay $0x3  }
0x96: {  	_ =	strace s2  }
0x97: {  	_ =	strace $0x8FFFFFFF  }
0x98: {  	s19 =	sld [smem:$0x3FDB];
	_ =	sdelay $0x1  }
0x99: {  	s20 =	simm.s32 $_scs_section_size  }
0x9a: {  	s4 =	simm.s32 $_size__tile_overlayer_lowered;
	s5 =	simm.s32 $_tile_overlayer_lowered  }
0x9b: {  	s6 =	simm.s32 $0x1BFF;
	s21 =	sshll.u32 s5, $0x1;
	s3 =	sadd.s32 s20, s19  }
0x9c: {  	s22 =	simm.s32 $0x0;
	s4 =	sshll.u32 s4, $0x1;
	s5 =	sadd.s32 s21, s3  }
0x9d: {  	[timem:s22], [sflag:s6] =	dma.local [hbm:s5], s4  }
0x9e: {  	_ =	swait.ge [sflag:s6], s4  }
0x9f: {  	s4 =	ssub.s32 $0x0, s4;
	[sflag:s6] =	ssyncset.done $0x0  }
0xa0: {  	[sflag:s6] =	ssyncadd.s32 s4;
	_ =	sdelay $0x1  }
0xa1: {  	s23 =	simm.s32 $0x1B8B  }
0xa2: {  	_ =	swait.ge [sflag:s23], $0x1  }
0xa3: {  	[sflag:s23] =	ssyncset.done $0x0  }
0xa4: {  	[sflag:s23] =	ssyncadd.s32 $0xFFFFFFFF  }
0xa5: {  	s4 =	sld [smem:$0x0]  }
0xa6: {  	s5 =	sand.u32 $0xFFFFFFFE, s1  }
0xa7: {  	p0 =	sne.s32 s1, s5  }
0xa8: {  	s5 =	sshll.u32 @p0 s5, $0xE  }
0xa9: {  	s5 =	sadd.s32 @p0 $0x11B8D, s5;
	s6 =	sshll.u32 @p0 s4, $0x11  }
0xaa: {  	s5 =	sor.u32 @p0 s6, s5  }
0xab: {  	[sflag:s5] =	ssyncadd.remote.s32 @p0 $0x1;
	_ =	sdelay $0x1  }
0xac: {  	s5 =	simm.s32 @p0 $0x1B8D  }
0xad: {  	_ =	swait.eq @p0 [sflag:s5], $0x1  }
0xae: {  	[sflag:s5] =	ssyncadd.s32 @p0 $0xFFFFFFFF  }
0xaf: {  	s6 =	sshll.u32 @!p0 s1, $0xE  }
0xb0: {  	s6 =	sor.u32 @!p0 $0x4000, s6;
	s5 =	simm.s32 @!p0 $0x1B8D  }
0xb1: {  	s4 =	sshll.u32 @!p0 s4, $0x11;
	s6 =	sadd.s32 @!p0 $0x11B8D, s6;
	_ =	swait.eq @!p0 [sflag:s5], $0x1  }
0xb2: {  	s4 =	sor.u32 @!p0 s4, s6;
	[sflag:s5] =	ssyncadd.s32 @!p0 $0xFFFFFFFF  }
0xb3: {  	s25 =	simm.s32 $0x1B8E;
	s24 =	sld [smem:$0x3FFE];
	[sflag:s4] =	ssyncadd.remote.s32 @!p0 $0x1  }
0xb4: {  	s26 =	simm.s32 $execute0_lowered;
	[smem:$0x3FD2] =	sst s25  }
0xb5: {  	s5 =	sshll.u32 s26, $0x1;
	_ =	strace $0x8000004C;
	[dreg:$0x1] =	wrdreg $0xFFFFFFFF  }
0xb6: {  	s28 =	simm.s32 $_size_execute0_lowered;
	s3 =	sadd.s32 s3, s5;
	[dreg:$0x0] =	wrdreg $0x0  }
0xb7: {  	s5 =	sshll.u32 s28, $0x1;
	[dreg:$0x2] =	wrdreg s3  }
0xb8: {  	[dreg:$0x3] =	wrdreg s5  }
0xb9: {  	[dreg:$0x4] =	wrdreg $0xC0  }
0xba: {  	_ =	task [dreg:s22], $0x5FFFF  }
0xbb: {  	[dreg:$0x1] =	wrdreg $0xFFFFFFFF  }
0xbc: {  	[dreg:$0x0] =	wrdreg $0x60  }
0xbd: {  	[dreg:$0x2] =	wrdreg s24  }
0xbe: {  	[dreg:$0x3] =	wrdreg $0x28800  }
0xbf: {  	[dreg:$0x4] =	wrdreg $0xA  }
0xc0: {  	_ =	task.clear_ibuf [dreg:s22], $0x5FFFF;
	_ =	strace $0x9000004C  }
0xc1: {  	s29 =	simm.s32 $0xA;
	_ =	strace $0x8000004E  }
0xc2: {  	_ =	swait.ge [sflag:s29], $0x1  }
0xc3: {  	[sflag:s29] =	ssyncadd.s32 $0xFFFFFFFF  }
0xc4: {  	_ =	strace $0x9000004E  }
0xc5: {  	_ =	sfence  }
0xc6: {  	s30 =	sld [smem:$0x0];
	_ =	sdelay $0x2  }
0xc7: {  	s31 =	sshll.u32 s1, $0xD;
	s1 =	sshrl.u32 s1, $0x2  }
0xc8: {  	s4 =	sand.u32 $0x4000, s31;
	s1 =	sadd.s32 s1, s30  }
0xc9: {  	s0 =	sor.u32 s4, s0;
	s1 =	sshll.u32 s1, $0x11  }
0xca: {  	s0 =	sor.u32 s1, s0  }
0xcb: {  	s0 =	sadd.s32 $0x8F2B, s0  }
0xcc: {  	[sflag:s0] =	ssyncadd.remote.s32 $0x1  }
0xcd: {  	_ =	sfence.sel $0xFFFF  }
0xce: {  	[dreg:$0x0] =	wrdreg $0xFFFFFFFF;
	(pc) =	sbr.abs _section_cstart, $3  }
0xcf: {  	[dreg:$0x1] =	wrdreg $0xFFFFFFFF  }
0xd0: {  	_ =	task.clear_ibuf [dreg:s22], $0x2FFFF;
	_ =	strace $0x9FFFFFFF  }
0xd1: {  	(tm) =	ssettm $0x7FFFFFFF  }
tec
execute0_lowered:
.L_overlay_start_1:
0x0: {  	(tag) =	ssettag $0x1  }
0x1: {  	s4 =	rddreg [dreg:$0x0]  }
0x2: {  	s1 =	rddreg [dreg:$0x1]  }
0x3: {  	s0 =	rddreg [dreg:$0x2];
	s7 =	stileid.u32  }
0x4: {  	s2 =	simm.s32 $0x0;
	s5 =	srdreg.scid;
	s3 =	smul.u32 $0x9C4, s7  }
0x5: {  	s12 =	simm.s32 $0x0;
	s5 =	sand.u32 $0x1, s5;
	s11 =	smul.u32 $0x4E200, s7  }
0x6: {  	[smem:$0x7FF] =	sst s2;
	p0 =	sne.s32 s7, $0x0;
	s6 =	smul.u32 $0x27100, s5  }
0x7: {  	_ =	strace $0x8000004D;
	s9 =	ssub.s32 $0x2, s5;
	s31 =	smul.u32 $0x4E2, s5  }
0x8: {  	s8 =	sadd.s32 s3, s4;
	s3 =	sadd.s32 $0x69200, s4;
	s10 =	sshrl.u32 s9, $0x1  }
0x9: {  	s6 =	sadd.s32 s6, s4;
	s9 =	ssub.s32 s9, s10;
	s8 =	sadd.s32 s31, s8  }
0xa: {  	s10 =	simm.s32 $0x80;
	s4 =	sadd.s32 $0x153A00, s6;
	s5 =	smax.u32 s9, $0x1  }
0xb: {  	s6 =	sadd.s32 s11, s6;
	s7 =	sadd.s32 $0x11000, s8;
	s8 =	sshrl.u32 @!p0 s1, $0x3  }
0xc: {  	s9 =	simm.s32 $0x1;
	s11 =	simm.s32 $0x50;
	s6 =	sadd.s32 $0x1921600, s6  }
.LBB2_1:
0xd: {  	s13 =	simm.s32 @!p0 $0x1C01  }
0xe: {  	[spmem:s8], [sflag:s13] =	dma.local @!p0 [hbm:s3], $0x27100  }
0xf: {  	s13 =	simm.s32 @!p0 $0x1  }
0x10: {  	_ =	swait.ge @!p0 [sflag:s13], $0x27100  }
0x11: {  	[sflag:s13] =	ssyncset.done @!p0 $0x0  }
0x12: {  	[sflag:s13] =	ssyncadd.s32 @!p0 $0xFFFD8F00  }
0x13: {  	s31 =	sadd.s32 $0x0, s7;
	[bflag:$0x0] =	sbarrier.arrive $0xFFFF  }
0x14: {  	[tilespmem:s2], [sflag:$0x1] =	stream.linear.gather [hbm4b:s31+s2], $0x50, $0x38;
	[tilespmem:$0xEBD0] =	vst v63  }
0x15: {  	_ =	swait.ge [sflag:s9], $0x50  }
0x16: {  	[sflag:s9] =	ssyncset.done $0x0  }
0x17: {  	[sflag:s9] =	ssyncadd.s32 $0xFFFFFFB0  }
0x18: {  	[tilespmem:s10], [sflag:$0x1] =	stream.linear.gather [hbm4b:s6+s2], $0x2800, $0x38;
	[tilespmem:$0xEBD0] =	vst v63  }
0x19: {  	_ =	swait.ge [sflag:s9], $0x2800  }
0x1a: {  	[sflag:s9] =	ssyncset.done $0x0  }
0x1b: {  	[sflag:s9] =	ssyncadd.s32 $0xFFFFD800  }
0x1c: {  	[spmem:s1] =	stream.indirect.scatter.add.f32 [tilespmem:s10], [sflag:$0x1], $0x50, s2, s11, $0xb8;
	[tilespmem:$0xEBD0] =	vst v63  }
0x1d: {  	s14 =	simm.s32 $0xA;
	_ =	swait.ge [sflag:s9], $0x1900  }
0x1e: {  	s15 =	simm.s32 $0x14;
	s13 =	sadd.s32 $0x500, s6;
	[sflag:s9] =	ssyncset.done $0x0  }
.LBB2_2:
0x1f: {  	s16 =	sadd.s32 s14, s7  }
0x20: {  	[sflag:s9] =	ssyncadd.s32 $0xFFFFE700;
	s14 =	smov.u32 s15;
	s17 =	sadd.s32 $0xA, s15  }
0x21: {  	[tilespmem:s2], [sflag:$0x1] =	stream.linear.gather [hbm4b:s16+s2], $0x50, $0x38;
	[tilespmem:$0xEBD0] =	vst v63  }
0x22: {  	p1 =	sne.s32 s15, $0x4D8;
	_ =	swait.ge [sflag:s9], $0x50  }
0x23: {  	[sflag:s9] =	ssyncset.done $0x0  }
0x24: {  	[sflag:s9] =	ssyncadd.s32 $0xFFFFFFB0  }
0x25: {  	[tilespmem:s10], [sflag:$0x1] =	stream.linear.gather [hbm4b:s13+s2], $0x2800, $0x38;
	[tilespmem:$0xEBD0] =	vst v63  }
0x26: {  	_ =	swait.ge [sflag:s9], $0x2800  }
.Ltmp0:
0x27: {  	[sflag:s9] =	ssyncset.done $0x0;
	(pc) =	sbr.rel @p1 .LBB2_2-.Ltmp0, $4  }
0x28: {  	[sflag:s9] =	ssyncadd.s32 $0xFFFFD800  }
0x29: {  	[spmem:s1] =	stream.indirect.scatter.add.f32 [tilespmem:s10], [sflag:$0x1], $0x50, s2, s11, $0xb8;
	[tilespmem:$0xEBD0] =	vst v63  }
0x2a: {  	_ =	swait.ge [sflag:s9], $0x1900  }
0x2b: {  	s15 =	smov.u32 s17;
	s13 =	sadd.s32 $0x500, s13;
	[sflag:s9] =	ssyncset.done $0x0  }
0x2c: {  	s14 =	sadd.s32 s14, s7;
	[sflag:s9] =	ssyncadd.s32 $0xFFFFE700  }
0x2d: {  	[tilespmem:s2], [sflag:$0x1] =	stream.linear.gather [hbm4b:s14+s2], $0x50, $0x38;
	[tilespmem:$0xEBD0] =	vst v63  }
0x2e: {  	_ =	swait.ge [sflag:s9], $0x50  }
0x2f: {  	[sflag:s9] =	ssyncset.done $0x0  }
0x30: {  	[sflag:s9] =	ssyncadd.s32 $0xFFFFFFB0  }
0x31: {  	[tilespmem:s10], [sflag:$0x1] =	stream.linear.gather [hbm4b:s13+s2], $0x2800, $0x38;
	[tilespmem:$0xEBD0] =	vst v63  }
0x32: {  	_ =	swait.ge [sflag:s9], $0x2800  }
0x33: {  	[sflag:s9] =	ssyncset.done $0x0  }
0x34: {  	[sflag:s9] =	ssyncadd.s32 $0xFFFFD800  }
0x35: {  	[spmem:s1] =	stream.indirect.scatter.add.f32 [tilespmem:s10], [sflag:$0x1], $0x50, s2, s11, $0xb8;
	[tilespmem:$0xEBD0] =	vst v63  }
0x36: {  	_ =	swait.ge [sflag:s9], $0x1900  }
0x37: {  	[sflag:s9] =	ssyncset.done $0x0  }
0x38: {  	s12 =	sadd.s32 $0x1, s12;
	[sflag:s9] =	ssyncadd.s32 $0xFFFFE700  }
0x39: {  	p1 =	sne.s32 s12, s5;
	s13 =	simm.s32 @!p0 $0x1C01;
	[bflag:$0x0] =	sbarrier.arrive $0xFFFF  }
0x3a: {  	[hbm:s4], [sflag:s13] =	dma.local @!p0 [spmem:s8], $0x27100  }
.Ltmp1:
0x3b: {  	_ = 	snop;
	(pc) =	sbr.rel @p1 .LBB2_1-.Ltmp1, $4  }
0x3c: {  	s13 =	simm.s32 @!p0 $0x1  }
0x3d: {  	_ =	swait.ge @!p0 [sflag:s13], $0x27100  }
0x3e: {  	[sflag:s13] =	ssyncset.done @!p0 $0x0  }
0x3f: {  	[sflag:s13] =	ssyncadd.s32 @!p0 $0xFFFD8F00  }
0x40: {  	_ =	sfence.sel $0x180000  }
0x41: {  	[bflag:$0x0] =	sbarrier.arrive $0xFFFF  }
0x42: {  	_ =	strace $0x9000004D  }
0x43: {  	s0 =	sadd.s32 @!p0 $0x100000, s0;
	[bflag:$0x2] =	sbarrier.arrive $0xFFFF  }
0x44: {  	[sflag:s0] =	ssyncadd.tile.s32 @!p0 $0x1;
	_ =	shalt  }
.Lfunc_end2:
_tile_overlayer_lowered:
.L_overlay_start_2:
0x45: {  	(tag) =	ssettag $0x2  }
0x46: {  	s0 =	rddreg [dreg:$0x0];
	s2 =	stileid.u32  }
0x47: {  	s1 =	rddreg [dreg:$0x1];
	p0 =	sne.s32 s2, $0x0  }
0x48: {  	s3 =	rddreg [dreg:$0x2];
	[bflag:$0x3] =	sbarrier.arrive $0xFFFF;
	s2 =	simm.s32 @!p0 $0x1C01  }
0x49: {  	[timem:s3], [sflag:s2] =	dma.local @!p0 [hbm:s0], s1  }
0x4a: {  	s0 =	simm.s32 @!p0 $0x1  }
0x4b: {  	_ =	swait.ge @!p0 [sflag:s0], s1  }
0x4c: {  	s1 =	ssub.s32 @!p0 $0x0, s1;
	[sflag:s0] =	ssyncset.done @!p0 $0x0  }
0x4d: {  	[sflag:s0] =	ssyncadd.s32 @!p0 s1  }
0x4e: {  	[bflag:$0x3] =	sbarrier.arrive $0xFFFF  }
0x4f: {  	_ =	shalt  }

// kernel: kernel.24.cloned.1.call-start
scs
__scs_entry_jumppad:
0x0: {  	(pc) =	sbr.rel $0x88, $3  }
0x1: {  	(tag) =	ssettag $0x0;
	lr =	simm.s32 $0x1  }
0x2: {  	[smem:$0x3F85] =	sst lr;
	_ =	strace $0xD0000000  }
0x3: {  	_ = 	snop  }
0x4: {  	_ = 	snop  }
0x5: {  	_ = 	snop  }
0x6: {  	_ = 	snop  }
0x7: {  	_ = 	snop  }
__scs_overlays_trampoline_lowered:
0x8: {  	[smem:$0x3F94] =	sst s0  }
0x9: {  	[smem:$0x3F95] =	sst s1  }
0xa: {  	[smem:$0x3F96] =	sst s2  }
0xb: {  	[smem:$0x3F97] =	sst s3  }
0xc: {  	[smem:$0x3F98] =	sst s4  }
0xd: {  	[smem:$0x3F99] =	sst s5  }
0xe: {  	[smem:$0x3F9A] =	sst s6  }
0xf: {  	[smem:$0x3F9B] =	sst s7  }
0x10: {  	[smem:$0x3F9C] =	sst s8  }
0x11: {  	[smem:$0x3F9D] =	sst s9;
	s0 =	simm.s32 @!p0 $0x0  }
0x12: {  	s1 =	sld [smem:$0x3F83];
	s0 =	simm.s32 @p0 $0x1  }
0x13: {  	[smem:$0x3F9E] =	sst s0;
	s0 =	simm.s32 @!p1 $0x0  }
0x14: {  	s2 =	sld [smem:$0x3F82];
	s0 =	simm.s32 @p1 $0x1  }
0x15: {  	[smem:$0x3F9F] =	sst s0;
	s0 =	simm.s32 @!p2 $0x0  }
0x16: {  	s3 =	sld [smem:$0x3FDB];
	s0 =	simm.s32 @p2 $0x1  }
0x17: {  	s4 =	simm.s32 $0x1BF5;
	[smem:$0x3FA1] =	sst s0  }
0x18: {  	s0 =	sld [smem:$0x3F84];
	_ =	swait.ge [sflag:s4], $0x0  }
0x19: {  	s7 =	sld [smem:$0x3F85]  }
0x1a: {  	s8 =	sadd.s32 $0xFFFFE003, lr  }
0x1b: {  	s9 =	sadd.s32 $0xFFFFFEF7, lr;
	s5 =	simm.s32 $0xFFFFFFFF;
	p2 =	slt.u32 s8, $0xFFFFF086  }
0x1c: {  	p1 =	slt.u32 s9, $0xF7A;
	s5 =	simm.s32 @!p2 $0x0  }
0x1d: {  	s5 =	simm.s32 @p1 $0x1;
	p0 =	seq.s32 s7, s2  }
0x1e: {  	s7 =	smul.u32 @!p0 $0xF7A, s2;
	p2 =	seq.s32 @!p0 s5, $0x0  }
0x1f: {  	s9 =	smul.u32 $0xF7A, s1;
	s8 =	simm.s32 @!p0 $0x1BF5;
	p2 =	por !p2, p0  }
0x20: {  	[sflag:s8] =	ssyncset.s32 @!p0 $0xFFFFF086;
	s6 =	sadd.s32 @!p0 s3, s7;
	s7 =	simm.s32 @!p0 $0x108  }
0x21: {  	s3 =	sadd.s32 s3, s9;
	s6 =	sadd.s32 @!p0 $0x88, s6;
	s7 =	simm.s32 @p2 $0x1082  }
0x22: {  	[simem:s7], [sflag:s8] =	dma.local @!p0 [hbm:s6], $0xF7A  }
0x23: {  	s9 =	sor.u32 $0xD0000000, s2;
	s6 =	simm.s32 $0x108;
	_ =	swait.ge @!p0 [sflag:s8], $0x0  }
0x24: {  	s3 =	sadd.s32 $0x88, s3;
	s6 =	simm.s32 @!p1 $0x1082;
	[sflag:s4] =	ssyncset.s32 $0xFFFFF086  }
0x25: {  	[simem:s6], [sflag:s4] =	dma.local [hbm:s3], $0xF7A  }
0x26: {  	[smem:$0x3F85] =	sst s1;
	(tag) =	ssettag s2;
	_ =	strace s9  }
0x27: {  	s1 =	sld [smem:$0x3F95]  }
0x28: {  	s2 =	sld [smem:$0x3F96]  }
0x29: {  	s4 =	sld [smem:$0x3F98]  }
0x2a: {  	p0 =	seq.s32 s5, $0x0;
	s5 =	sld [smem:$0x3F99]  }
0x2b: {  	s6 =	sld [smem:$0x3F9A]  }
0x2c: {  	s7 =	sld [smem:$0x3F9B]  }
0x2d: {  	s3 =	simm.s32 $0x108;
	s8 =	sld [smem:$0x3F9C]  }
0x2e: {  	s3 =	simm.s32 @!p0 $0x1082;
	s9 =	sld [smem:$0x3F9D]  }
0x2f: {  	lr =	sadd.s32 s0, s3;
	s0 =	sld [smem:$0x3F94]  }
0x30: {  	s3 =	sld [smem:$0x3F97]  }
0x31: {  	[smem:$0x3FA0] =	sst s10  }
0x32: {  	s10 =	sld [smem:$0x3F9E];
	_ =	sdelay $0x3  }
0x33: {  	p0 =	seq.s32 s10, $0x1;
	s10 =	sld [smem:$0x3FA0];
	_ =	sdelay $0x3  }
0x34: {  	[smem:$0x3FA0] =	sst s10  }
0x35: {  	s10 =	sld [smem:$0x3F9F];
	_ =	sdelay $0x3  }
0x36: {  	p1 =	seq.s32 s10, $0x1;
	s10 =	sld [smem:$0x3FA0];
	_ =	sdelay $0x3  }
0x37: {  	[smem:$0x3FA0] =	sst s10  }
0x38: {  	s10 =	sld [smem:$0x3FA1]  }
0x39: {  	_ = 	snop;
	(pc) =	sbr.ind lr, $3  }
0x3a: {  	_ = 	snop  }
0x3b: {  	_ = 	snop  }
0x3c: {  	p2 =	seq.s32 s10, $0x1;
	s10 =	sld [smem:$0x3FA0]  }
0x3d: {  	_ =	shalt  }
0x3e: {  	_ =	shalt  }
0x3f: {  	_ =	shalt  }
0x40: {  	_ =	shalt  }
0x41: {  	_ =	shalt  }
0x42: {  	_ =	shalt  }
0x43: {  	_ =	shalt  }
0x44: {  	_ =	shalt  }
0x45: {  	_ =	shalt  }
0x46: {  	_ =	shalt  }
0x47: {  	_ =	shalt  }
0x48: {  	_ =	shalt  }
0x49: {  	_ =	shalt  }
0x4a: {  	_ =	shalt  }
0x4b: {  	_ =	shalt  }
0x4c: {  	_ =	shalt  }
0x4d: {  	_ =	shalt  }
0x4e: {  	_ =	shalt  }
0x4f: {  	_ =	shalt  }
0x50: {  	_ =	shalt  }
0x51: {  	_ =	shalt  }
0x52: {  	_ =	shalt  }
0x53: {  	_ =	shalt  }
0x54: {  	_ =	shalt  }
0x55: {  	_ =	shalt  }
0x56: {  	_ =	shalt  }
0x57: {  	_ =	shalt  }
0x58: {  	_ =	shalt  }
0x59: {  	_ =	shalt  }
0x5a: {  	_ =	shalt  }
0x5b: {  	_ =	shalt  }
0x5c: {  	_ =	shalt  }
0x5d: {  	_ =	shalt  }
0x5e: {  	_ =	shalt  }
0x5f: {  	_ =	shalt  }
0x60: {  	_ =	shalt  }
0x61: {  	_ =	shalt  }
0x62: {  	_ =	shalt  }
0x63: {  	_ =	shalt  }
0x64: {  	_ =	shalt  }
0x65: {  	_ =	shalt  }
0x66: {  	_ =	shalt  }
0x67: {  	_ =	shalt  }
0x68: {  	_ =	shalt  }
0x69: {  	_ =	shalt  }
0x6a: {  	_ =	shalt  }
0x6b: {  	_ =	shalt  }
0x6c: {  	_ =	shalt  }
0x6d: {  	_ =	shalt  }
0x6e: {  	_ =	shalt  }
0x6f: {  	_ =	shalt  }
0x70: {  	_ =	shalt  }
0x71: {  	_ =	shalt  }
0x72: {  	_ =	shalt  }
0x73: {  	_ =	shalt  }
0x74: {  	_ =	shalt  }
0x75: {  	_ =	shalt  }
0x76: {  	_ =	shalt  }
0x77: {  	_ =	shalt  }
0x78: {  	_ =	shalt  }
0x79: {  	_ =	shalt  }
0x7a: {  	_ =	shalt  }
0x7b: {  	_ =	shalt  }
0x7c: {  	_ =	shalt  }
0x7d: {  	_ =	shalt  }
0x7e: {  	_ =	shalt  }
0x7f: {  	_ =	shalt  }
0x80: {  	_ =	shalt  }
0x81: {  	_ =	shalt  }
0x82: {  	_ =	shalt  }
0x83: {  	_ =	shalt  }
0x84: {  	_ =	shalt  }
0x85: {  	_ =	shalt  }
0x86: {  	_ =	shalt  }
0x87: {  	_ =	shalt  }
.Lfunc_end0:
.L_simem_size_0:
called_computation.3_lowered:
.L_overlay_start_0:
0x88: {  	s2 =	sld [smem:$0x3FD9]  }
0x89: {  	s3 =	sld [smem:$0x3FFE];
	_ =	sdelay $0x1  }
0x8a: {  	s1 =	srdreg.scid  }
0x8b: {  	s0 =	sand.u32 $0x1, s1  }
0x8c: {  	s16 =	sshll.u32 s0, $0xA;
	s2 =	sadd.s32 s3, s2  }
0x8d: {  	s2 =	sadd.s32 s2, s16  }
0x8e: {  	[smem:$0x3FAC] =	sst s2  }
0x8f: {  	_ = 	snop  }
0x90: {  	(tm) =	ssettm $0x1  }
0x91: {  	s17 =	sld [smem:$0x3FFB];
	_ =	sdelay $0x3  }
0x92: {  	_ =	strace s17  }
0x93: {  	s2 =	sld [smem:$0x3FFC];
	_ =	sdelay $0x3  }
0x94: {  	_ =	strace s2  }
0x95: {  	s2 =	sld [smem:$0x3FFD];
	_ =	sdelay $0x3  }
0x96: {  	_ =	strace s2  }
0x97: {  	_ =	strace $0x8FFFFFFF  }
0x98: {  	s18 =	sld [smem:$0x3FDB];
	_ =	sdelay $0x1  }
0x99: {  	s19 =	simm.s32 $_scs_section_size  }
0x9a: {  	s4 =	simm.s32 $_size__tile_overlayer_lowered;
	s5 =	simm.s32 $_tile_overlayer_lowered  }
0x9b: {  	s22 =	simm.s32 $0x1BFF;
	s21 =	sshll.u32 s5, $0x1;
	s2 =	sadd.s32 s19, s18  }
0x9c: {  	s6 =	simm.s32 $0x0;
	s20 =	sshll.u32 s4, $0x1;
	s4 =	sadd.s32 s21, s2  }
0x9d: {  	[timem:s6], [sflag:s22] =	dma.local [hbm:s4], s20  }
0x9e: {  	_ =	swait.ge [sflag:s22], s20  }
0x9f: {  	s3 =	ssub.s32 $0x0, s20;
	[sflag:s22] =	ssyncset.done $0x0  }
0xa0: {  	[sflag:s22] =	ssyncadd.s32 s3;
	_ =	sdelay $0x1  }
0xa1: {  	s23 =	simm.s32 $0x1B8B  }
0xa2: {  	_ =	swait.ge [sflag:s23], $0x1  }
0xa3: {  	[sflag:s23] =	ssyncset.done $0x0  }
0xa4: {  	s25 =	simm.s32 $0x1B8E;
	s24 =	sld [smem:$0x3FFE];
	[sflag:s23] =	ssyncadd.s32 $0xFFFFFFFF  }
0xa5: {  	s26 =	simm.s32 $execute0_lowered;
	[smem:$0x3FD2] =	sst s25  }
0xa6: {  	s4 =	sshll.u32 s26, $0x1;
	_ =	strace $0x8000004F;
	[dreg:$0x1] =	wrdreg $0xFFFFFFFF  }
0xa7: {  	s28 =	simm.s32 $_size_execute0_lowered;
	s2 =	sadd.s32 s2, s4;
	[dreg:$0x0] =	wrdreg $0x0  }
0xa8: {  	s4 =	sshll.u32 s28, $0x1;
	[dreg:$0x2] =	wrdreg s2  }
0xa9: {  	[dreg:$0x3] =	wrdreg s4  }
0xaa: {  	[dreg:$0x4] =	wrdreg $0xC0  }
0xab: {  	_ =	task [dreg:s6], $0x5FFFF  }
0xac: {  	[dreg:$0x1] =	wrdreg $0xFFFFFFFF  }
0xad: {  	[dreg:$0x0] =	wrdreg $0x60  }
0xae: {  	[dreg:$0x2] =	wrdreg s24  }
0xaf: {  	[dreg:$0x3] =	wrdreg $0x9  }
0xb0: {  	_ =	task.clear_ibuf [dreg:s6], $0x4FFFF;
	_ =	strace $0x9000004F  }
0xb1: {  	s29 =	simm.s32 $0x9;
	_ =	strace $0x80000051  }
0xb2: {  	_ =	swait.ge [sflag:s29], $0x1  }
0xb3: {  	[sflag:s29] =	ssyncadd.s32 $0xFFFFFFFF  }
0xb4: {  	_ =	strace $0x90000051  }
0xb5: {  	_ =	sfence  }
0xb6: {  	s30 =	sld [smem:$0x0];
	_ =	sdelay $0x2  }
0xb7: {  	s31 =	sshll.u32 s1, $0xD;
	s1 =	sshrl.u32 s1, $0x2  }
0xb8: {  	s3 =	sand.u32 $0x4000, s31;
	s1 =	sadd.s32 s1, s30  }
0xb9: {  	s0 =	sor.u32 s3, s0;
	s1 =	sshll.u32 s1, $0x11  }
0xba: {  	s0 =	sor.u32 s1, s0  }
0xbb: {  	s0 =	sadd.s32 $0x8F2B, s0  }
0xbc: {  	[sflag:s0] =	ssyncadd.remote.s32 $0x1  }
0xbd: {  	_ =	sfence.sel $0xFFFF  }
0xbe: {  	[dreg:$0x0] =	wrdreg $0xFFFFFFFF;
	(pc) =	sbr.abs _section_cstart, $3  }
0xbf: {  	[dreg:$0x1] =	wrdreg $0xFFFFFFFF  }
0xc0: {  	_ =	task.clear_ibuf [dreg:s6], $0x2FFFF;
	_ =	strace $0x9FFFFFFF  }
0xc1: {  	(tm) =	ssettm $0x7FFFFFFF  }
tec
execute0_lowered:
.L_overlay_start_1:
0x0: {  	(tag) =	ssettag $0x1  }
0x1: {  	s6 =	rddreg [dreg:$0x0]  }
0x2: {  	s0 =	rddreg [dreg:$0x1]  }
0x3: {  	s2 =	simm.s32 $0x0;
	s1 =	stileid.u32;
	s5 =	srdreg.scid  }
0x4: {  	s13 =	simm.s32 $0x80;
	s14 =	simm.s32 $0x50;
	s15 =	simm.s32 $0x100  }
0x5: {  	s16 =	simm.s32 $0x2900;
	s17 =	simm.s32 $0x5100;
	s18 =	simm.s32 $0x1  }
0x6: {  	s19 =	simm.s32 $0x2;
	s20 =	simm.s32 $0x3;
	s21 =	simm.s32 $0x0  }
0x7: {  	[smem:$0x7FF] =	sst s2;
	s3 =	sadd.s32 $0x90400, s6;
	s7 =	smul.u32 $0x4E200, s1  }
0x8: {  	s4 =	sadd.s32 $0xB7600, s6;
	s8 =	sand.u32 $0x1, s5;
	s11 =	smul.u32 $0x9C4, s1  }
0x9: {  	s5 =	sadd.s32 $0xDE800, s6;
	s9 =	ssub.s32 $0x2, s8;
	s10 =	smul.u32 $0x27100, s8  }
0xa: {  	_ =	strace $0x80000050;
	s31 =	smul.u32 $0x4E2, s8;
	s12 =	sshrl.u32 s9, $0x1  }
0xb: {  	s7 =	sadd.s32 s7, s6;
	s11 =	sadd.s32 s11, s6;
	s9 =	ssub.s32 s9, s12  }
0xc: {  	s10 =	sadd.s32 s10, s7;
	s11 =	sadd.s32 s31, s11;
	s12 =	simm.s32 $0x4  }
0xd: {  	s6 =	smax.u32 s9, $0x1;
	s7 =	sadd.s32 $0x12CC00, s10;
	s8 =	sadd.s32 $0x60EC00, s10  }
0xe: {  	s9 =	sadd.s32 $0xAF0C00, s10;
	s10 =	sadd.s32 $0x7200, s11;
	s11 =	sadd.s32 $0x11000, s11  }
.LBB2_1:
0xf: {  	[tilespmem:s2], [sflag:$0x4] =	stream.linear.gather [hbm4b:s10+s2], $0x50, $0x38;
	[tilespmem:$0x7900] =	vst v63  }
0x10: {  	_ =	swait.ge [sflag:s12], $0x50  }
0x11: {  	[sflag:s12] =	ssyncset.done $0x0  }
0x12: {  	[sflag:s12] =	ssyncadd.s32 $0xFFFFFFB0  }
0x13: {  	[tilespmem:s13], [sflag:$0x4] =	stream.linear.gather [hbm4b:s11+s2], $0x50, $0x38;
	[tilespmem:$0x7900] =	vst v63  }
0x14: {  	_ =	swait.ge [sflag:s12], $0x50  }
0x15: {  	[sflag:s12] =	ssyncset.done $0x0  }
0x16: {  	[sflag:s12] =	ssyncadd.s32 $0xFFFFFFB0  }
0x17: {  	[tilespmem:s15], [sflag:$0x1] =	stream.indirect.gather [hbm4b:s3+s14], $0x80, s13, s14, $0xb8;
	[tilespmem:$0x7900] =	vst v63  }
0x18: {  	_ = 	snop  }
0x19: {  	[tilespmem:s16], [sflag:$0x2] =	stream.indirect.gather [hbm4b:s4+s14], $0x80, s2, s14, $0xb8;
	[tilespmem:$0x7900] =	vst v63  }
0x1a: {  	_ = 	snop  }
0x1b: {  	[tilespmem:s17], [sflag:$0x3] =	stream.indirect.gather [hbm4b:s5+s14], $0x80, s2, s14, $0xb8;
	[tilespmem:$0x7900] =	vst v63  }
0x1c: {  	_ =	swait.ge [sflag:s18], $0x2800  }
0x1d: {  	[sflag:s18] =	ssyncset.done $0x0  }
0x1e: {  	[sflag:s18] =	ssyncadd.s32 $0xFFFFD800  }
0x1f: {  	_ =	swait.ge [sflag:s19], $0x2800  }
0x20: {  	[sflag:s19] =	ssyncset.done $0x0  }
0x21: {  	[sflag:s19] =	ssyncadd.s32 $0xFFFFD800  }
0x22: {  	_ =	swait.ge [sflag:s20], $0x2800  }
0x23: {  	[sflag:s20] =	ssyncset.done $0x0  }
0x24: {  	s22 =	sadd.s32 $0x0, s7;
	[sflag:s20] =	ssyncadd.s32 $0xFFFFD800  }
0x25: {  	[hbm4b:s22+s2] =	stream.linear.scatter [tilespmem:s15], [sflag:$0x4], $0x2800, $0x38;
	[tilespmem:$0x7900] =	vst v63  }
0x26: {  	_ =	swait.ge [sflag:s12], $0x2800  }
0x27: {  	[sflag:s12] =	ssyncset.done $0x0  }
0x28: {  	s30 =	sadd.s32 $0x0, s8;
	[sflag:s12] =	ssyncadd.s32 $0xFFFFD800  }
0x29: {  	[hbm4b:s30+s2] =	stream.linear.scatter [tilespmem:s16], [sflag:$0x4], $0x2800, $0x38;
	[tilespmem:$0x7900] =	vst v63  }
0x2a: {  	_ =	swait.ge [sflag:s12], $0x2800  }
0x2b: {  	[sflag:s12] =	ssyncset.done $0x0  }
0x2c: {  	s31 =	sadd.s32 $0x0, s9;
	[sflag:s12] =	ssyncadd.s32 $0xFFFFD800  }
0x2d: {  	[hbm4b:s31+s2] =	stream.linear.scatter [tilespmem:s17], [sflag:$0x4], $0x2800, $0x38;
	[tilespmem:$0x7900] =	vst v63  }
0x2e: {  	s23 =	smov.u32 s10;
	_ =	swait.ge [sflag:s12], $0x2800  }
0x2f: {  	s24 =	smov.u32 s11;
	s22 =	simm.s32 $0x500;
	[sflag:s12] =	ssyncset.done $0x0  }
.LBB2_2:
0x30: {  	[sflag:s12] =	ssyncadd.s32 $0xFFFFD800  }
0x31: {  	s23 =	sadd.s32 $0xA, s23;
	s24 =	sadd.s32 $0xA, s24;
	s25 =	smov.u32 s22  }
0x32: {  	[tilespmem:s2], [sflag:$0x4] =	stream.linear.gather [hbm4b:s23+s2], $0x50, $0x38;
	[tilespmem:$0x7900] =	vst v63  }
0x33: {  	p0 =	sne.s32 s22, $0x26C00;
	s22 =	sadd.s32 $0x500, s22;
	_ =	swait.ge [sflag:s12], $0x50  }
0x34: {  	[sflag:s12] =	ssyncset.done $0x0  }
0x35: {  	[sflag:s12] =	ssyncadd.s32 $0xFFFFFFB0  }
0x36: {  	[tilespmem:s13], [sflag:$0x4] =	stream.linear.gather [hbm4b:s24+s2], $0x50, $0x38;
	[tilespmem:$0x7900] =	vst v63  }
0x37: {  	_ =	swait.ge [sflag:s12], $0x50  }
0x38: {  	[sflag:s12] =	ssyncset.done $0x0  }
0x39: {  	[sflag:s12] =	ssyncadd.s32 $0xFFFFFFB0  }
0x3a: {  	[tilespmem:s15], [sflag:$0x1] =	stream.indirect.gather [hbm4b:s3+s14], $0x80, s13, s14, $0xb8;
	[tilespmem:$0x7900] =	vst v63  }
0x3b: {  	_ = 	snop  }
0x3c: {  	[tilespmem:s16], [sflag:$0x2] =	stream.indirect.gather [hbm4b:s4+s14], $0x80, s2, s14, $0xb8;
	[tilespmem:$0x7900] =	vst v63  }
0x3d: {  	_ = 	snop  }
0x3e: {  	[tilespmem:s17], [sflag:$0x3] =	stream.indirect.gather [hbm4b:s5+s14], $0x80, s2, s14, $0xb8;
	[tilespmem:$0x7900] =	vst v63  }
0x3f: {  	_ =	swait.ge [sflag:s18], $0x2800  }
0x40: {  	[sflag:s18] =	ssyncset.done $0x0  }
0x41: {  	[sflag:s18] =	ssyncadd.s32 $0xFFFFD800  }
0x42: {  	_ =	swait.ge [sflag:s19], $0x2800  }
0x43: {  	[sflag:s19] =	ssyncset.done $0x0  }
0x44: {  	[sflag:s19] =	ssyncadd.s32 $0xFFFFD800  }
0x45: {  	_ =	swait.ge [sflag:s20], $0x2800  }
0x46: {  	[sflag:s20] =	ssyncset.done $0x0  }
0x47: {  	s26 =	sadd.s32 s25, s7;
	[sflag:s20] =	ssyncadd.s32 $0xFFFFD800  }
0x48: {  	[hbm4b:s26+s2] =	stream.linear.scatter [tilespmem:s15], [sflag:$0x4], $0x2800, $0x38;
	[tilespmem:$0x7900] =	vst v63  }
0x49: {  	_ =	swait.ge [sflag:s12], $0x2800  }
0x4a: {  	[sflag:s12] =	ssyncset.done $0x0  }
0x4b: {  	s26 =	sadd.s32 s25, s8;
	[sflag:s12] =	ssyncadd.s32 $0xFFFFD800  }
0x4c: {  	[hbm4b:s26+s2] =	stream.linear.scatter [tilespmem:s16], [sflag:$0x4], $0x2800, $0x38;
	[tilespmem:$0x7900] =	vst v63  }
0x4d: {  	_ =	swait.ge [sflag:s12], $0x2800  }
.Ltmp0:
0x4e: {  	[sflag:s12] =	ssyncset.done $0x0;
	(pc) =	sbr.rel @p0 .LBB2_2-.Ltmp0, $4  }
0x4f: {  	s25 =	sadd.s32 s25, s9;
	[sflag:s12] =	ssyncadd.s32 $0xFFFFD800  }
0x50: {  	[hbm4b:s25+s2] =	stream.linear.scatter [tilespmem:s17], [sflag:$0x4], $0x2800, $0x38;
	[tilespmem:$0x7900] =	vst v63  }
0x51: {  	_ =	swait.ge [sflag:s12], $0x2800  }
0x52: {  	[sflag:s12] =	ssyncset.done $0x0  }
0x53: {  	s21 =	sadd.s32 $0x1, s21  }
0x54: {  	p0 =	sne.s32 s21, s6  }
.Ltmp1:
0x55: {  	_ = 	snop;
	(pc) =	sbr.rel @p0 .LBB2_1-.Ltmp1, $2  }
0x56: {  	_ =	sdelay $0x2  }
0x57: {  	[sflag:s12] =	ssyncadd.s32 $0xFFFFD800  }
0x58: {  	_ =	sfence.sel $0x180000  }
0x59: {  	[bflag:$0x0] =	sbarrier.arrive $0xFFFF  }
0x5a: {  	p0 =	sne.s32 s1, $0x0;
	_ =	strace $0x90000050  }
0x5b: {  	s0 =	sadd.s32 @!p0 $0x100000, s0;
	[bflag:$0x2] =	sbarrier.arrive $0xFFFF  }
0x5c: {  	[sflag:s0] =	ssyncadd.tile.s32 @!p0 $0x1;
	_ =	shalt  }
.Lfunc_end2:
_tile_overlayer_lowered:
.L_overlay_start_2:
0x5d: {  	(tag) =	ssettag $0x2  }
0x5e: {  	s0 =	rddreg [dreg:$0x0];
	s2 =	stileid.u32  }
0x5f: {  	s1 =	rddreg [dreg:$0x1];
	p0 =	sne.s32 s2, $0x0  }
0x60: {  	s3 =	rddreg [dreg:$0x2];
	[bflag:$0x3] =	sbarrier.arrive $0xFFFF;
	s2 =	simm.s32 @!p0 $0x1C04  }
0x61: {  	[timem:s3], [sflag:s2] =	dma.local @!p0 [hbm:s0], s1  }
0x62: {  	s0 =	simm.s32 @!p0 $0x4  }
0x63: {  	_ =	swait.ge @!p0 [sflag:s0], s1  }
0x64: {  	s1 =	ssub.s32 @!p0 $0x0, s1;
	[sflag:s0] =	ssyncset.done @!p0 $0x0  }
0x65: {  	[sflag:s0] =	ssyncadd.s32 @!p0 s1  }
0x66: {  	[bflag:$0x3] =	sbarrier.arrive $0xFFFF  }
0x67: {  	_ =	shalt  }

// kernel: kernel.27.cloned.1.call-start
scs
__scs_entry_jumppad:
0x0: {  	(pc) =	sbr.rel $0x88, $3  }
0x1: {  	(tag) =	ssettag $0x0;
	lr =	simm.s32 $0x1  }
0x2: {  	[smem:$0x3F85] =	sst lr;
	_ =	strace $0xD0000000  }
0x3: {  	_ = 	snop  }
0x4: {  	_ = 	snop  }
0x5: {  	_ = 	snop  }
0x6: {  	_ = 	snop  }
0x7: {  	_ = 	snop  }
__scs_overlays_trampoline_lowered:
0x8: {  	[smem:$0x3F94] =	sst s0  }
0x9: {  	[smem:$0x3F95] =	sst s1  }
0xa: {  	[smem:$0x3F96] =	sst s2  }
0xb: {  	[smem:$0x3F97] =	sst s3  }
0xc: {  	[smem:$0x3F98] =	sst s4  }
0xd: {  	[smem:$0x3F99] =	sst s5  }
0xe: {  	[smem:$0x3F9A] =	sst s6  }
0xf: {  	[smem:$0x3F9B] =	sst s7  }
0x10: {  	[smem:$0x3F9C] =	sst s8  }
0x11: {  	[smem:$0x3F9D] =	sst s9;
	s0 =	simm.s32 @!p0 $0x0  }
0x12: {  	s1 =	sld [smem:$0x3F83];
	s0 =	simm.s32 @p0 $0x1  }
0x13: {  	[smem:$0x3F9E] =	sst s0;
	s0 =	simm.s32 @!p1 $0x0  }
0x14: {  	s2 =	sld [smem:$0x3F82];
	s0 =	simm.s32 @p1 $0x1  }
0x15: {  	[smem:$0x3F9F] =	sst s0;
	s0 =	simm.s32 @!p2 $0x0  }
0x16: {  	s3 =	sld [smem:$0x3FDB];
	s0 =	simm.s32 @p2 $0x1  }
0x17: {  	s4 =	simm.s32 $0x1BF5;
	[smem:$0x3FA1] =	sst s0  }
0x18: {  	s0 =	sld [smem:$0x3F84];
	_ =	swait.ge [sflag:s4], $0x0  }
0x19: {  	s7 =	sld [smem:$0x3F85]  }
0x1a: {  	s8 =	sadd.s32 $0xFFFFE003, lr  }
0x1b: {  	s9 =	sadd.s32 $0xFFFFFEF7, lr;
	s5 =	simm.s32 $0xFFFFFFFF;
	p2 =	slt.u32 s8, $0xFFFFF086  }
0x1c: {  	p1 =	slt.u32 s9, $0xF7A;
	s5 =	simm.s32 @!p2 $0x0  }
0x1d: {  	s5 =	simm.s32 @p1 $0x1;
	p0 =	seq.s32 s7, s2  }
0x1e: {  	s7 =	smul.u32 @!p0 $0xF7A, s2;
	p2 =	seq.s32 @!p0 s5, $0x0  }
0x1f: {  	s9 =	smul.u32 $0xF7A, s1;
	s8 =	simm.s32 @!p0 $0x1BF5;
	p2 =	por !p2, p0  }
0x20: {  	[sflag:s8] =	ssyncset.s32 @!p0 $0xFFFFF086;
	s6 =	sadd.s32 @!p0 s3, s7;
	s7 =	simm.s32 @!p0 $0x108  }
0x21: {  	s3 =	sadd.s32 s3, s9;
	s6 =	sadd.s32 @!p0 $0x88, s6;
	s7 =	simm.s32 @p2 $0x1082  }
0x22: {  	[simem:s7], [sflag:s8] =	dma.local @!p0 [hbm:s6], $0xF7A  }
0x23: {  	s9 =	sor.u32 $0xD0000000, s2;
	s6 =	simm.s32 $0x108;
	_ =	swait.ge @!p0 [sflag:s8], $0x0  }
0x24: {  	s3 =	sadd.s32 $0x88, s3;
	s6 =	simm.s32 @!p1 $0x1082;
	[sflag:s4] =	ssyncset.s32 $0xFFFFF086  }
0x25: {  	[simem:s6], [sflag:s4] =	dma.local [hbm:s3], $0xF7A  }
0x26: {  	[smem:$0x3F85] =	sst s1;
	(tag) =	ssettag s2;
	_ =	strace s9  }
0x27: {  	s1 =	sld [smem:$0x3F95]  }
0x28: {  	s2 =	sld [smem:$0x3F96]  }
0x29: {  	s4 =	sld [smem:$0x3F98]  }
0x2a: {  	p0 =	seq.s32 s5, $0x0;
	s5 =	sld [smem:$0x3F99]  }
0x2b: {  	s6 =	sld [smem:$0x3F9A]  }
0x2c: {  	s7 =	sld [smem:$0x3F9B]  }
0x2d: {  	s3 =	simm.s32 $0x108;
	s8 =	sld [smem:$0x3F9C]  }
0x2e: {  	s3 =	simm.s32 @!p0 $0x1082;
	s9 =	sld [smem:$0x3F9D]  }
0x2f: {  	lr =	sadd.s32 s0, s3;
	s0 =	sld [smem:$0x3F94]  }
0x30: {  	s3 =	sld [smem:$0x3F97]  }
0x31: {  	[smem:$0x3FA0] =	sst s10  }
0x32: {  	s10 =	sld [smem:$0x3F9E];
	_ =	sdelay $0x3  }
0x33: {  	p0 =	seq.s32 s10, $0x1;
	s10 =	sld [smem:$0x3FA0];
	_ =	sdelay $0x3  }
0x34: {  	[smem:$0x3FA0] =	sst s10  }
0x35: {  	s10 =	sld [smem:$0x3F9F];
	_ =	sdelay $0x3  }
0x36: {  	p1 =	seq.s32 s10, $0x1;
	s10 =	sld [smem:$0x3FA0];
	_ =	sdelay $0x3  }
0x37: {  	[smem:$0x3FA0] =	sst s10  }
0x38: {  	s10 =	sld [smem:$0x3FA1]  }
0x39: {  	_ = 	snop;
	(pc) =	sbr.ind lr, $3  }
0x3a: {  	_ = 	snop  }
0x3b: {  	_ = 	snop  }
0x3c: {  	p2 =	seq.s32 s10, $0x1;
	s10 =	sld [smem:$0x3FA0]  }
0x3d: {  	_ =	shalt  }
0x3e: {  	_ =	shalt  }
0x3f: {  	_ =	shalt  }
0x40: {  	_ =	shalt  }
0x41: {  	_ =	shalt  }
0x42: {  	_ =	shalt  }
0x43: {  	_ =	shalt  }
0x44: {  	_ =	shalt  }
0x45: {  	_ =	shalt  }
0x46: {  	_ =	shalt  }
0x47: {  	_ =	shalt  }
0x48: {  	_ =	shalt  }
0x49: {  	_ =	shalt  }
0x4a: {  	_ =	shalt  }
0x4b: {  	_ =	shalt  }
0x4c: {  	_ =	shalt  }
0x4d: {  	_ =	shalt  }
0x4e: {  	_ =	shalt  }
0x4f: {  	_ =	shalt  }
0x50: {  	_ =	shalt  }
0x51: {  	_ =	shalt  }
0x52: {  	_ =	shalt  }
0x53: {  	_ =	shalt  }
0x54: {  	_ =	shalt  }
0x55: {  	_ =	shalt  }
0x56: {  	_ =	shalt  }
0x57: {  	_ =	shalt  }
0x58: {  	_ =	shalt  }
0x59: {  	_ =	shalt  }
0x5a: {  	_ =	shalt  }
0x5b: {  	_ =	shalt  }
0x5c: {  	_ =	shalt  }
0x5d: {  	_ =	shalt  }
0x5e: {  	_ =	shalt  }
0x5f: {  	_ =	shalt  }
0x60: {  	_ =	shalt  }
0x61: {  	_ =	shalt  }
0x62: {  	_ =	shalt  }
0x63: {  	_ =	shalt  }
0x64: {  	_ =	shalt  }
0x65: {  	_ =	shalt  }
0x66: {  	_ =	shalt  }
0x67: {  	_ =	shalt  }
0x68: {  	_ =	shalt  }
0x69: {  	_ =	shalt  }
0x6a: {  	_ =	shalt  }
0x6b: {  	_ =	shalt  }
0x6c: {  	_ =	shalt  }
0x6d: {  	_ =	shalt  }
0x6e: {  	_ =	shalt  }
0x6f: {  	_ =	shalt  }
0x70: {  	_ =	shalt  }
0x71: {  	_ =	shalt  }
0x72: {  	_ =	shalt  }
0x73: {  	_ =	shalt  }
0x74: {  	_ =	shalt  }
0x75: {  	_ =	shalt  }
0x76: {  	_ =	shalt  }
0x77: {  	_ =	shalt  }
0x78: {  	_ =	shalt  }
0x79: {  	_ =	shalt  }
0x7a: {  	_ =	shalt  }
0x7b: {  	_ =	shalt  }
0x7c: {  	_ =	shalt  }
0x7d: {  	_ =	shalt  }
0x7e: {  	_ =	shalt  }
0x7f: {  	_ =	shalt  }
0x80: {  	_ =	shalt  }
0x81: {  	_ =	shalt  }
0x82: {  	_ =	shalt  }
0x83: {  	_ =	shalt  }
0x84: {  	_ =	shalt  }
0x85: {  	_ =	shalt  }
0x86: {  	_ =	shalt  }
0x87: {  	_ =	shalt  }
.Lfunc_end0:
.L_simem_size_0:
called_computation.4_lowered:
.L_overlay_start_0:
0x88: {  	s2 =	sld [smem:$0x3FD9]  }
0x89: {  	s3 =	sld [smem:$0x3FFE];
	_ =	sdelay $0x1  }
0x8a: {  	s1 =	srdreg.scid  }
0x8b: {  	s0 =	sand.u32 $0x1, s1  }
0x8c: {  	s17 =	sshll.u32 s0, $0xA;
	s2 =	sadd.s32 s3, s2  }
0x8d: {  	s2 =	sadd.s32 s2, s17  }
0x8e: {  	[smem:$0x3FAC] =	sst s2  }
0x8f: {  	_ = 	snop  }
0x90: {  	(tm) =	ssettm $0x1  }
0x91: {  	s18 =	sld [smem:$0x3FFB];
	_ =	sdelay $0x3  }
0x92: {  	_ =	strace s18  }
0x93: {  	s2 =	sld [smem:$0x3FFC];
	_ =	sdelay $0x3  }
0x94: {  	_ =	strace s2  }
0x95: {  	s2 =	sld [smem:$0x3FFD];
	_ =	sdelay $0x3  }
0x96: {  	_ =	strace s2  }
0x97: {  	_ =	strace $0x8FFFFFFF  }
0x98: {  	s19 =	sld [smem:$0x3FDB];
	_ =	sdelay $0x1  }
0x99: {  	s20 =	simm.s32 $_scs_section_size  }
0x9a: {  	s4 =	simm.s32 $_size__tile_overlayer_lowered;
	s5 =	simm.s32 $_tile_overlayer_lowered  }
0x9b: {  	s6 =	simm.s32 $0x1BFF;
	s21 =	sshll.u32 s5, $0x1;
	s3 =	sadd.s32 s20, s19  }
0x9c: {  	s22 =	simm.s32 $0x0;
	s4 =	sshll.u32 s4, $0x1;
	s5 =	sadd.s32 s21, s3  }
0x9d: {  	[timem:s22], [sflag:s6] =	dma.local [hbm:s5], s4  }
0x9e: {  	_ =	swait.ge [sflag:s6], s4  }
0x9f: {  	s4 =	ssub.s32 $0x0, s4;
	[sflag:s6] =	ssyncset.done $0x0  }
0xa0: {  	[sflag:s6] =	ssyncadd.s32 s4;
	_ =	sdelay $0x1  }
0xa1: {  	s23 =	simm.s32 $0x1B8B  }
0xa2: {  	_ =	swait.ge [sflag:s23], $0x1  }
0xa3: {  	[sflag:s23] =	ssyncset.done $0x0  }
0xa4: {  	[sflag:s23] =	ssyncadd.s32 $0xFFFFFFFF  }
0xa5: {  	s4 =	sld [smem:$0x0]  }
0xa6: {  	s5 =	sand.u32 $0xFFFFFFFE, s1  }
0xa7: {  	p0 =	sne.s32 s1, s5  }
0xa8: {  	s5 =	sshll.u32 @p0 s5, $0xE  }
0xa9: {  	s5 =	sadd.s32 @p0 $0x11B8D, s5;
	s6 =	sshll.u32 @p0 s4, $0x11  }
0xaa: {  	s5 =	sor.u32 @p0 s6, s5  }
0xab: {  	[sflag:s5] =	ssyncadd.remote.s32 @p0 $0x1;
	_ =	sdelay $0x1  }
0xac: {  	s5 =	simm.s32 @p0 $0x1B8D  }
0xad: {  	_ =	swait.eq @p0 [sflag:s5], $0x1  }
0xae: {  	[sflag:s5] =	ssyncadd.s32 @p0 $0xFFFFFFFF  }
0xaf: {  	s6 =	sshll.u32 @!p0 s1, $0xE  }
0xb0: {  	s6 =	sor.u32 @!p0 $0x4000, s6;
	s5 =	simm.s32 @!p0 $0x1B8D  }
0xb1: {  	s4 =	sshll.u32 @!p0 s4, $0x11;
	s6 =	sadd.s32 @!p0 $0x11B8D, s6;
	_ =	swait.eq @!p0 [sflag:s5], $0x1  }
0xb2: {  	s4 =	sor.u32 @!p0 s4, s6;
	[sflag:s5] =	ssyncadd.s32 @!p0 $0xFFFFFFFF  }
0xb3: {  	s25 =	simm.s32 $0x1B8E;
	s24 =	sld [smem:$0x3FFE];
	[sflag:s4] =	ssyncadd.remote.s32 @!p0 $0x1  }
0xb4: {  	s26 =	simm.s32 $execute0_lowered;
	[smem:$0x3FD2] =	sst s25  }
0xb5: {  	s5 =	sshll.u32 s26, $0x1;
	_ =	strace $0x80000055;
	[dreg:$0x1] =	wrdreg $0xFFFFFFFF  }
0xb6: {  	s28 =	simm.s32 $_size_execute0_lowered;
	s3 =	sadd.s32 s3, s5;
	[dreg:$0x0] =	wrdreg $0x0  }
0xb7: {  	s5 =	sshll.u32 s28, $0x1;
	[dreg:$0x2] =	wrdreg s3  }
0xb8: {  	[dreg:$0x3] =	wrdreg s5  }
0xb9: {  	[dreg:$0x4] =	wrdreg $0xC0  }
0xba: {  	_ =	task [dreg:s22], $0x5FFFF  }
0xbb: {  	[dreg:$0x1] =	wrdreg $0xFFFFFFFF  }
0xbc: {  	[dreg:$0x0] =	wrdreg $0x60  }
0xbd: {  	[dreg:$0x2] =	wrdreg s24  }
0xbe: {  	[dreg:$0x3] =	wrdreg $0x50800  }
0xbf: {  	[dreg:$0x4] =	wrdreg $0xC5B00  }
0xc0: {  	[dreg:$0x5] =	wrdreg $0x9  }
0xc1: {  	_ =	task.clear_ibuf [dreg:s22], $0x6FFFF;
	_ =	strace $0x90000055  }
0xc2: {  	s29 =	simm.s32 $0x9;
	_ =	strace $0x80000057  }
0xc3: {  	_ =	swait.ge [sflag:s29], $0x1  }
0xc4: {  	[sflag:s29] =	ssyncadd.s32 $0xFFFFFFFF  }
0xc5: {  	_ =	strace $0x90000057  }
0xc6: {  	_ =	sfence  }
0xc7: {  	s30 =	sld [smem:$0x0];
	_ =	sdelay $0x2  }
0xc8: {  	s31 =	sshll.u32 s1, $0xD;
	s1 =	sshrl.u32 s1, $0x2  }
0xc9: {  	s4 =	sand.u32 $0x4000, s31;
	s1 =	sadd.s32 s1, s30  }
0xca: {  	s0 =	sor.u32 s4, s0;
	s1 =	sshll.u32 s1, $0x11  }
0xcb: {  	s0 =	sor.u32 s1, s0  }
0xcc: {  	s0 =	sadd.s32 $0x8F2B, s0  }
0xcd: {  	[sflag:s0] =	ssyncadd.remote.s32 $0x1  }
0xce: {  	_ =	sfence.sel $0xFFFF  }
0xcf: {  	[dreg:$0x0] =	wrdreg $0xFFFFFFFF;
	(pc) =	sbr.abs _section_cstart, $3  }
0xd0: {  	[dreg:$0x1] =	wrdreg $0xFFFFFFFF  }
0xd1: {  	_ =	task.clear_ibuf [dreg:s22], $0x2FFFF;
	_ =	strace $0x9FFFFFFF  }
0xd2: {  	(tm) =	ssettm $0x7FFFFFFF  }
0xd3: {  	_ =	shalt  }
tec
execute0_lowered:
.L_overlay_start_1:
0x0: {  	(tag) =	ssettag $0x1  }
0x1: {  	s6 =	rddreg [dreg:$0x0]  }
0x2: {  	s1 =	rddreg [dreg:$0x1]  }
0x3: {  	s2 =	rddreg [dreg:$0x2]  }
0x4: {  	s0 =	rddreg [dreg:$0x3]  }
0x5: {  	s10 =	stileid.u32;
	s3 =	simm.s32 $0x0;
	s5 =	srdreg.scid  }
0x6: {  	s15 =	simm.s32 $0x80;
	s16 =	simm.s32 $0x2880;
	s17 =	simm.s32 $0x50  }
0x7: {  	s18 =	simm.s32 $0x0;
	s4 =	smul.u32 $0x9C4, s10;
	[smem:$0x7FF] =	sst s3  }
0x8: {  	s7 =	sand.u32 $0x1, s5;
	s5 =	sadd.s32 $0x1AE00, s6;
	s13 =	smul.u32 $0x4E200, s10  }
0x9: {  	p0 =	sne.s32 s10, $0x0;
	_ =	strace $0x80000056;
	s8 =	smul.u32 $0x27100, s7  }
0xa: {  	s9 =	ssub.s32 $0x2, s7;
	s14 =	smul.u32 $0x4E2, s7;
	s11 =	sadd.s32 s4, s6  }
0xb: {  	s4 =	sadd.s32 $0x42000, s6;
	s30 =	sshrl.u32 s9, $0x1;
	s12 =	sadd.s32 s8, s6  }
0xc: {  	s31 =	ssub.s32 s9, s30;
	s11 =	sadd.s32 s14, s11;
	s14 =	simm.s32 $0x1  }
0xd: {  	s6 =	sadd.s32 $0x12CC00, s12;
	s7 =	sadd.s32 $0x17AE00, s12;
	s8 =	smax.u32 s31, $0x1  }
0xe: {  	s12 =	sadd.s32 s13, s12;
	s11 =	sadd.s32 $0x11000, s11;
	s13 =	sshrl.u32 @!p0 s2, $0x3  }
0xf: {  	s9 =	sadd.s32 $0x14B4C00, s12;
	s10 =	sadd.s32 $0x1996C00, s12;
	s12 =	sshrl.u32 @!p0 s1, $0x3  }
.LBB2_1:
0x10: {  	s19 =	simm.s32 @!p0 $0x1C01;
	s20 =	simm.s32 @!p0 $0x1  }
0x11: {  	[spmem:s12], [sflag:s19] =	dma.local @!p0 [hbm:s4], $0x27100  }
0x12: {  	_ =	swait.ge @!p0 [sflag:s20], $0x27100  }
0x13: {  	[sflag:s20] =	ssyncset.done @!p0 $0x0  }
0x14: {  	[sflag:s20] =	ssyncadd.s32 @!p0 $0xFFFD8F00  }
0x15: {  	[spmem:s13], [sflag:s19] =	dma.local @!p0 [hbm:s5], $0x27100  }
0x16: {  	_ =	swait.ge @!p0 [sflag:s20], $0x27100  }
0x17: {  	[sflag:s20] =	ssyncset.done @!p0 $0x0  }
0x18: {  	[sflag:s20] =	ssyncadd.s32 @!p0 $0xFFFD8F00  }
0x19: {  	[bflag:$0x0] =	sbarrier.arrive $0xFFFF  }
0x1a: {  	[tilespmem:s3], [sflag:$0x1] =	stream.linear.gather [hbm4b:s11+s3], $0x50, $0x38;
	[tilespmem:$0xECC0] =	vst v63  }
0x1b: {  	_ =	swait.ge [sflag:s14], $0x50  }
0x1c: {  	[sflag:s14] =	ssyncset.done $0x0  }
0x1d: {  	s30 =	sadd.s32 $0x0, s9;
	[sflag:s14] =	ssyncadd.s32 $0xFFFFFFB0  }
0x1e: {  	[tilespmem:s15], [sflag:$0x1] =	stream.linear.gather [hbm4b:s30+s3], $0x2800, $0x38;
	[tilespmem:$0xECC0] =	vst v63  }
0x1f: {  	_ =	swait.ge [sflag:s14], $0x2800  }
0x20: {  	[sflag:s14] =	ssyncset.done $0x0  }
0x21: {  	s31 =	sadd.s32 $0x0, s10;
	[sflag:s14] =	ssyncadd.s32 $0xFFFFD800  }
0x22: {  	[tilespmem:s16], [sflag:$0x1] =	stream.linear.gather [hbm4b:s31+s3], $0x2800, $0x38;
	[tilespmem:$0xECC0] =	vst v63  }
0x23: {  	_ =	swait.ge [sflag:s14], $0x2800  }
0x24: {  	[sflag:s14] =	ssyncset.done $0x0  }
0x25: {  	[sflag:s14] =	ssyncadd.s32 $0xFFFFD800  }
0x26: {  	[spmem:s1] =	stream.indirect.scatter.add.f32 [tilespmem:s15], [sflag:$0x1], $0x30, s3, s17, $0xb8;
	[tilespmem:$0xECC0] =	vst v63  }
0x27: {  	_ =	swait.ge [sflag:s14], $0xF00  }
0x28: {  	[sflag:s14] =	ssyncset.done $0x0  }
0x29: {  	[sflag:s14] =	ssyncadd.s32 $0xFFFFF100  }
0x2a: {  	[spmem:s2] =	stream.indirect.scatter.add.f32 [tilespmem:s16], [sflag:$0x1], $0x10, s3, s17, $0xb8;
	[tilespmem:$0xECC0] =	vst v63  }
0x2b: {  	_ =	swait.ge [sflag:s14], $0x500  }
0x2c: {  	s19 =	simm.s32 $0x500;
	s20 =	smov.u32 s11;
	[sflag:s14] =	ssyncset.done $0x0  }
.LBB2_2:
0x2d: {  	p1 =	sne.s32 s19, $0x26C00;
	[sflag:s14] =	ssyncadd.s32 $0xFFFFFB00;
	s20 =	sadd.s32 $0xA, s20  }
0x2e: {  	[tilespmem:s3], [sflag:$0x1] =	stream.linear.gather [hbm4b:s20+s3], $0x50, $0x38;
	[tilespmem:$0xECC0] =	vst v63  }
0x2f: {  	s21 =	smov.u32 s19;
	s19 =	sadd.s32 $0x500, s19;
	_ =	swait.ge [sflag:s14], $0x50  }
0x30: {  	[sflag:s14] =	ssyncset.done $0x0  }
0x31: {  	s22 =	sadd.s32 s21, s9;
	[sflag:s14] =	ssyncadd.s32 $0xFFFFFFB0  }
0x32: {  	[tilespmem:s15], [sflag:$0x1] =	stream.linear.gather [hbm4b:s22+s3], $0x2800, $0x38;
	[tilespmem:$0xECC0] =	vst v63  }
0x33: {  	_ =	swait.ge [sflag:s14], $0x2800  }
0x34: {  	[sflag:s14] =	ssyncset.done $0x0  }
0x35: {  	s21 =	sadd.s32 s21, s10;
	[sflag:s14] =	ssyncadd.s32 $0xFFFFD800  }
0x36: {  	[tilespmem:s16], [sflag:$0x1] =	stream.linear.gather [hbm4b:s21+s3], $0x2800, $0x38;
	[tilespmem:$0xECC0] =	vst v63  }
0x37: {  	_ =	swait.ge [sflag:s14], $0x2800  }
0x38: {  	[sflag:s14] =	ssyncset.done $0x0  }
0x39: {  	[sflag:s14] =	ssyncadd.s32 $0xFFFFD800  }
0x3a: {  	[spmem:s1] =	stream.indirect.scatter.add.f32 [tilespmem:s15], [sflag:$0x1], $0x30, s3, s17, $0xb8;
	[tilespmem:$0xECC0] =	vst v63  }
0x3b: {  	_ =	swait.ge [sflag:s14], $0xF00  }
.Ltmp0:
0x3c: {  	[sflag:s14] =	ssyncset.done $0x0;
	(pc) =	sbr.rel @p1 .LBB2_2-.Ltmp0, $4  }
0x3d: {  	[sflag:s14] =	ssyncadd.s32 $0xFFFFF100  }
0x3e: {  	[spmem:s2] =	stream.indirect.scatter.add.f32 [tilespmem:s16], [sflag:$0x1], $0x10, s3, s17, $0xb8;
	[tilespmem:$0xECC0] =	vst v63  }
0x3f: {  	_ =	swait.ge [sflag:s14], $0x500  }
0x40: {  	[sflag:s14] =	ssyncset.done $0x0  }
0x41: {  	[sflag:s14] =	ssyncadd.s32 $0xFFFFFB00  }
0x42: {  	s19 =	simm.s32 @!p0 $0x1C01;
	s20 =	simm.s32 @!p0 $0x1;
	[bflag:$0x0] =	sbarrier.arrive $0xFFFF  }
0x43: {  	[hbm:s6], [sflag:s19] =	dma.local @!p0 [spmem:s12], $0x27100  }
0x44: {  	s18 =	sadd.s32 $0x1, s18;
	_ =	swait.ge @!p0 [sflag:s20], $0x27100  }
0x45: {  	p1 =	sne.s32 s18, s8;
	[sflag:s20] =	ssyncset.done @!p0 $0x0  }
.Ltmp1:
0x46: {  	[sflag:s20] =	ssyncadd.s32 @!p0 $0xFFFD8F00;
	(pc) =	sbr.rel @p1 .LBB2_1-.Ltmp1, $4  }
0x47: {  	[hbm:s7], [sflag:s19] =	dma.local @!p0 [spmem:s13], $0x27100  }
0x48: {  	_ =	swait.ge @!p0 [sflag:s20], $0x27100  }
0x49: {  	[sflag:s20] =	ssyncset.done @!p0 $0x0  }
0x4a: {  	[sflag:s20] =	ssyncadd.s32 @!p0 $0xFFFD8F00  }
0x4b: {  	_ =	sfence.sel $0x180000  }
0x4c: {  	[bflag:$0x0] =	sbarrier.arrive $0xFFFF  }
0x4d: {  	_ =	strace $0x90000056  }
0x4e: {  	s0 =	sadd.s32 @!p0 $0x100000, s0;
	[bflag:$0x2] =	sbarrier.arrive $0xFFFF  }
0x4f: {  	[sflag:s0] =	ssyncadd.tile.s32 @!p0 $0x1;
	_ =	shalt  }
.Lfunc_end2:
_tile_overlayer_lowered:
.L_overlay_start_2:
0x50: {  	(tag) =	ssettag $0x2  }
0x51: {  	s0 =	rddreg [dreg:$0x0];
	s2 =	stileid.u32  }
0x52: {  	s1 =	rddreg [dreg:$0x1];
	p0 =	sne.s32 s2, $0x0  }
0x53: {  	s3 =	rddreg [dreg:$0x2];
	[bflag:$0x3] =	sbarrier.arrive $0xFFFF;
	s2 =	simm.s32 @!p0 $0x1C01  }
0x54: {  	[timem:s3], [sflag:s2] =	dma.local @!p0 [hbm:s0], s1  }
0x55: {  	s0 =	simm.s32 @!p0 $0x1  }
0x56: {  	_ =	swait.ge @!p0 [sflag:s0], s1  }
0x57: {  	s1 =	ssub.s32 @!p0 $0x0, s1;
	[sflag:s0] =	ssyncset.done @!p0 $0x0  }
0x58: {  	[sflag:s0] =	ssyncadd.s32 @!p0 s1  }
0x59: {  	[bflag:$0x3] =	sbarrier.arrive $0xFFFF  }
0x5a: {  	_ =	shalt  }

// kernel: kernel.30.cloned.1.call-start
scs
__scs_entry_jumppad:
0x0: {  	(pc) =	sbr.rel $0x88, $3  }
0x1: {  	(tag) =	ssettag $0x0;
	lr =	simm.s32 $0x1  }
0x2: {  	[smem:$0x3F85] =	sst lr;
	_ =	strace $0xD0000000  }
0x3: {  	_ = 	snop  }
0x4: {  	_ = 	snop  }
0x5: {  	_ = 	snop  }
0x6: {  	_ = 	snop  }
0x7: {  	_ = 	snop  }
__scs_overlays_trampoline_lowered:
0x8: {  	[smem:$0x3F94] =	sst s0  }
0x9: {  	[smem:$0x3F95] =	sst s1  }
0xa: {  	[smem:$0x3F96] =	sst s2  }
0xb: {  	[smem:$0x3F97] =	sst s3  }
0xc: {  	[smem:$0x3F98] =	sst s4  }
0xd: {  	[smem:$0x3F99] =	sst s5  }
0xe: {  	[smem:$0x3F9A] =	sst s6  }
0xf: {  	[smem:$0x3F9B] =	sst s7  }
0x10: {  	[smem:$0x3F9C] =	sst s8  }
0x11: {  	[smem:$0x3F9D] =	sst s9;
	s0 =	simm.s32 @!p0 $0x0  }
0x12: {  	s1 =	sld [smem:$0x3F83];
	s0 =	simm.s32 @p0 $0x1  }
0x13: {  	[smem:$0x3F9E] =	sst s0;
	s0 =	simm.s32 @!p1 $0x0  }
0x14: {  	s2 =	sld [smem:$0x3F82];
	s0 =	simm.s32 @p1 $0x1  }
0x15: {  	[smem:$0x3F9F] =	sst s0;
	s0 =	simm.s32 @!p2 $0x0  }
0x16: {  	s3 =	sld [smem:$0x3FDB];
	s0 =	simm.s32 @p2 $0x1  }
0x17: {  	s4 =	simm.s32 $0x1BF5;
	[smem:$0x3FA1] =	sst s0  }
0x18: {  	s0 =	sld [smem:$0x3F84];
	_ =	swait.ge [sflag:s4], $0x0  }
0x19: {  	s7 =	sld [smem:$0x3F85]  }
0x1a: {  	s8 =	sadd.s32 $0xFFFFE003, lr  }
0x1b: {  	s9 =	sadd.s32 $0xFFFFFEF7, lr;
	s5 =	simm.s32 $0xFFFFFFFF;
	p2 =	slt.u32 s8, $0xFFFFF086  }
0x1c: {  	p1 =	slt.u32 s9, $0xF7A;
	s5 =	simm.s32 @!p2 $0x0  }
0x1d: {  	s5 =	simm.s32 @p1 $0x1;
	p0 =	seq.s32 s7, s2  }
0x1e: {  	s7 =	smul.u32 @!p0 $0xF7A, s2;
	p2 =	seq.s32 @!p0 s5, $0x0  }
0x1f: {  	s9 =	smul.u32 $0xF7A, s1;
	s8 =	simm.s32 @!p0 $0x1BF5;
	p2 =	por !p2, p0  }
0x20: {  	[sflag:s8] =	ssyncset.s32 @!p0 $0xFFFFF086;
	s6 =	sadd.s32 @!p0 s3, s7;
	s7 =	simm.s32 @!p0 $0x108  }
0x21: {  	s3 =	sadd.s32 s3, s9;
	s6 =	sadd.s32 @!p0 $0x88, s6;
	s7 =	simm.s32 @p2 $0x1082  }
0x22: {  	[simem:s7], [sflag:s8] =	dma.local @!p0 [hbm:s6], $0xF7A  }
0x23: {  	s9 =	sor.u32 $0xD0000000, s2;
	s6 =	simm.s32 $0x108;
	_ =	swait.ge @!p0 [sflag:s8], $0x0  }
0x24: {  	s3 =	sadd.s32 $0x88, s3;
	s6 =	simm.s32 @!p1 $0x1082;
	[sflag:s4] =	ssyncset.s32 $0xFFFFF086  }
0x25: {  	[simem:s6], [sflag:s4] =	dma.local [hbm:s3], $0xF7A  }
0x26: {  	[smem:$0x3F85] =	sst s1;
	(tag) =	ssettag s2;
	_ =	strace s9  }
0x27: {  	s1 =	sld [smem:$0x3F95]  }
0x28: {  	s2 =	sld [smem:$0x3F96]  }
0x29: {  	s4 =	sld [smem:$0x3F98]  }
0x2a: {  	p0 =	seq.s32 s5, $0x0;
	s5 =	sld [smem:$0x3F99]  }
0x2b: {  	s6 =	sld [smem:$0x3F9A]  }
0x2c: {  	s7 =	sld [smem:$0x3F9B]  }
0x2d: {  	s3 =	simm.s32 $0x108;
	s8 =	sld [smem:$0x3F9C]  }
0x2e: {  	s3 =	simm.s32 @!p0 $0x1082;
	s9 =	sld [smem:$0x3F9D]  }
0x2f: {  	lr =	sadd.s32 s0, s3;
	s0 =	sld [smem:$0x3F94]  }
0x30: {  	s3 =	sld [smem:$0x3F97]  }
0x31: {  	[smem:$0x3FA0] =	sst s10  }
0x32: {  	s10 =	sld [smem:$0x3F9E];
	_ =	sdelay $0x3  }
0x33: {  	p0 =	seq.s32 s10, $0x1;
	s10 =	sld [smem:$0x3FA0];
	_ =	sdelay $0x3  }
0x34: {  	[smem:$0x3FA0] =	sst s10  }
0x35: {  	s10 =	sld [smem:$0x3F9F];
	_ =	sdelay $0x3  }
0x36: {  	p1 =	seq.s32 s10, $0x1;
	s10 =	sld [smem:$0x3FA0];
	_ =	sdelay $0x3  }
0x37: {  	[smem:$0x3FA0] =	sst s10  }
0x38: {  	s10 =	sld [smem:$0x3FA1]  }
0x39: {  	_ = 	snop;
	(pc) =	sbr.ind lr, $3  }
0x3a: {  	_ = 	snop  }
0x3b: {  	_ = 	snop  }
0x3c: {  	p2 =	seq.s32 s10, $0x1;
	s10 =	sld [smem:$0x3FA0]  }
0x3d: {  	_ =	shalt  }
0x3e: {  	_ =	shalt  }
0x3f: {  	_ =	shalt  }
0x40: {  	_ =	shalt  }
0x41: {  	_ =	shalt  }
0x42: {  	_ =	shalt  }
0x43: {  	_ =	shalt  }
0x44: {  	_ =	shalt  }
0x45: {  	_ =	shalt  }
0x46: {  	_ =	shalt  }
0x47: {  	_ =	shalt  }
0x48: {  	_ =	shalt  }
0x49: {  	_ =	shalt  }
0x4a: {  	_ =	shalt  }
0x4b: {  	_ =	shalt  }
0x4c: {  	_ =	shalt  }
0x4d: {  	_ =	shalt  }
0x4e: {  	_ =	shalt  }
0x4f: {  	_ =	shalt  }
0x50: {  	_ =	shalt  }
0x51: {  	_ =	shalt  }
0x52: {  	_ =	shalt  }
0x53: {  	_ =	shalt  }
0x54: {  	_ =	shalt  }
0x55: {  	_ =	shalt  }
0x56: {  	_ =	shalt  }
0x57: {  	_ =	shalt  }
0x58: {  	_ =	shalt  }
0x59: {  	_ =	shalt  }
0x5a: {  	_ =	shalt  }
0x5b: {  	_ =	shalt  }
0x5c: {  	_ =	shalt  }
0x5d: {  	_ =	shalt  }
0x5e: {  	_ =	shalt  }
0x5f: {  	_ =	shalt  }
0x60: {  	_ =	shalt  }
0x61: {  	_ =	shalt  }
0x62: {  	_ =	shalt  }
0x63: {  	_ =	shalt  }
0x64: {  	_ =	shalt  }
0x65: {  	_ =	shalt  }
0x66: {  	_ =	shalt  }
0x67: {  	_ =	shalt  }
0x68: {  	_ =	shalt  }
0x69: {  	_ =	shalt  }
0x6a: {  	_ =	shalt  }
0x6b: {  	_ =	shalt  }
0x6c: {  	_ =	shalt  }
0x6d: {  	_ =	shalt  }
0x6e: {  	_ =	shalt  }
0x6f: {  	_ =	shalt  }
0x70: {  	_ =	shalt  }
0x71: {  	_ =	shalt  }
0x72: {  	_ =	shalt  }
0x73: {  	_ =	shalt  }
0x74: {  	_ =	shalt  }
0x75: {  	_ =	shalt  }
0x76: {  	_ =	shalt  }
0x77: {  	_ =	shalt  }
0x78: {  	_ =	shalt  }
0x79: {  	_ =	shalt  }
0x7a: {  	_ =	shalt  }
0x7b: {  	_ =	shalt  }
0x7c: {  	_ =	shalt  }
0x7d: {  	_ =	shalt  }
0x7e: {  	_ =	shalt  }
0x7f: {  	_ =	shalt  }
0x80: {  	_ =	shalt  }
0x81: {  	_ =	shalt  }
0x82: {  	_ =	shalt  }
0x83: {  	_ =	shalt  }
0x84: {  	_ =	shalt  }
0x85: {  	_ =	shalt  }
0x86: {  	_ =	shalt  }
0x87: {  	_ =	shalt  }
.Lfunc_end0:
.L_simem_size_0:
called_computation.5_lowered:
.L_overlay_start_0:
0x88: {  	s2 =	sld [smem:$0x3FD9]  }
0x89: {  	s3 =	sld [smem:$0x3FFE];
	_ =	sdelay $0x1  }
0x8a: {  	s1 =	srdreg.scid  }
0x8b: {  	s0 =	sand.u32 $0x1, s1  }
0x8c: {  	s16 =	sshll.u32 s0, $0xA;
	s2 =	sadd.s32 s3, s2  }
0x8d: {  	s2 =	sadd.s32 s2, s16  }
0x8e: {  	[smem:$0x3FAC] =	sst s2  }
0x8f: {  	_ = 	snop  }
0x90: {  	(tm) =	ssettm $0x1  }
0x91: {  	s17 =	sld [smem:$0x3FFB];
	_ =	sdelay $0x3  }
0x92: {  	_ =	strace s17  }
0x93: {  	s2 =	sld [smem:$0x3FFC];
	_ =	sdelay $0x3  }
0x94: {  	_ =	strace s2  }
0x95: {  	s2 =	sld [smem:$0x3FFD];
	_ =	sdelay $0x3  }
0x96: {  	_ =	strace s2  }
0x97: {  	_ =	strace $0x8FFFFFFF  }
0x98: {  	s18 =	sld [smem:$0x3FDB];
	_ =	sdelay $0x1  }
0x99: {  	s19 =	simm.s32 $_scs_section_size  }
0x9a: {  	s4 =	simm.s32 $_size__tile_overlayer_lowered;
	s5 =	simm.s32 $_tile_overlayer_lowered  }
0x9b: {  	s22 =	simm.s32 $0x1BFF;
	s21 =	sshll.u32 s5, $0x1;
	s2 =	sadd.s32 s19, s18  }
0x9c: {  	s6 =	simm.s32 $0x0;
	s20 =	sshll.u32 s4, $0x1;
	s4 =	sadd.s32 s21, s2  }
0x9d: {  	[timem:s6], [sflag:s22] =	dma.local [hbm:s4], s20  }
0x9e: {  	_ =	swait.ge [sflag:s22], s20  }
0x9f: {  	s3 =	ssub.s32 $0x0, s20;
	[sflag:s22] =	ssyncset.done $0x0  }
0xa0: {  	[sflag:s22] =	ssyncadd.s32 s3;
	_ =	sdelay $0x1  }
0xa1: {  	s23 =	simm.s32 $0x1B8B  }
0xa2: {  	_ =	swait.ge [sflag:s23], $0x1  }
0xa3: {  	[sflag:s23] =	ssyncset.done $0x0  }
0xa4: {  	s25 =	simm.s32 $0x1B8E;
	s24 =	sld [smem:$0x3FFE];
	[sflag:s23] =	ssyncadd.s32 $0xFFFFFFFF  }
0xa5: {  	s26 =	simm.s32 $execute0_lowered;
	[smem:$0x3FD2] =	sst s25  }
0xa6: {  	s4 =	sshll.u32 s26, $0x1;
	_ =	strace $0x80000052;
	[dreg:$0x1] =	wrdreg $0xFFFFFFFF  }
0xa7: {  	s28 =	simm.s32 $_size_execute0_lowered;
	s2 =	sadd.s32 s2, s4;
	[dreg:$0x0] =	wrdreg $0x0  }
0xa8: {  	s4 =	sshll.u32 s28, $0x1;
	[dreg:$0x2] =	wrdreg s2  }
0xa9: {  	[dreg:$0x3] =	wrdreg s4  }
0xaa: {  	[dreg:$0x4] =	wrdreg $0xC0  }
0xab: {  	_ =	task [dreg:s6], $0x5FFFF  }
0xac: {  	[dreg:$0x1] =	wrdreg $0xFFFFFFFF  }
0xad: {  	[dreg:$0x0] =	wrdreg $0x60  }
0xae: {  	[dreg:$0x2] =	wrdreg s24  }
0xaf: {  	[dreg:$0x3] =	wrdreg $0x28800  }
0xb0: {  	[dreg:$0x4] =	wrdreg $0xA  }
0xb1: {  	_ =	task.clear_ibuf [dreg:s6], $0x5FFFF;
	_ =	strace $0x90000052  }
0xb2: {  	s29 =	simm.s32 $0xA;
	_ =	strace $0x80000054  }
0xb3: {  	_ =	swait.ge [sflag:s29], $0x1  }
0xb4: {  	[sflag:s29] =	ssyncadd.s32 $0xFFFFFFFF  }
0xb5: {  	_ =	strace $0x90000054  }
0xb6: {  	_ =	sfence  }
0xb7: {  	s30 =	sld [smem:$0x0];
	_ =	sdelay $0x2  }
0xb8: {  	s31 =	sshll.u32 s1, $0xD;
	s1 =	sshrl.u32 s1, $0x2  }
0xb9: {  	s3 =	sand.u32 $0x4000, s31;
	s1 =	sadd.s32 s1, s30  }
0xba: {  	s0 =	sor.u32 s3, s0;
	s1 =	sshll.u32 s1, $0x11  }
0xbb: {  	s0 =	sor.u32 s1, s0  }
0xbc: {  	s0 =	sadd.s32 $0x8F2B, s0  }
0xbd: {  	[sflag:s0] =	ssyncadd.remote.s32 $0x1  }
0xbe: {  	_ =	sfence.sel $0xFFFF  }
0xbf: {  	[dreg:$0x0] =	wrdreg $0xFFFFFFFF;
	(pc) =	sbr.abs _section_cstart, $3  }
0xc0: {  	[dreg:$0x1] =	wrdreg $0xFFFFFFFF  }
0xc1: {  	_ =	task.clear_ibuf [dreg:s6], $0x2FFFF;
	_ =	strace $0x9FFFFFFF  }
0xc2: {  	(tm) =	ssettm $0x7FFFFFFF  }
0xc3: {  	_ =	shalt  }
tec
execute0_lowered:
.L_overlay_start_1:
0x0: {  	(tag) =	ssettag $0x1  }
0x1: {  	s4 =	rddreg [dreg:$0x0]  }
0x2: {  	s1 =	rddreg [dreg:$0x1]  }
0x3: {  	s0 =	rddreg [dreg:$0x2];
	s7 =	stileid.u32  }
0x4: {  	s2 =	simm.s32 $0x0;
	s5 =	srdreg.scid;
	s3 =	smul.u32 $0x9C4, s7  }
0x5: {  	s12 =	simm.s32 $0x0;
	s5 =	sand.u32 $0x1, s5;
	s11 =	smul.u32 $0x4E200, s7  }
0x6: {  	[smem:$0x7FF] =	sst s2;
	p0 =	sne.s32 s7, $0x0;
	s6 =	smul.u32 $0x27100, s5  }
0x7: {  	_ =	strace $0x80000053;
	s9 =	ssub.s32 $0x2, s5;
	s31 =	smul.u32 $0x4E2, s5  }
0x8: {  	s8 =	sadd.s32 s3, s4;
	s3 =	sadd.s32 $0x69200, s4;
	s10 =	sshrl.u32 s9, $0x1  }
0x9: {  	s6 =	sadd.s32 s6, s4;
	s9 =	ssub.s32 s9, s10;
	s8 =	sadd.s32 s31, s8  }
0xa: {  	s10 =	simm.s32 $0x80;
	s4 =	sadd.s32 $0x90400, s6;
	s5 =	smax.u32 s9, $0x1  }
0xb: {  	s6 =	sadd.s32 s11, s6;
	s7 =	sadd.s32 $0x11000, s8;
	s8 =	sshrl.u32 @!p0 s1, $0x3  }
0xc: {  	s9 =	simm.s32 $0x1;
	s11 =	simm.s32 $0x50;
	s6 =	sadd.s32 $0xFD2C00, s6  }
.LBB2_1:
0xd: {  	s13 =	simm.s32 @!p0 $0x1C01  }
0xe: {  	[spmem:s8], [sflag:s13] =	dma.local @!p0 [hbm:s3], $0x27100  }
0xf: {  	s13 =	simm.s32 @!p0 $0x1  }
0x10: {  	_ =	swait.ge @!p0 [sflag:s13], $0x27100  }
0x11: {  	[sflag:s13] =	ssyncset.done @!p0 $0x0  }
0x12: {  	[sflag:s13] =	ssyncadd.s32 @!p0 $0xFFFD8F00  }
0x13: {  	s31 =	sadd.s32 $0x0, s7;
	[bflag:$0x0] =	sbarrier.arrive $0xFFFF  }
0x14: {  	[tilespmem:s2], [sflag:$0x1] =	stream.linear.gather [hbm4b:s31+s2], $0x50, $0x38;
	[tilespmem:$0xEBD0] =	vst v63  }
0x15: {  	_ =	swait.ge [sflag:s9], $0x50  }
0x16: {  	[sflag:s9] =	ssyncset.done $0x0  }
0x17: {  	[sflag:s9] =	ssyncadd.s32 $0xFFFFFFB0  }
0x18: {  	[tilespmem:s10], [sflag:$0x1] =	stream.linear.gather [hbm4b:s6+s2], $0x2800, $0x38;
	[tilespmem:$0xEBD0] =	vst v63  }
0x19: {  	_ =	swait.ge [sflag:s9], $0x2800  }
0x1a: {  	[sflag:s9] =	ssyncset.done $0x0  }
0x1b: {  	[sflag:s9] =	ssyncadd.s32 $0xFFFFD800  }
0x1c: {  	[spmem:s1] =	stream.indirect.scatter.add.f32 [tilespmem:s10], [sflag:$0x1], $0x50, s2, s11, $0xb8;
	[tilespmem:$0xEBD0] =	vst v63  }
0x1d: {  	s14 =	simm.s32 $0xA;
	_ =	swait.ge [sflag:s9], $0x1900  }
0x1e: {  	s15 =	simm.s32 $0x14;
	s13 =	sadd.s32 $0x500, s6;
	[sflag:s9] =	ssyncset.done $0x0  }
.LBB2_2:
0x1f: {  	s16 =	sadd.s32 s14, s7  }
0x20: {  	[sflag:s9] =	ssyncadd.s32 $0xFFFFE700;
	s14 =	smov.u32 s15;
	s17 =	sadd.s32 $0xA, s15  }
0x21: {  	[tilespmem:s2], [sflag:$0x1] =	stream.linear.gather [hbm4b:s16+s2], $0x50, $0x38;
	[tilespmem:$0xEBD0] =	vst v63  }
0x22: {  	p1 =	sne.s32 s15, $0x4D8;
	_ =	swait.ge [sflag:s9], $0x50  }
0x23: {  	[sflag:s9] =	ssyncset.done $0x0  }
0x24: {  	[sflag:s9] =	ssyncadd.s32 $0xFFFFFFB0  }
0x25: {  	[tilespmem:s10], [sflag:$0x1] =	stream.linear.gather [hbm4b:s13+s2], $0x2800, $0x38;
	[tilespmem:$0xEBD0] =	vst v63  }
0x26: {  	_ =	swait.ge [sflag:s9], $0x2800  }
.Ltmp0:
0x27: {  	[sflag:s9] =	ssyncset.done $0x0;
	(pc) =	sbr.rel @p1 .LBB2_2-.Ltmp0, $4  }
0x28: {  	[sflag:s9] =	ssyncadd.s32 $0xFFFFD800  }
0x29: {  	[spmem:s1] =	stream.indirect.scatter.add.f32 [tilespmem:s10], [sflag:$0x1], $0x50, s2, s11, $0xb8;
	[tilespmem:$0xEBD0] =	vst v63  }
0x2a: {  	_ =	swait.ge [sflag:s9], $0x1900  }
0x2b: {  	s15 =	smov.u32 s17;
	s13 =	sadd.s32 $0x500, s13;
	[sflag:s9] =	ssyncset.done $0x0  }
0x2c: {  	s14 =	sadd.s32 s14, s7;
	[sflag:s9] =	ssyncadd.s32 $0xFFFFE700  }
0x2d: {  	[tilespmem:s2], [sflag:$0x1] =	stream.linear.gather [hbm4b:s14+s2], $0x50, $0x38;
	[tilespmem:$0xEBD0] =	vst v63  }
0x2e: {  	_ =	swait.ge [sflag:s9], $0x50  }
0x2f: {  	[sflag:s9] =	ssyncset.done $0x0  }
0x30: {  	[sflag:s9] =	ssyncadd.s32 $0xFFFFFFB0  }
0x31: {  	[tilespmem:s10], [sflag:$0x1] =	stream.linear.gather [hbm4b:s13+s2], $0x2800, $0x38;
	[tilespmem:$0xEBD0] =	vst v63  }
0x32: {  	_ =	swait.ge [sflag:s9], $0x2800  }
0x33: {  	[sflag:s9] =	ssyncset.done $0x0  }
0x34: {  	[sflag:s9] =	ssyncadd.s32 $0xFFFFD800  }
0x35: {  	[spmem:s1] =	stream.indirect.scatter.add.f32 [tilespmem:s10], [sflag:$0x1], $0x50, s2, s11, $0xb8;
	[tilespmem:$0xEBD0] =	vst v63  }
0x36: {  	_ =	swait.ge [sflag:s9], $0x1900  }
0x37: {  	[sflag:s9] =	ssyncset.done $0x0  }
0x38: {  	s12 =	sadd.s32 $0x1, s12;
	[sflag:s9] =	ssyncadd.s32 $0xFFFFE700  }
0x39: {  	p1 =	sne.s32 s12, s5;
	s13 =	simm.s32 @!p0 $0x1C01;
	[bflag:$0x0] =	sbarrier.arrive $0xFFFF  }
0x3a: {  	[hbm:s4], [sflag:s13] =	dma.local @!p0 [spmem:s8], $0x27100  }
.Ltmp1:
0x3b: {  	_ = 	snop;
	(pc) =	sbr.rel @p1 .LBB2_1-.Ltmp1, $4  }
0x3c: {  	s13 =	simm.s32 @!p0 $0x1  }
0x3d: {  	_ =	swait.ge @!p0 [sflag:s13], $0x27100  }
0x3e: {  	[sflag:s13] =	ssyncset.done @!p0 $0x0  }
0x3f: {  	[sflag:s13] =	ssyncadd.s32 @!p0 $0xFFFD8F00  }
0x40: {  	_ =	sfence.sel $0x180000  }
0x41: {  	[bflag:$0x0] =	sbarrier.arrive $0xFFFF  }
0x42: {  	_ =	strace $0x90000053  }
0x43: {  	s0 =	sadd.s32 @!p0 $0x100000, s0;
	[bflag:$0x2] =	sbarrier.arrive $0xFFFF  }
0x44: {  	[sflag:s0] =	ssyncadd.tile.s32 @!p0 $0x1;
	_ =	shalt  }
.Lfunc_end2:
_tile_overlayer_lowered:
.L_overlay_start_2:
0x45: {  	(tag) =	ssettag $0x2  }
0x46: {  	s0 =	rddreg [dreg:$0x0];
	s2 =	stileid.u32  }
0x47: {  	s1 =	rddreg [dreg:$0x1];
	p0 =	sne.s32 s2, $0x0  }
0x48: {  	s3 =	rddreg [dreg:$0x2];
	[bflag:$0x3] =	sbarrier.arrive $0xFFFF;
	s2 =	simm.s32 @!p0 $0x1C01  }
0x49: {  	[timem:s3], [sflag:s2] =	dma.local @!p0 [hbm:s0], s1  }
0x4a: {  	s0 =	simm.s32 @!p0 $0x1  }
0x4b: {  	_ =	swait.ge @!p0 [sflag:s0], s1  }
0x4c: {  	s1 =	ssub.s32 @!p0 $0x0, s1;
	[sflag:s0] =	ssyncset.done @!p0 $0x0  }
0x4d: {  	[sflag:s0] =	ssyncadd.s32 @!p0 s1  }
0x4e: {  	[bflag:$0x3] =	sbarrier.arrive $0xFFFF  }
0x4f: {  	_ =	shalt  }

</sc_bundles>
